<compile_context>
chip_gen: v7x
topology: tpu7x:2x2x1
jax: 0.10.2.dev20260603
libtpu: 0.0.44.dev20260713+nightly
codegen_flags: <defaults>
</compile_context>

<pallas_src>
import functools

import jax
import jax.numpy as jnp
from jax import lax
from jax.experimental import pallas as pl
from jax.experimental.pallas import tpu as pltpu
from jax.experimental.pallas import tpu_sc as plsc

N = 10000
NP = 10240
E = 320000
D_IN = 128
D_H = 128
D_OUT = 13
D_PAD = 16

NC = 2
NS = 16
NT = NC * NS
EPT = E // NT
K = 128
EPTP = 10240
CH = EPTP // K
CHH = CH // 2
RPT = NP // NS
GARB = NP - 1

BR = 1024

_mesh = plsc.VectorSubcoreMesh(core_axis_name="c", subcore_axis_name="s")


KE = 80
NCK = EPT // KE


@functools.partial(
    pl.kernel,
    out_type=jax.ShapeDtypeStruct((NC, NP, D_H), jnp.float32),
    mesh=_mesh,
    scratch_types=[
        pltpu.VMEM_SHARED((NP, D_H), jnp.float32),
        pltpu.VMEM((KE,), jnp.int32),
        pltpu.VMEM((KE,), jnp.int32),
        pltpu.VMEM((KE,), jnp.int32),
        pltpu.VMEM((KE,), jnp.int32),
        pltpu.VMEM((KE,), jnp.int32),
        pltpu.VMEM((KE,), jnp.int32),
        pltpu.VMEM((KE, D_H), jnp.float32),
        pltpu.VMEM((KE, D_H), jnp.float32),
        pltpu.VMEM((KE, D_H), jnp.float32),
        pltpu.SemaphoreType.DMA,
        pltpu.SemaphoreType.DMA,
        pltpu.SemaphoreType.DMA,
        pltpu.SemaphoreType.DMA,
        pltpu.SemaphoreType.DMA,
        pltpu.SemaphoreType.DMA,
        pltpu.SemaphoreType.DMA,
        pltpu.SemaphoreType.DMA,
        pltpu.SemaphoreType.DMA,
    ],
)
def _scatter_pass(y_hbm, src_hbm, dst_hbm, out_hbm, z_sh,
                  sb0, db0, sb1, db1, sb2, db2, rows0, rows1, rows2,
                  sis0, sid0, sis1, sid1, sis2, sid2, g0, g1, g2):
    cid = lax.axis_index("c")
    sid = lax.axis_index("s")
    ebase = (cid * NS + sid) * EPT

    zero16 = jnp.zeros((16,), jnp.float32)

    @pl.loop(0, KE)
    def _zrow(r):
        @pl.loop(0, D_H // 16)
        def _zcol(j):
            rows0[r, pl.ds(j * 16, 16)] = zero16

    @pl.loop(0, RPT // KE)
    def _zinit(k):
        pltpu.sync_copy(rows0, z_sh.at[pl.ds(sid * RPT + k * KE, KE)])

    def _idxload(c, sb, db, ss, sd):
        pltpu.async_copy(src_hbm.at[pl.ds(ebase + c * KE, KE)], sb, ss)
        pltpu.async_copy(dst_hbm.at[pl.ds(ebase + c * KE, KE)], db, sd)

    def _wait_idx(sb, db, ss, sd):
        pltpu.make_async_copy(src_hbm.at[pl.ds(0, KE)], sb, ss).wait()
        pltpu.make_async_copy(src_hbm.at[pl.ds(0, KE)], db, sd).wait()

    def _gather(sb, rows, sem):
        pltpu.async_copy(y_hbm.at[sb], rows, sem)

    def _drain(rows, sem):
        pltpu.make_async_copy(y_hbm.at[pl.ds(0, KE)], rows, sem).wait()

    def _scatter(db, rows):
        pltpu.sync_copy(rows, z_sh.at[db], add=True)

    _idxload(0, sb0, db0, sis0, sid0)
    _idxload(1, sb1, db1, sis1, sid1)
    _idxload(2, sb2, db2, sis2, sid2)
    _wait_idx(sb0, db0, sis0, sid0)
    _gather(sb0, rows0, g0)
    _wait_idx(sb1, db1, sis1, sid1)
    _gather(sb1, rows1, g1)

    plsc.subcore_barrier()

    @pl.loop(0, NCK - 4, step=3)
    def _chunk(c):
        _wait_idx(sb2, db2, sis2, sid2)
        _gather(sb2, rows2, g2)
        _drain(rows0, g0)
        _scatter(db0, rows0)
        _idxload(c + 3, sb0, db0, sis0, sid0)
        _drain(rows1, g1)
        _scatter(db1, rows1)
        _idxload(c + 4, sb1, db1, sis1, sid1)
        _wait_idx(sb0, db0, sis0, sid0)
        _gather(sb0, rows0, g0)
        _drain(rows2, g2)
        _scatter(db2, rows2)
        _idxload(jnp.minimum(c + 5, NCK - 1), sb2, db2, sis2, sid2)
        _wait_idx(sb1, db1, sis1, sid1)
        _gather(sb1, rows1, g1)

    _drain(rows0, g0)
    _scatter(db0, rows0)
    _drain(rows1, g1)
    _scatter(db1, rows1)
    _wait_idx(sb2, db2, sis2, sid2)

    plsc.subcore_barrier()
    pltpu.sync_copy(z_sh.at[pl.ds(sid * RPT, RPT)],
                    out_hbm.at[cid, pl.ds(sid * RPT, RPT)])


@functools.partial(
    pl.kernel,
    out_type=jax.ShapeDtypeStruct((NC, NP, D_H), jnp.float32),
    mesh=_mesh,
    scratch_types=[
        pltpu.VMEM_SHARED((NP, D_H), jnp.float32),
        pltpu.VMEM((CHH, K), jnp.int32),
        pltpu.VMEM((K, D_H), jnp.float32),
    ],
)
def _deg_pass(src_hbm, out_hbm, z_sh, src_t, ones_v):
    cid = lax.axis_index("c")
    sid = lax.axis_index("s")
    tid = cid * NS + sid

    zero16 = jnp.zeros((16,), jnp.float32)
    one16 = jnp.ones((16,), jnp.float32)

    @pl.loop(0, K)
    def _zrow(r):
        @pl.loop(0, D_H // 16)
        def _zcol(j):
            ones_v[r, pl.ds(j * 16, 16)] = zero16

    @pl.loop(0, RPT // K)
    def _zinit(k):
        pltpu.sync_copy(ones_v, z_sh.at[pl.ds(sid * RPT + k * K, K)])

    @pl.loop(0, K)
    def _orow(r):
        @pl.loop(0, D_H // 16)
        def _ocol(j):
            ones_v[r, pl.ds(j * 16, 16)] = one16

    plsc.subcore_barrier()

    for h in range(CH // CHH):
        pltpu.sync_copy(src_hbm.at[tid, pl.ds(h * CHH, CHH)], src_t)

        @pl.loop(0, CHH)
        def _chunk(c):
            pltpu.sync_copy(ones_v, z_sh.at[src_t.at[c]], add=True)

    plsc.subcore_barrier()
    pltpu.sync_copy(z_sh.at[pl.ds(sid * RPT, RPT)],
                    out_hbm.at[cid, pl.ds(sid * RPT, RPT)])


def _dot_t(a, w):
    return lax.dot_general(a, w, (((1,), (1,)), ((), ())),
                           preferred_element_type=jnp.float32)


def _tc_first(d0, d1, x, w, b):
    def body(d0_ref, d1_ref, x_ref, w_ref, b_ref, dinv_ref, y_ref):
        deg = 1.0 + d0_ref[:, 0:1] + d1_ref[:, 0:1]
        dinv = lax.rsqrt(deg)
        dinv_ref[...] = dinv
        y_ref[...] = dinv * (_dot_t(x_ref[...], w_ref[...]) + b_ref[...])

    return pl.pallas_call(
        body,
        grid=(NP // BR,),
        in_specs=[
            pl.BlockSpec((BR, D_H), lambda i: (i, 0)),
            pl.BlockSpec((BR, D_H), lambda i: (i, 0)),
            pl.BlockSpec((BR, D_IN), lambda i: (i, 0)),
            pl.BlockSpec((D_H, D_IN), lambda i: (0, 0)),
            pl.BlockSpec((1, D_H), lambda i: (0, 0)),
        ],
        out_specs=[
            pl.BlockSpec((BR, 1), lambda i: (i, 0)),
            pl.BlockSpec((BR, D_H), lambda i: (i, 0)),
        ],
        out_shape=[
            jax.ShapeDtypeStruct((NP, 1), jnp.float32),
            jax.ShapeDtypeStruct((NP, D_H), jnp.float32),
        ],
    )(d0, d1, x, w, b)


def _tc_mid(z0, z1, y_prev, dinv, w, b):
    def body(z0_ref, z1_ref, yp_ref, dinv_ref, w_ref, b_ref, y_ref):
        dinv = dinv_ref[...]
        h = jnp.maximum(dinv * (z0_ref[...] + z1_ref[...] + yp_ref[...]), 0.0)
        y_ref[...] = dinv * (_dot_t(h, w_ref[...]) + b_ref[...])

    return pl.pallas_call(
        body,
        grid=(NP // BR,),
        in_specs=[
            pl.BlockSpec((BR, D_H), lambda i: (i, 0)),
            pl.BlockSpec((BR, D_H), lambda i: (i, 0)),
            pl.BlockSpec((BR, D_H), lambda i: (i, 0)),
            pl.BlockSpec((BR, 1), lambda i: (i, 0)),
            pl.BlockSpec((D_H, D_H), lambda i: (0, 0)),
            pl.BlockSpec((1, D_H), lambda i: (0, 0)),
        ],
        out_specs=pl.BlockSpec((BR, D_H), lambda i: (i, 0)),
        out_shape=jax.ShapeDtypeStruct((NP, D_H), jnp.float32),
    )(z0, z1, y_prev, dinv, w, b)


def _tc_final(z0, z1, y_prev, dinv, r_pad):

    def body(z0_ref, z1_ref, yp_ref, dinv_ref, r_ref, out_ref):
        s = jax.nn.sigmoid(
            dinv_ref[...] * (z0_ref[...] + z1_ref[...] + yp_ref[...]))
        cols = []
        for i in range(D_PAD):
            ri = r_ref[i, :]
            cols.append(jnp.max(ri[None, :] * s, axis=1, keepdims=True))
        out_ref[...] = jnp.concatenate(cols, axis=1)

    return pl.pallas_call(
        body,
        grid=(NP // BR,),
        in_specs=[
            pl.BlockSpec((BR, D_H), lambda i: (i, 0)),
            pl.BlockSpec((BR, D_H), lambda i: (i, 0)),
            pl.BlockSpec((BR, D_H), lambda i: (i, 0)),
            pl.BlockSpec((BR, 1), lambda i: (i, 0)),
            pl.BlockSpec((D_PAD, D_H), lambda i: (0, 0)),
        ],
        out_specs=pl.BlockSpec((BR, D_PAD), lambda i: (i, 0)),
        out_shape=jax.ShapeDtypeStruct((NP, D_PAD), jnp.float32),
    )(z0, z1, y_prev, dinv, r_pad)


@jax.jit
def kernel(x, edge_index, W0, b0, W1, b1, W2, b2, R):
    xp = jnp.zeros((NP, D_IN), jnp.float32).at[:N].set(x)

    W2p = jnp.zeros((D_H, D_H), jnp.float32).at[:D_OUT].set(W2)
    b2p = jnp.zeros((D_H,), jnp.float32).at[:D_OUT].set(b2)
    Rp = jnp.zeros((D_PAD, D_H), jnp.float32).at[:D_OUT, :D_OUT].set(R)

    pad = ((0, 0), (0, EPTP - EPT))
    src_ids = jnp.pad(edge_index[0].reshape(NT, EPT), pad,
                      constant_values=GARB).reshape(NT, CH, K)
    dst_ids = jnp.pad(edge_index[1].reshape(NT, EPT), pad,
                      constant_values=GARB).reshape(NT, CH, K)
    src_flat = edge_index[0]
    dst_flat = edge_index[1]

    degp = _deg_pass(src_ids)
    dinv, y0 = _tc_first(degp[0], degp[1], xp, W0,
                         b0.reshape(1, D_H))
    z0 = _scatter_pass(y0, src_flat, dst_flat)
    y1 = _tc_mid(z0[0], z0[1], y0, dinv, W1, b1.reshape(1, D_H))
    z1 = _scatter_pass(y1, src_flat, dst_flat)
    y2 = _tc_mid(z1[0], z1[1], y1, dinv, W2p, b2p.reshape(1, D_H))
    z2 = _scatter_pass(y2, src_flat, dst_flat)
    out = _tc_final(z2[0], z2[1], y2, dinv, Rp)
    return out[:N, :D_OUT]

# --- scband reference (transcript-rebuilt; emitter-appended) ---
"""Pipeline reference for scband-hcfcgnn-34763465294566 (READ-ONLY COPY).

The authoritative reference and input builder live on the scoring server;
editing this copy changes nothing except your own understanding.
"""

import jax, jax.numpy as jnp
import numpy as np

N = 10000
E = 320000
D_IN = 128
D_H = 128
D_OUT = 13


def _xavier(k, shape):
    fan_out, fan_in = shape
    limit = float(np.sqrt(6.0 / (fan_in + fan_out)))
    return jax.random.uniform(k, shape, minval=-limit, maxval=limit, dtype=jnp.float32)


def setup_inputs(seed: int = 0) -> dict:
    key = jax.random.key(seed)
    ks = jax.random.split(key, 8)
    x = jax.random.normal(ks[0], (N, D_IN), dtype=jnp.float32)
    edge_index = jax.random.randint(ks[1], (2, E), 0, N, dtype=jnp.int32)
    W0 = _xavier(ks[2], (D_H, D_IN))
    b0 = jnp.zeros((D_H,), dtype=jnp.float32)
    W1 = _xavier(ks[3], (D_H, D_H))
    b1 = jnp.zeros((D_H,), dtype=jnp.float32)
    W2 = _xavier(ks[4], (D_OUT, D_H))
    b2 = jnp.zeros((D_OUT,), dtype=jnp.float32)
    R = jnp.eye(D_OUT, dtype=jnp.float32)
    return {"x": x, "edge_index": edge_index, "W0": W0, "b0": b0, "W1": W1, "b1": b1, "W2": W2, "b2": b2, "R": R}


def _gcn_layer(h_in, src, dst, W, b, n):
    # fc first (matches torch: x = self.fc(x) before propagate)
    h = h_in @ W.T + b
    # symmetric GCN normalization computed from self-looped edge list
    deg = jnp.zeros((n,), dtype=h.dtype).at[src].add(1.0)
    dinv = jnp.where(deg > 0, deg ** -0.5, 0.0)
    norm = dinv[src] * dinv[dst]
    msg = h[src] * norm[:, None]
    out = jnp.zeros((n, h.shape[1]), dtype=h.dtype).at[dst].add(msg)
    return out


def reference(x, edge_index, W0, b0, W1, b1, W2, b2, R):
    n = x.shape[0]
    loop = jnp.arange(n, dtype=edge_index.dtype)
    src = jnp.concatenate([edge_index[0], loop])
    dst = jnp.concatenate([edge_index[1], loop])
    h = _gcn_layer(x, src, dst, W0, b0, n)
    h = jax.nn.relu(h)  # dropout is identity in eval mode
    h = _gcn_layer(h, src, dst, W1, b1, n)
    h = jax.nn.relu(h)
    h = _gcn_layer(h, src, dst, W2, b2, n)
    h = jax.nn.sigmoid(h)
    # get_constr_out (eval-mode MCM hierarchy constraint):
    # final[b, i] = max_j R[i, j] * h[b, j]
    out = jnp.max(R[None, :, :] * h[:, None, :], axis=2)
    return out

if __name__ == "__main__":
    import jax
    _d = setup_inputs()
    print(jax.jit(kernel)(*tuple(_d.values())))

</pallas_src>

<mosaic_0001>
#map = affine_map<(d0, d1) -> (0, 0, 0)>
module attributes {stable_mosaic.version = 14 : i64} {
  func.func @_deg_pass(%arg0: i32, %arg1: i32, %arg2: memref<32x80x128xi32, #tpu.memory_space<hbm>>, %arg3: memref<2x10240x128xf32, #tpu.memory_space<hbm>>, %arg4: memref<10240x128xf32, #tpu.memory_space<vmem_shared>>, %arg5: memref<40x128xi32, #tpu.memory_space<vmem>>, %arg6: memref<128x128xf32, #tpu.memory_space<vmem>>) attributes {dimension_semantics = [#tpu.dimension_semantics<core_parallel>, #tpu.dimension_semantics<subcore_parallel>], iteration_bounds = array<i64: 2, 16>, scalar_prefetch = 0 : i64, scratch_operands = 3 : i64, tpu.core_type = #tpu.core_type<sc_vector_subcore>, window_params = [{transform_indices = #map}, {transform_indices = #map}]} {
    %mul3A = arith.constant 16 : i32
    %mul3A_0 = arith.muli %arg0, %mul3A : i32
    %add3A = arith.addi %mul3A_0, %arg1 : i32
    %broadcast_in_dim3A = arith.constant 0.000000e+00 : f32
    %broadcast_in_dim3A_1 = vector.broadcast %broadcast_in_dim3A : f32 to vector<16xf32>
    %broadcast_in_dim3A_2 = arith.constant 1.000000e+00 : f32
    %broadcast_in_dim3A_3 = vector.broadcast %broadcast_in_dim3A_2 : f32 to vector<16xf32>
    %scan3A = arith.constant 0 : i32
    %scan3A_4 = arith.constant 128 : i32
    %scan3A_5 = arith.addi %scan3A, %scan3A_4 : i32
    %scan3A_6 = arith.constant 1 : i32
    scf.for %scan3A_33 = %scan3A to %scan3A_5 step %scan3A_6  : i32 {
      %mul3A_34 = arith.constant 1 : i32
      %mul3A_35 = arith.muli %scan3A_33, %mul3A_34 : i32
      %add3A_36 = arith.constant 0 : i32
      %add3A_37 = arith.addi %add3A_36, %mul3A_35 : i32
      %scan3A_38 = arith.constant 0 : i32
      %scan3A_39 = arith.constant 8 : i32
      %scan3A_40 = arith.addi %scan3A_38, %scan3A_39 : i32
      %scan3A_41 = arith.constant 1 : i32
      scf.for %scan3A_43 = %scan3A_38 to %scan3A_40 step %scan3A_41  : i32 {
        %mul3A_44 = arith.constant 1 : i32
        %mul3A_45 = arith.muli %scan3A_43, %mul3A_44 : i32
        %add3A_46 = arith.constant 0 : i32
        %add3A_47 = arith.addi %add3A_46, %mul3A_45 : i32
        %mul3A_48 = arith.constant 16 : i32
        %mul3A_49 = arith.muli %add3A_47, %mul3A_48 : i32
        %swap3A = arith.index_cast %add3A_37 : i32 to index
        %swap3A_50 = arith.index_cast %mul3A_49 : i32 to index
        %swap3A_51 = tpu.vector_load %arg6[%swap3A, %swap3A_50] {strides = array<i32>} : memref<128x128xf32, #tpu.memory_space<vmem>>, vector<1x16xf32>,
        %swap3A_52 = vector.shape_cast %swap3A_51 : vector<1x16xf32> to vector<16xf32>
        %swap3A_53 = vector.shape_cast %broadcast_in_dim3A_1 : vector<16xf32> to vector<1x16xf32>
        tpu.vector_store %arg6[%swap3A, %swap3A_50], %swap3A_53 {strides = array<i32>} : memref<128x128xf32, #tpu.memory_space<vmem>>, vector<1x16xf32>,
      }
      %scan3A_42 = arith.constant 8 : i32
    }
    %scan3A_7 = arith.constant 128 : i32
    %scan3A_8 = arith.constant 0 : i32
    %scan3A_9 = arith.constant 5 : i32
    %scan3A_10 = arith.addi %scan3A_8, %scan3A_9 : i32
    %scan3A_11 = arith.constant 1 : i32
    scf.for %scan3A_33 = %scan3A_8 to %scan3A_10 step %scan3A_11  : i32 {
      %mul3A_34 = arith.constant 1 : i32
      %mul3A_35 = arith.muli %scan3A_33, %mul3A_34 : i32
      %add3A_36 = arith.constant 0 : i32
      %add3A_37 = arith.addi %add3A_36, %mul3A_35 : i32
      %mul3A_38 = arith.constant 640 : i32
      %mul3A_39 = arith.muli %arg1, %mul3A_38 : i32
      %mul3A_40 = arith.constant 128 : i32
      %mul3A_41 = arith.muli %add3A_37, %mul3A_40 : i32
      %add3A_42 = arith.addi %mul3A_39, %mul3A_41 : i32
      "tpu.region"() ({
        %run_scoped3A = tpu.sem_alloc : memref<!tpu.dma_semaphore, #tpu.memory_space<semaphore_mem>>
        %dma_start3A = arith.constant 0 : i32
        %dma_start3A_43 = tpu.memref_slice %arg4[%add3A_42, %dma_start3A] : memref<10240x128xf32, #tpu.memory_space<vmem_shared>> -> memref<128x128xf32, #tpu.memory_space<vmem_shared>>
        %dma_start3A_44 = arith.constant 0 : i32
        %dma_start3A_45 = tpu.memref_slice %arg4[%add3A_42, %dma_start3A_44] : memref<10240x128xf32, #tpu.memory_space<vmem_shared>> -> memref<128x128xf32, #tpu.memory_space<vmem_shared>>
        tpu.enqueue_dma source(%arg6 : memref<128x128xf32, #tpu.memory_space<vmem>>) target(%dma_start3A_45 : memref<128x128xf32, #tpu.memory_space<vmem_shared>>) target_semaphore(%run_scoped3A : memref<!tpu.dma_semaphore, #tpu.memory_space<semaphore_mem>>)
        %dma_wait3A = arith.constant 0 : i32
        %dma_wait3A_46 = tpu.memref_slice %arg4[%add3A_42, %dma_wait3A] : memref<10240x128xf32, #tpu.memory_space<vmem_shared>> -> memref<128x128xf32, #tpu.memory_space<vmem_shared>>
        %dma_wait3A_47 = arith.constant 0 : i32
        %dma_wait3A_48 = tpu.memref_slice %arg4[%add3A_42, %dma_wait3A_47] : memref<10240x128xf32, #tpu.memory_space<vmem_shared>> -> memref<128x128xf32, #tpu.memory_space<vmem_shared>>
        tpu.wait_dma2 semaphore(%run_scoped3A : memref<!tpu.dma_semaphore, #tpu.memory_space<semaphore_mem>>) src(%arg6 : memref<128x128xf32, #tpu.memory_space<vmem>>) dst(%dma_wait3A_48 : memref<128x128xf32, #tpu.memory_space<vmem_shared>>)
        tpu.yield
      }) : () -> ()
    }
    %scan3A_12 = arith.constant 5 : i32
    %scan3A_13 = arith.constant 0 : i32
    %scan3A_14 = arith.constant 128 : i32
    %scan3A_15 = arith.addi %scan3A_13, %scan3A_14 : i32
    %scan3A_16 = arith.constant 1 : i32
    scf.for %scan3A_33 = %scan3A_13 to %scan3A_15 step %scan3A_16  : i32 {
      %mul3A_34 = arith.constant 1 : i32
      %mul3A_35 = arith.muli %scan3A_33, %mul3A_34 : i32
      %add3A_36 = arith.constant 0 : i32
      %add3A_37 = arith.addi %add3A_36, %mul3A_35 : i32
      %scan3A_38 = arith.constant 0 : i32
      %scan3A_39 = arith.constant 8 : i32
      %scan3A_40 = arith.addi %scan3A_38, %scan3A_39 : i32
      %scan3A_41 = arith.constant 1 : i32
      scf.for %scan3A_43 = %scan3A_38 to %scan3A_40 step %scan3A_41  : i32 {
        %mul3A_44 = arith.constant 1 : i32
        %mul3A_45 = arith.muli %scan3A_43, %mul3A_44 : i32
        %add3A_46 = arith.constant 0 : i32
        %add3A_47 = arith.addi %add3A_46, %mul3A_45 : i32
        %mul3A_48 = arith.constant 16 : i32
        %mul3A_49 = arith.muli %add3A_47, %mul3A_48 : i32
        %swap3A = arith.index_cast %add3A_37 : i32 to index
        %swap3A_50 = arith.index_cast %mul3A_49 : i32 to index
        %swap3A_51 = tpu.vector_load %arg6[%swap3A, %swap3A_50] {strides = array<i32>} : memref<128x128xf32, #tpu.memory_space<vmem>>, vector<1x16xf32>,
        %swap3A_52 = vector.shape_cast %swap3A_51 : vector<1x16xf32> to vector<16xf32>
        %swap3A_53 = vector.shape_cast %broadcast_in_dim3A_3 : vector<16xf32> to vector<1x16xf32>
        tpu.vector_store %arg6[%swap3A, %swap3A_50], %swap3A_53 {strides = array<i32>} : memref<128x128xf32, #tpu.memory_space<vmem>>, vector<1x16xf32>,
      }
      %scan3A_42 = arith.constant 8 : i32
    }
    %scan3A_17 = arith.constant 128 : i32
    %barrier3A = arith.constant 0 : index
    tpu.barrier barrier_id(%barrier3A)
    "tpu.region"() ({
      %run_scoped3A = tpu.sem_alloc : memref<!tpu.dma_semaphore, #tpu.memory_space<semaphore_mem>>
      %dma_start3A = arith.constant 0 : i32
      %dma_start3A_33 = arith.constant 0 : i32
      %dma_start3A_34 = tpu.memref_slice %arg2[%add3A, %dma_start3A, %dma_start3A_33] : memref<32x80x128xi32, #tpu.memory_space<hbm>> -> memref<1x40x128xi32, #tpu.memory_space<hbm>>
      %dma_start3A_35 = tpu.memref_squeeze %dma_start3A_34 : memref<1x40x128xi32, #tpu.memory_space<hbm>> -> memref<40x128xi32, #tpu.memory_space<hbm>>
      %dma_start3A_36 = arith.constant 0 : i32
      %dma_start3A_37 = arith.constant 0 : i32
      %dma_start3A_38 = tpu.memref_slice %arg2[%add3A, %dma_start3A_36, %dma_start3A_37] : memref<32x80x128xi32, #tpu.memory_space<hbm>> -> memref<1x40x128xi32, #tpu.memory_space<hbm>>
      %dma_start3A_39 = tpu.memref_squeeze %dma_start3A_38 : memref<1x40x128xi32, #tpu.memory_space<hbm>> -> memref<40x128xi32, #tpu.memory_space<hbm>>
      tpu.enqueue_dma source(%dma_start3A_39 : memref<40x128xi32, #tpu.memory_space<hbm>>) target(%arg5 : memref<40x128xi32, #tpu.memory_space<vmem>>) target_semaphore(%run_scoped3A : memref<!tpu.dma_semaphore, #tpu.memory_space<semaphore_mem>>)
      %dma_wait3A = arith.constant 0 : i32
      %dma_wait3A_40 = arith.constant 0 : i32
      %dma_wait3A_41 = tpu.memref_slice %arg2[%add3A, %dma_wait3A, %dma_wait3A_40] : memref<32x80x128xi32, #tpu.memory_space<hbm>> -> memref<1x40x128xi32, #tpu.memory_space<hbm>>
      %dma_wait3A_42 = tpu.memref_squeeze %dma_wait3A_41 : memref<1x40x128xi32, #tpu.memory_space<hbm>> -> memref<40x128xi32, #tpu.memory_space<hbm>>
      %dma_wait3A_43 = arith.constant 0 : i32
      %dma_wait3A_44 = arith.constant 0 : i32
      %dma_wait3A_45 = tpu.memref_slice %arg2[%add3A, %dma_wait3A_43, %dma_wait3A_44] : memref<32x80x128xi32, #tpu.memory_space<hbm>> -> memref<1x40x128xi32, #tpu.memory_space<hbm>>
      %dma_wait3A_46 = tpu.memref_squeeze %dma_wait3A_45 : memref<1x40x128xi32, #tpu.memory_space<hbm>> -> memref<40x128xi32, #tpu.memory_space<hbm>>
      tpu.wait_dma2 semaphore(%run_scoped3A : memref<!tpu.dma_semaphore, #tpu.memory_space<semaphore_mem>>) src(%dma_wait3A_46 : memref<40x128xi32, #tpu.memory_space<hbm>>) dst(%arg5 : memref<40x128xi32, #tpu.memory_space<vmem>>)
      tpu.yield
    }) : () -> ()
    %scan3A_18 = arith.constant 0 : i32
    %scan3A_19 = arith.constant 40 : i32
    %scan3A_20 = arith.addi %scan3A_18, %scan3A_19 : i32
    %scan3A_21 = arith.constant 1 : i32
    scf.for %scan3A_33 = %scan3A_18 to %scan3A_20 step %scan3A_21  : i32 {
      %mul3A_34 = arith.constant 1 : i32
      %mul3A_35 = arith.muli %scan3A_33, %mul3A_34 : i32
      %add3A_36 = arith.constant 0 : i32
      %add3A_37 = arith.addi %add3A_36, %mul3A_35 : i32
      "tpu.region"() ({
        %run_scoped3A = tpu.sem_alloc : memref<!tpu.dma_semaphore, #tpu.memory_space<semaphore_mem>>
        %dma_start3A = arith.constant 0 : i32
        %dma_start3A_38 = tpu.memref_slice %arg5[%add3A_37, %dma_start3A] : memref<40x128xi32, #tpu.memory_space<vmem>> -> memref<1x128xi32, #tpu.memory_space<vmem>>
        %dma_start3A_39 = tpu.memref_squeeze %dma_start3A_38 : memref<1x128xi32, #tpu.memory_space<vmem>> -> memref<128xi32, #tpu.memory_space<vmem>>
        %dma_start3A_40 = arith.constant 0 : i32
        %dma_start3A_41 = arith.constant 0 : i32
        %dma_start3A_42 = tpu.memref_slice %arg4[%dma_start3A_40, %dma_start3A_41] : memref<10240x128xf32, #tpu.memory_space<vmem_shared>> -> memref<10240x128xf32, #tpu.memory_space<vmem_shared>>
        tpu.enqueue_indirect_dma source(%arg6 : memref<128x128xf32, #tpu.memory_space<vmem>>) target(%dma_start3A_42 : memref<10240x128xf32, #tpu.memory_space<vmem_shared>>) offsets(%dma_start3A_39 : memref<128xi32, #tpu.memory_space<vmem>>) semaphore(%run_scoped3A : memref<!tpu.dma_semaphore, #tpu.memory_space<semaphore_mem>>) {add = true}
        %dma_wait3A = arith.constant 0 : i32
        %dma_wait3A_43 = tpu.memref_slice %arg5[%add3A_37, %dma_wait3A] : memref<40x128xi32, #tpu.memory_space<vmem>> -> memref<1x128xi32, #tpu.memory_space<vmem>>
        %dma_wait3A_44 = tpu.memref_squeeze %dma_wait3A_43 : memref<1x128xi32, #tpu.memory_space<vmem>> -> memref<128xi32, #tpu.memory_space<vmem>>
        %dma_wait3A_45 = arith.constant 0 : i32
        %dma_wait3A_46 = arith.constant 0 : i32
        %dma_wait3A_47 = tpu.memref_slice %arg4[%dma_wait3A_45, %dma_wait3A_46] : memref<10240x128xf32, #tpu.memory_space<vmem_shared>> -> memref<10240x128xf32, #tpu.memory_space<vmem_shared>>
        tpu.wait_indirect_dma semaphore(%run_scoped3A : memref<!tpu.dma_semaphore, #tpu.memory_space<semaphore_mem>>) src(%arg6 : memref<128x128xf32, #tpu.memory_space<vmem>>) dst(%dma_wait3A_47 : memref<10240x128xf32, #tpu.memory_space<vmem_shared>>)
        tpu.yield
      }) : () -> ()
    }
    %scan3A_22 = arith.constant 40 : i32
    "tpu.region"() ({
      %run_scoped3A = tpu.sem_alloc : memref<!tpu.dma_semaphore, #tpu.memory_space<semaphore_mem>>
      %dma_start3A = arith.constant 40 : i32
      %dma_start3A_33 = arith.constant 0 : i32
      %dma_start3A_34 = tpu.memref_slice %arg2[%add3A, %dma_start3A, %dma_start3A_33] : memref<32x80x128xi32, #tpu.memory_space<hbm>> -> memref<1x40x128xi32, #tpu.memory_space<hbm>>
      %dma_start3A_35 = tpu.memref_squeeze %dma_start3A_34 : memref<1x40x128xi32, #tpu.memory_space<hbm>> -> memref<40x128xi32, #tpu.memory_space<hbm>>
      %dma_start3A_36 = arith.constant 40 : i32
      %dma_start3A_37 = arith.constant 0 : i32
      %dma_start3A_38 = tpu.memref_slice %arg2[%add3A, %dma_start3A_36, %dma_start3A_37] : memref<32x80x128xi32, #tpu.memory_space<hbm>> -> memref<1x40x128xi32, #tpu.memory_space<hbm>>
      %dma_start3A_39 = tpu.memref_squeeze %dma_start3A_38 : memref<1x40x128xi32, #tpu.memory_space<hbm>> -> memref<40x128xi32, #tpu.memory_space<hbm>>
      tpu.enqueue_dma source(%dma_start3A_39 : memref<40x128xi32, #tpu.memory_space<hbm>>) target(%arg5 : memref<40x128xi32, #tpu.memory_space<vmem>>) target_semaphore(%run_scoped3A : memref<!tpu.dma_semaphore, #tpu.memory_space<semaphore_mem>>)
      %dma_wait3A = arith.constant 40 : i32
      %dma_wait3A_40 = arith.constant 0 : i32
      %dma_wait3A_41 = tpu.memref_slice %arg2[%add3A, %dma_wait3A, %dma_wait3A_40] : memref<32x80x128xi32, #tpu.memory_space<hbm>> -> memref<1x40x128xi32, #tpu.memory_space<hbm>>
      %dma_wait3A_42 = tpu.memref_squeeze %dma_wait3A_41 : memref<1x40x128xi32, #tpu.memory_space<hbm>> -> memref<40x128xi32, #tpu.memory_space<hbm>>
      %dma_wait3A_43 = arith.constant 40 : i32
      %dma_wait3A_44 = arith.constant 0 : i32
      %dma_wait3A_45 = tpu.memref_slice %arg2[%add3A, %dma_wait3A_43, %dma_wait3A_44] : memref<32x80x128xi32, #tpu.memory_space<hbm>> -> memref<1x40x128xi32, #tpu.memory_space<hbm>>
      %dma_wait3A_46 = tpu.memref_squeeze %dma_wait3A_45 : memref<1x40x128xi32, #tpu.memory_space<hbm>> -> memref<40x128xi32, #tpu.memory_space<hbm>>
      tpu.wait_dma2 semaphore(%run_scoped3A : memref<!tpu.dma_semaphore, #tpu.memory_space<semaphore_mem>>) src(%dma_wait3A_46 : memref<40x128xi32, #tpu.memory_space<hbm>>) dst(%arg5 : memref<40x128xi32, #tpu.memory_space<vmem>>)
      tpu.yield
    }) : () -> ()
    %scan3A_23 = arith.constant 0 : i32
    %scan3A_24 = arith.constant 40 : i32
    %scan3A_25 = arith.addi %scan3A_23, %scan3A_24 : i32
    %scan3A_26 = arith.constant 1 : i32
    scf.for %scan3A_33 = %scan3A_23 to %scan3A_25 step %scan3A_26  : i32 {
      %mul3A_34 = arith.constant 1 : i32
      %mul3A_35 = arith.muli %scan3A_33, %mul3A_34 : i32
      %add3A_36 = arith.constant 0 : i32
      %add3A_37 = arith.addi %add3A_36, %mul3A_35 : i32
      "tpu.region"() ({
        %run_scoped3A = tpu.sem_alloc : memref<!tpu.dma_semaphore, #tpu.memory_space<semaphore_mem>>
        %dma_start3A = arith.constant 0 : i32
        %dma_start3A_38 = tpu.memref_slice %arg5[%add3A_37, %dma_start3A] : memref<40x128xi32, #tpu.memory_space<vmem>> -> memref<1x128xi32, #tpu.memory_space<vmem>>
        %dma_start3A_39 = tpu.memref_squeeze %dma_start3A_38 : memref<1x128xi32, #tpu.memory_space<vmem>> -> memref<128xi32, #tpu.memory_space<vmem>>
        %dma_start3A_40 = arith.constant 0 : i32
        %dma_start3A_41 = arith.constant 0 : i32
        %dma_start3A_42 = tpu.memref_slice %arg4[%dma_start3A_40, %dma_start3A_41] : memref<10240x128xf32, #tpu.memory_space<vmem_shared>> -> memref<10240x128xf32, #tpu.memory_space<vmem_shared>>
        tpu.enqueue_indirect_dma source(%arg6 : memref<128x128xf32, #tpu.memory_space<vmem>>) target(%dma_start3A_42 : memref<10240x128xf32, #tpu.memory_space<vmem_shared>>) offsets(%dma_start3A_39 : memref<128xi32, #tpu.memory_space<vmem>>) semaphore(%run_scoped3A : memref<!tpu.dma_semaphore, #tpu.memory_space<semaphore_mem>>) {add = true}
        %dma_wait3A = arith.constant 0 : i32
        %dma_wait3A_43 = tpu.memref_slice %arg5[%add3A_37, %dma_wait3A] : memref<40x128xi32, #tpu.memory_space<vmem>> -> memref<1x128xi32, #tpu.memory_space<vmem>>
        %dma_wait3A_44 = tpu.memref_squeeze %dma_wait3A_43 : memref<1x128xi32, #tpu.memory_space<vmem>> -> memref<128xi32, #tpu.memory_space<vmem>>
        %dma_wait3A_45 = arith.constant 0 : i32
        %dma_wait3A_46 = arith.constant 0 : i32
        %dma_wait3A_47 = tpu.memref_slice %arg4[%dma_wait3A_45, %dma_wait3A_46] : memref<10240x128xf32, #tpu.memory_space<vmem_shared>> -> memref<10240x128xf32, #tpu.memory_space<vmem_shared>>
        tpu.wait_indirect_dma semaphore(%run_scoped3A : memref<!tpu.dma_semaphore, #tpu.memory_space<semaphore_mem>>) src(%arg6 : memref<128x128xf32, #tpu.memory_space<vmem>>) dst(%dma_wait3A_47 : memref<10240x128xf32, #tpu.memory_space<vmem_shared>>)
        tpu.yield
      }) : () -> ()
    }
    %scan3A_27 = arith.constant 40 : i32
    %barrier3A_28 = arith.constant 0 : index
    tpu.barrier barrier_id(%barrier3A_28)
    %mul3A_29 = arith.constant 640 : i32
    %mul3A_30 = arith.muli %arg1, %mul3A_29 : i32
    %mul3A_31 = arith.constant 640 : i32
    %mul3A_32 = arith.muli %arg1, %mul3A_31 : i32
    "tpu.region"() ({
      %run_scoped3A = tpu.sem_alloc : memref<!tpu.dma_semaphore, #tpu.memory_space<semaphore_mem>>
      %dma_start3A = arith.constant 0 : i32
      %dma_start3A_33 = tpu.memref_slice %arg3[%arg0, %mul3A_32, %dma_start3A] : memref<2x10240x128xf32, #tpu.memory_space<hbm>> -> memref<1x640x128xf32, #tpu.memory_space<hbm>>
      %dma_start3A_34 = tpu.memref_squeeze %dma_start3A_33 : memref<1x640x128xf32, #tpu.memory_space<hbm>> -> memref<640x128xf32, #tpu.memory_space<hbm>>
      %dma_start3A_35 = arith.constant 0 : i32
      %dma_start3A_36 = tpu.memref_slice %arg4[%mul3A_30, %dma_start3A_35] : memref<10240x128xf32, #tpu.memory_space<vmem_shared>> -> memref<640x128xf32, #tpu.memory_space<vmem_shared>>
      tpu.enqueue_dma source(%dma_start3A_36 : memref<640x128xf32, #tpu.memory_space<vmem_shared>>) target(%dma_start3A_34 : memref<640x128xf32, #tpu.memory_space<hbm>>) target_semaphore(%run_scoped3A : memref<!tpu.dma_semaphore, #tpu.memory_space<semaphore_mem>>)
      %dma_wait3A = arith.constant 0 : i32
      %dma_wait3A_37 = tpu.memref_slice %arg3[%arg0, %mul3A_32, %dma_wait3A] : memref<2x10240x128xf32, #tpu.memory_space<hbm>> -> memref<1x640x128xf32, #tpu.memory_space<hbm>>
      %dma_wait3A_38 = tpu.memref_squeeze %dma_wait3A_37 : memref<1x640x128xf32, #tpu.memory_space<hbm>> -> memref<640x128xf32, #tpu.memory_space<hbm>>
      %dma_wait3A_39 = arith.constant 0 : i32
      %dma_wait3A_40 = tpu.memref_slice %arg4[%mul3A_30, %dma_wait3A_39] : memref<10240x128xf32, #tpu.memory_space<vmem_shared>> -> memref<640x128xf32, #tpu.memory_space<vmem_shared>>
      tpu.wait_dma2 semaphore(%run_scoped3A : memref<!tpu.dma_semaphore, #tpu.memory_space<semaphore_mem>>) src(%dma_wait3A_40 : memref<640x128xf32, #tpu.memory_space<vmem_shared>>) dst(%dma_wait3A_38 : memref<640x128xf32, #tpu.memory_space<hbm>>)
      tpu.yield
    }) : () -> ()
    return
  }
}

#map = affine_map<(d0, d1) -> (0, 0)>
#map1 = affine_map<(d0, d1) -> (0)>
#map2 = affine_map<(d0, d1) -> (0, 0, 0)>
module attributes {stable_mosaic.version = 14 : i64} {
  func.func @_scatter_pass(%arg0: i32, %arg1: i32, %arg2: memref<10240x128xf32, #tpu.memory_space<hbm>>, %arg3: memref<320000xi32, #tpu.memory_space<hbm>>, %arg4: memref<320000xi32, #tpu.memory_space<hbm>>, %arg5: memref<2x10240x128xf32, #tpu.memory_space<hbm>>, %arg6: memref<10240x128xf32, #tpu.memory_space<vmem_shared>>, %arg7: memref<80xi32, #tpu.memory_space<vmem>>, %arg8: memref<80xi32, #tpu.memory_space<vmem>>, %arg9: memref<80xi32, #tpu.memory_space<vmem>>, %arg10: memref<80xi32, #tpu.memory_space<vmem>>, %arg11: memref<80xi32, #tpu.memory_space<vmem>>, %arg12: memref<80xi32, #tpu.memory_space<vmem>>, %arg13: memref<80x128xf32, #tpu.memory_space<vmem>>, %arg14: memref<80x128xf32, #tpu.memory_space<vmem>>, %arg15: memref<80x128xf32, #tpu.memory_space<vmem>>, %arg16: memref<!tpu.dma_semaphore, #tpu.memory_space<semaphore_mem>>, %arg17: memref<!tpu.dma_semaphore, #tpu.memory_space<semaphore_mem>>, %arg18: memref<!tpu.dma_semaphore, #tpu.memory_space<semaphore_mem>>, %arg19: memref<!tpu.dma_semaphore, #tpu.memory_space<semaphore_mem>>, %arg20: memref<!tpu.dma_semaphore, #tpu.memory_space<semaphore_mem>>, %arg21: memref<!tpu.dma_semaphore, #tpu.memory_space<semaphore_mem>>, %arg22: memref<!tpu.dma_semaphore, #tpu.memory_space<semaphore_mem>>, %arg23: memref<!tpu.dma_semaphore, #tpu.memory_space<semaphore_mem>>, %arg24: memref<!tpu.dma_semaphore, #tpu.memory_space<semaphore_mem>>) attributes {dimension_semantics = [#tpu.dimension_semantics<core_parallel>, #tpu.dimension_semantics<subcore_parallel>], iteration_bounds = array<i64: 2, 16>, scalar_prefetch = 0 : i64, scratch_operands = 19 : i64, tpu.core_type = #tpu.core_type<sc_vector_subcore>, window_params = [{transform_indices = #map}, {transform_indices = #map1}, {transform_indices = #map1}, {transform_indices = #map2}]} {
    %mul3A = arith.constant 16 : i32
    %mul3A_0 = arith.muli %arg0, %mul3A : i32
    %add3A = arith.addi %mul3A_0, %arg1 : i32
    %mul3A_1 = arith.constant 10000 : i32
    %mul3A_2 = arith.muli %add3A, %mul3A_1 : i32
    %broadcast_in_dim3A = arith.constant 0.000000e+00 : f32
    %broadcast_in_dim3A_3 = vector.broadcast %broadcast_in_dim3A : f32 to vector<16xf32>
    %scan3A = arith.constant 0 : i32
    %scan3A_4 = arith.constant 80 : i32
    %scan3A_5 = arith.addi %scan3A, %scan3A_4 : i32
    %scan3A_6 = arith.constant 1 : i32
    scf.for %scan3A_87 = %scan3A to %scan3A_5 step %scan3A_6  : i32 {
      %mul3A_88 = arith.constant 1 : i32
      %mul3A_89 = arith.muli %scan3A_87, %mul3A_88 : i32
      %add3A_90 = arith.constant 0 : i32
      %add3A_91 = arith.addi %add3A_90, %mul3A_89 : i32
      %scan3A_92 = arith.constant 0 : i32
      %scan3A_93 = arith.constant 8 : i32
      %scan3A_94 = arith.addi %scan3A_92, %scan3A_93 : i32
      %scan3A_95 = arith.constant 1 : i32
      scf.for %scan3A_97 = %scan3A_92 to %scan3A_94 step %scan3A_95  : i32 {
        %mul3A_98 = arith.constant 1 : i32
        %mul3A_99 = arith.muli %scan3A_97, %mul3A_98 : i32
        %add3A_100 = arith.constant 0 : i32
        %add3A_101 = arith.addi %add3A_100, %mul3A_99 : i32
        %mul3A_102 = arith.constant 16 : i32
        %mul3A_103 = arith.muli %add3A_101, %mul3A_102 : i32
        %swap3A = arith.index_cast %add3A_91 : i32 to index
        %swap3A_104 = arith.index_cast %mul3A_103 : i32 to index
        %swap3A_105 = tpu.vector_load %arg13[%swap3A, %swap3A_104] {strides = array<i32>} : memref<80x128xf32, #tpu.memory_space<vmem>>, vector<1x16xf32>,
        %swap3A_106 = vector.shape_cast %swap3A_105 : vector<1x16xf32> to vector<16xf32>
        %swap3A_107 = vector.shape_cast %broadcast_in_dim3A_3 : vector<16xf32> to vector<1x16xf32>
        tpu.vector_store %arg13[%swap3A, %swap3A_104], %swap3A_107 {strides = array<i32>} : memref<80x128xf32, #tpu.memory_space<vmem>>, vector<1x16xf32>,
      }
      %scan3A_96 = arith.constant 8 : i32
    }
    %scan3A_7 = arith.constant 80 : i32
    %scan3A_8 = arith.constant 0 : i32
    %scan3A_9 = arith.constant 8 : i32
    %scan3A_10 = arith.addi %scan3A_8, %scan3A_9 : i32
    %scan3A_11 = arith.constant 1 : i32
    scf.for %scan3A_87 = %scan3A_8 to %scan3A_10 step %scan3A_11  : i32 {
      %mul3A_88 = arith.constant 1 : i32
      %mul3A_89 = arith.muli %scan3A_87, %mul3A_88 : i32
      %add3A_90 = arith.constant 0 : i32
      %add3A_91 = arith.addi %add3A_90, %mul3A_89 : i32
      %mul3A_92 = arith.constant 640 : i32
      %mul3A_93 = arith.muli %arg1, %mul3A_92 : i32
      %mul3A_94 = arith.constant 80 : i32
      %mul3A_95 = arith.muli %add3A_91, %mul3A_94 : i32
      %add3A_96 = arith.addi %mul3A_93, %mul3A_95 : i32
      "tpu.region"() ({
        %run_scoped3A = tpu.sem_alloc : memref<!tpu.dma_semaphore, #tpu.memory_space<semaphore_mem>>
        %dma_start3A_97 = arith.constant 0 : i32
        %dma_start3A_98 = tpu.memref_slice %arg6[%add3A_96, %dma_start3A_97] : memref<10240x128xf32, #tpu.memory_space<vmem_shared>> -> memref<80x128xf32, #tpu.memory_space<vmem_shared>>
        %dma_start3A_99 = arith.constant 0 : i32
        %dma_start3A_100 = tpu.memref_slice %arg6[%add3A_96, %dma_start3A_99] : memref<10240x128xf32, #tpu.memory_space<vmem_shared>> -> memref<80x128xf32, #tpu.memory_space<vmem_shared>>
        tpu.enqueue_dma source(%arg13 : memref<80x128xf32, #tpu.memory_space<vmem>>) target(%dma_start3A_100 : memref<80x128xf32, #tpu.memory_space<vmem_shared>>) target_semaphore(%run_scoped3A : memref<!tpu.dma_semaphore, #tpu.memory_space<semaphore_mem>>)
        %dma_wait3A_101 = arith.constant 0 : i32
        %dma_wait3A_102 = tpu.memref_slice %arg6[%add3A_96, %dma_wait3A_101] : memref<10240x128xf32, #tpu.memory_space<vmem_shared>> -> memref<80x128xf32, #tpu.memory_space<vmem_shared>>
        %dma_wait3A_103 = arith.constant 0 : i32
        %dma_wait3A_104 = tpu.memref_slice %arg6[%add3A_96, %dma_wait3A_103] : memref<10240x128xf32, #tpu.memory_space<vmem_shared>> -> memref<80x128xf32, #tpu.memory_space<vmem_shared>>
        tpu.wait_dma2 semaphore(%run_scoped3A : memref<!tpu.dma_semaphore, #tpu.memory_space<semaphore_mem>>) src(%arg13 : memref<80x128xf32, #tpu.memory_space<vmem>>) dst(%dma_wait3A_104 : memref<80x128xf32, #tpu.memory_space<vmem_shared>>)
        tpu.yield
      }) : () -> ()
    }
    %scan3A_12 = arith.constant 8 : i32
    %add3A_13 = arith.constant 0 : i32
    %add3A_14 = arith.addi %mul3A_2, %add3A_13 : i32
    %dma_start3A = tpu.memref_slice %arg3[%add3A_14] : memref<320000xi32, #tpu.memory_space<hbm>> -> memref<80xi32, #tpu.memory_space<hbm>>
    %dma_start3A_15 = tpu.memref_slice %arg3[%add3A_14] : memref<320000xi32, #tpu.memory_space<hbm>> -> memref<80xi32, #tpu.memory_space<hbm>>
    tpu.enqueue_dma source(%dma_start3A_15 : memref<80xi32, #tpu.memory_space<hbm>>) target(%arg7 : memref<80xi32, #tpu.memory_space<vmem>>) target_semaphore(%arg16 : memref<!tpu.dma_semaphore, #tpu.memory_space<semaphore_mem>>)
    %add3A_16 = arith.constant 0 : i32
    %add3A_17 = arith.addi %mul3A_2, %add3A_16 : i32
    %dma_start3A_18 = tpu.memref_slice %arg4[%add3A_17] : memref<320000xi32, #tpu.memory_space<hbm>> -> memref<80xi32, #tpu.memory_space<hbm>>
    %dma_start3A_19 = tpu.memref_slice %arg4[%add3A_17] : memref<320000xi32, #tpu.memory_space<hbm>> -> memref<80xi32, #tpu.memory_space<hbm>>
    tpu.enqueue_dma source(%dma_start3A_19 : memref<80xi32, #tpu.memory_space<hbm>>) target(%arg8 : memref<80xi32, #tpu.memory_space<vmem>>) target_semaphore(%arg17 : memref<!tpu.dma_semaphore, #tpu.memory_space<semaphore_mem>>)
    %add3A_20 = arith.constant 80 : i32
    %add3A_21 = arith.addi %mul3A_2, %add3A_20 : i32
    %dma_start3A_22 = tpu.memref_slice %arg3[%add3A_21] : memref<320000xi32, #tpu.memory_space<hbm>> -> memref<80xi32, #tpu.memory_space<hbm>>
    %dma_start3A_23 = tpu.memref_slice %arg3[%add3A_21] : memref<320000xi32, #tpu.memory_space<hbm>> -> memref<80xi32, #tpu.memory_space<hbm>>
    tpu.enqueue_dma source(%dma_start3A_23 : memref<80xi32, #tpu.memory_space<hbm>>) target(%arg9 : memref<80xi32, #tpu.memory_space<vmem>>) target_semaphore(%arg18 : memref<!tpu.dma_semaphore, #tpu.memory_space<semaphore_mem>>)
    %add3A_24 = arith.constant 80 : i32
    %add3A_25 = arith.addi %mul3A_2, %add3A_24 : i32
    %dma_start3A_26 = tpu.memref_slice %arg4[%add3A_25] : memref<320000xi32, #tpu.memory_space<hbm>> -> memref<80xi32, #tpu.memory_space<hbm>>
    %dma_start3A_27 = tpu.memref_slice %arg4[%add3A_25] : memref<320000xi32, #tpu.memory_space<hbm>> -> memref<80xi32, #tpu.memory_space<hbm>>
    tpu.enqueue_dma source(%dma_start3A_27 : memref<80xi32, #tpu.memory_space<hbm>>) target(%arg10 : memref<80xi32, #tpu.memory_space<vmem>>) target_semaphore(%arg19 : memref<!tpu.dma_semaphore, #tpu.memory_space<semaphore_mem>>)
    %add3A_28 = arith.constant 160 : i32
    %add3A_29 = arith.addi %mul3A_2, %add3A_28 : i32
    %dma_start3A_30 = tpu.memref_slice %arg3[%add3A_29] : memref<320000xi32, #tpu.memory_space<hbm>> -> memref<80xi32, #tpu.memory_space<hbm>>
    %dma_start3A_31 = tpu.memref_slice %arg3[%add3A_29] : memref<320000xi32, #tpu.memory_space<hbm>> -> memref<80xi32, #tpu.memory_space<hbm>>
    tpu.enqueue_dma source(%dma_start3A_31 : memref<80xi32, #tpu.memory_space<hbm>>) target(%arg11 : memref<80xi32, #tpu.memory_space<vmem>>) target_semaphore(%arg20 : memref<!tpu.dma_semaphore, #tpu.memory_space<semaphore_mem>>)
    %add3A_32 = arith.constant 160 : i32
    %add3A_33 = arith.addi %mul3A_2, %add3A_32 : i32
    %dma_start3A_34 = tpu.memref_slice %arg4[%add3A_33] : memref<320000xi32, #tpu.memory_space<hbm>> -> memref<80xi32, #tpu.memory_space<hbm>>
    %dma_start3A_35 = tpu.memref_slice %arg4[%add3A_33] : memref<320000xi32, #tpu.memory_space<hbm>> -> memref<80xi32, #tpu.memory_space<hbm>>
    tpu.enqueue_dma source(%dma_start3A_35 : memref<80xi32, #tpu.memory_space<hbm>>) target(%arg12 : memref<80xi32, #tpu.memory_space<vmem>>) target_semaphore(%arg21 : memref<!tpu.dma_semaphore, #tpu.memory_space<semaphore_mem>>)
    %dma_wait3A = arith.constant 0 : i32
    %dma_wait3A_36 = tpu.memref_slice %arg3[%dma_wait3A] : memref<320000xi32, #tpu.memory_space<hbm>> -> memref<80xi32, #tpu.memory_space<hbm>>
    %dma_wait3A_37 = arith.constant 0 : i32
    %dma_wait3A_38 = tpu.memref_slice %arg3[%dma_wait3A_37] : memref<320000xi32, #tpu.memory_space<hbm>> -> memref<80xi32, #tpu.memory_space<hbm>>
    tpu.wait_dma2 semaphore(%arg16 : memref<!tpu.dma_semaphore, #tpu.memory_space<semaphore_mem>>) src(%dma_wait3A_38 : memref<80xi32, #tpu.memory_space<hbm>>) dst(%arg7 : memref<80xi32, #tpu.memory_space<vmem>>)
    %dma_wait3A_39 = arith.constant 0 : i32
    %dma_wait3A_40 = tpu.memref_slice %arg3[%dma_wait3A_39] : memref<320000xi32, #tpu.memory_space<hbm>> -> memref<80xi32, #tpu.memory_space<hbm>>
    %dma_wait3A_41 = arith.constant 0 : i32
    %dma_wait3A_42 = tpu.memref_slice %arg3[%dma_wait3A_41] : memref<320000xi32, #tpu.memory_space<hbm>> -> memref<80xi32, #tpu.memory_space<hbm>>
    tpu.wait_dma2 semaphore(%arg17 : memref<!tpu.dma_semaphore, #tpu.memory_space<semaphore_mem>>) src(%dma_wait3A_42 : memref<80xi32, #tpu.memory_space<hbm>>) dst(%arg8 : memref<80xi32, #tpu.memory_space<vmem>>)
    %dma_start3A_43 = arith.constant 0 : i32
    %dma_start3A_44 = arith.constant 0 : i32
    %dma_start3A_45 = tpu.memref_slice %arg2[%dma_start3A_43, %dma_start3A_44] : memref<10240x128xf32, #tpu.memory_space<hbm>> -> memref<10240x128xf32, #tpu.memory_space<hbm>>
    tpu.enqueue_indirect_dma source(%dma_start3A_45 : memref<10240x128xf32, #tpu.memory_space<hbm>>) target(%arg13 : memref<80x128xf32, #tpu.memory_space<vmem>>) offsets(%arg7 : memref<80xi32, #tpu.memory_space<vmem>>) semaphore(%arg22 : memref<!tpu.dma_semaphore, #tpu.memory_space<semaphore_mem>>)
    %dma_wait3A_46 = arith.constant 0 : i32
    %dma_wait3A_47 = tpu.memref_slice %arg3[%dma_wait3A_46] : memref<320000xi32, #tpu.memory_space<hbm>> -> memref<80xi32, #tpu.memory_space<hbm>>
    %dma_wait3A_48 = arith.constant 0 : i32
    %dma_wait3A_49 = tpu.memref_slice %arg3[%dma_wait3A_48] : memref<320000xi32, #tpu.memory_space<hbm>> -> memref<80xi32, #tpu.memory_space<hbm>>
    tpu.wait_dma2 semaphore(%arg18 : memref<!tpu.dma_semaphore, #tpu.memory_space<semaphore_mem>>) src(%dma_wait3A_49 : memref<80xi32, #tpu.memory_space<hbm>>) dst(%arg9 : memref<80xi32, #tpu.memory_space<vmem>>)
    %dma_wait3A_50 = arith.constant 0 : i32
    %dma_wait3A_51 = tpu.memref_slice %arg3[%dma_wait3A_50] : memref<320000xi32, #tpu.memory_space<hbm>> -> memref<80xi32, #tpu.memory_space<hbm>>
    %dma_wait3A_52 = arith.constant 0 : i32
    %dma_wait3A_53 = tpu.memref_slice %arg3[%dma_wait3A_52] : memref<320000xi32, #tpu.memory_space<hbm>> -> memref<80xi32, #tpu.memory_space<hbm>>
    tpu.wait_dma2 semaphore(%arg19 : memref<!tpu.dma_semaphore, #tpu.memory_space<semaphore_mem>>) src(%dma_wait3A_53 : memref<80xi32, #tpu.memory_space<hbm>>) dst(%arg10 : memref<80xi32, #tpu.memory_space<vmem>>)
    %dma_start3A_54 = arith.constant 0 : i32
    %dma_start3A_55 = arith.constant 0 : i32
    %dma_start3A_56 = tpu.memref_slice %arg2[%dma_start3A_54, %dma_start3A_55] : memref<10240x128xf32, #tpu.memory_space<hbm>> -> memref<10240x128xf32, #tpu.memory_space<hbm>>
    tpu.enqueue_indirect_dma source(%dma_start3A_56 : memref<10240x128xf32, #tpu.memory_space<hbm>>) target(%arg14 : memref<80x128xf32, #tpu.memory_space<vmem>>) offsets(%arg9 : memref<80xi32, #tpu.memory_space<vmem>>) semaphore(%arg23 : memref<!tpu.dma_semaphore, #tpu.memory_space<semaphore_mem>>)
    %barrier3A = arith.constant 0 : index
    tpu.barrier barrier_id(%barrier3A)
    %scan3A_57 = arith.constant 0 : i32
    %scan3A_58 = arith.constant 41 : i32
    %scan3A_59 = arith.addi %scan3A_57, %scan3A_58 : i32
    %scan3A_60 = arith.constant 1 : i32
    scf.for %scan3A_87 = %scan3A_57 to %scan3A_59 step %scan3A_60  : i32 {
      %mul3A_88 = arith.constant 3 : i32
      %mul3A_89 = arith.muli %scan3A_87, %mul3A_88 : i32
      %add3A_90 = arith.constant 0 : i32
      %add3A_91 = arith.addi %add3A_90, %mul3A_89 : i32
      %dma_wait3A_92 = arith.constant 0 : i32
      %dma_wait3A_93 = tpu.memref_slice %arg3[%dma_wait3A_92] : memref<320000xi32, #tpu.memory_space<hbm>> -> memref<80xi32, #tpu.memory_space<hbm>>
      %dma_wait3A_94 = arith.constant 0 : i32
      %dma_wait3A_95 = tpu.memref_slice %arg3[%dma_wait3A_94] : memref<320000xi32, #tpu.memory_space<hbm>> -> memref<80xi32, #tpu.memory_space<hbm>>
      tpu.wait_dma2 semaphore(%arg20 : memref<!tpu.dma_semaphore, #tpu.memory_space<semaphore_mem>>) src(%dma_wait3A_95 : memref<80xi32, #tpu.memory_space<hbm>>) dst(%arg11 : memref<80xi32, #tpu.memory_space<vmem>>)
      %dma_wait3A_96 = arith.constant 0 : i32
      %dma_wait3A_97 = tpu.memref_slice %arg3[%dma_wait3A_96] : memref<320000xi32, #tpu.memory_space<hbm>> -> memref<80xi32, #tpu.memory_space<hbm>>
      %dma_wait3A_98 = arith.constant 0 : i32
      %dma_wait3A_99 = tpu.memref_slice %arg3[%dma_wait3A_98] : memref<320000xi32, #tpu.memory_space<hbm>> -> memref<80xi32, #tpu.memory_space<hbm>>
      tpu.wait_dma2 semaphore(%arg21 : memref<!tpu.dma_semaphore, #tpu.memory_space<semaphore_mem>>) src(%dma_wait3A_99 : memref<80xi32, #tpu.memory_space<hbm>>) dst(%arg12 : memref<80xi32, #tpu.memory_space<vmem>>)
      %dma_start3A_100 = arith.constant 0 : i32
      %dma_start3A_101 = arith.constant 0 : i32
      %dma_start3A_102 = tpu.memref_slice %arg2[%dma_start3A_100, %dma_start3A_101] : memref<10240x128xf32, #tpu.memory_space<hbm>> -> memref<10240x128xf32, #tpu.memory_space<hbm>>
      tpu.enqueue_indirect_dma source(%dma_start3A_102 : memref<10240x128xf32, #tpu.memory_space<hbm>>) target(%arg15 : memref<80x128xf32, #tpu.memory_space<vmem>>) offsets(%arg11 : memref<80xi32, #tpu.memory_space<vmem>>) semaphore(%arg24 : memref<!tpu.dma_semaphore, #tpu.memory_space<semaphore_mem>>)
      %dma_wait3A_103 = arith.constant 0 : i32
      %dma_wait3A_104 = arith.constant 0 : i32
      %dma_wait3A_105 = tpu.memref_slice %arg2[%dma_wait3A_103, %dma_wait3A_104] : memref<10240x128xf32, #tpu.memory_space<hbm>> -> memref<80x128xf32, #tpu.memory_space<hbm>>
      %dma_wait3A_106 = arith.constant 0 : i32
      %dma_wait3A_107 = arith.constant 0 : i32
      %dma_wait3A_108 = tpu.memref_slice %arg2[%dma_wait3A_106, %dma_wait3A_107] : memref<10240x128xf32, #tpu.memory_space<hbm>> -> memref<80x128xf32, #tpu.memory_space<hbm>>
      tpu.wait_dma2 semaphore(%arg22 : memref<!tpu.dma_semaphore, #tpu.memory_space<semaphore_mem>>) src(%dma_wait3A_108 : memref<80x128xf32, #tpu.memory_space<hbm>>) dst(%arg13 : memref<80x128xf32, #tpu.memory_space<vmem>>)
      "tpu.region"() ({
        %run_scoped3A = tpu.sem_alloc : memref<!tpu.dma_semaphore, #tpu.memory_space<semaphore_mem>>
        %dma_start3A_180 = arith.constant 0 : i32
        %dma_start3A_181 = arith.constant 0 : i32
        %dma_start3A_182 = tpu.memref_slice %arg6[%dma_start3A_180, %dma_start3A_181] : memref<10240x128xf32, #tpu.memory_space<vmem_shared>> -> memref<10240x128xf32, #tpu.memory_space<vmem_shared>>
        tpu.enqueue_indirect_dma source(%arg13 : memref<80x128xf32, #tpu.memory_space<vmem>>) target(%dma_start3A_182 : memref<10240x128xf32, #tpu.memory_space<vmem_shared>>) offsets(%arg8 : memref<80xi32, #tpu.memory_space<vmem>>) semaphore(%run_scoped3A : memref<!tpu.dma_semaphore, #tpu.memory_space<semaphore_mem>>) {add = true}
        %dma_wait3A_183 = arith.constant 0 : i32
        %dma_wait3A_184 = arith.constant 0 : i32
        %dma_wait3A_185 = tpu.memref_slice %arg6[%dma_wait3A_183, %dma_wait3A_184] : memref<10240x128xf32, #tpu.memory_space<vmem_shared>> -> memref<10240x128xf32, #tpu.memory_space<vmem_shared>>
        tpu.wait_indirect_dma semaphore(%run_scoped3A : memref<!tpu.dma_semaphore, #tpu.memory_space<semaphore_mem>>) src(%arg13 : memref<80x128xf32, #tpu.memory_space<vmem>>) dst(%dma_wait3A_185 : memref<10240x128xf32, #tpu.memory_space<vmem_shared>>)
        tpu.yield
      }) : () -> ()
      %add3A_109 = arith.constant 3 : i32
      %add3A_110 = arith.addi %add3A_91, %add3A_109 : i32
      %mul3A_111 = arith.constant 80 : i32
      %mul3A_112 = arith.muli %add3A_110, %mul3A_111 : i32
      %add3A_113 = arith.addi %mul3A_2, %mul3A_112 : i32
      %dma_start3A_114 = tpu.memref_slice %arg3[%add3A_113] : memref<320000xi32, #tpu.memory_space<hbm>> -> memref<80xi32, #tpu.memory_space<hbm>>
      %dma_start3A_115 = tpu.memref_slice %arg3[%add3A_113] : memref<320000xi32, #tpu.memory_space<hbm>> -> memref<80xi32, #tpu.memory_space<hbm>>
      tpu.enqueue_dma source(%dma_start3A_115 : memref<80xi32, #tpu.memory_space<hbm>>) target(%arg7 : memref<80xi32, #tpu.memory_space<vmem>>) target_semaphore(%arg16 : memref<!tpu.dma_semaphore, #tpu.memory_space<semaphore_mem>>)
      %mul3A_116 = arith.constant 80 : i32
      %mul3A_117 = arith.muli %add3A_110, %mul3A_116 : i32
      %add3A_118 = arith.addi %mul3A_2, %mul3A_117 : i32
      %dma_start3A_119 = tpu.memref_slice %arg4[%add3A_118] : memref<320000xi32, #tpu.memory_space<hbm>> -> memref<80xi32, #tpu.memory_space<hbm>>
      %dma_start3A_120 = tpu.memref_slice %arg4[%add3A_118] : memref<320000xi32, #tpu.memory_space<hbm>> -> memref<80xi32, #tpu.memory_space<hbm>>
      tpu.enqueue_dma source(%dma_start3A_120 : memref<80xi32, #tpu.memory_space<hbm>>) target(%arg8 : memref<80xi32, #tpu.memory_space<vmem>>) target_semaphore(%arg17 : memref<!tpu.dma_semaphore, #tpu.memory_space<semaphore_mem>>)
      %dma_wait3A_121 = arith.constant 0 : i32
      %dma_wait3A_122 = arith.constant 0 : i32
      %dma_wait3A_123 = tpu.memref_slice %arg2[%dma_wait3A_121, %dma_wait3A_122] : memref<10240x128xf32, #tpu.memory_space<hbm>> -> memref<80x128xf32, #tpu.memory_space<hbm>>
      %dma_wait3A_124 = arith.constant 0 : i32
      %dma_wait3A_125 = arith.constant 0 : i32
      %dma_wait3A_126 = tpu.memref_slice %arg2[%dma_wait3A_124, %dma_wait3A_125] : memref<10240x128xf32, #tpu.memory_space<hbm>> -> memref<80x128xf32, #tpu.memory_space<hbm>>
      tpu.wait_dma2 semaphore(%arg23 : memref<!tpu.dma_semaphore, #tpu.memory_space<semaphore_mem>>) src(%dma_wait3A_126 : memref<80x128xf32, #tpu.memory_space<hbm>>) dst(%arg14 : memref<80x128xf32, #tpu.memory_space<vmem>>)
      "tpu.region"() ({
        %run_scoped3A = tpu.sem_alloc : memref<!tpu.dma_semaphore, #tpu.memory_space<semaphore_mem>>
        %dma_start3A_180 = arith.constant 0 : i32
        %dma_start3A_181 = arith.constant 0 : i32
        %dma_start3A_182 = tpu.memref_slice %arg6[%dma_start3A_180, %dma_start3A_181] : memref<10240x128xf32, #tpu.memory_space<vmem_shared>> -> memref<10240x128xf32, #tpu.memory_space<vmem_shared>>
        tpu.enqueue_indirect_dma source(%arg14 : memref<80x128xf32, #tpu.memory_space<vmem>>) target(%dma_start3A_182 : memref<10240x128xf32, #tpu.memory_space<vmem_shared>>) offsets(%arg10 : memref<80xi32, #tpu.memory_space<vmem>>) semaphore(%run_scoped3A : memref<!tpu.dma_semaphore, #tpu.memory_space<semaphore_mem>>) {add = true}
        %dma_wait3A_183 = arith.constant 0 : i32
        %dma_wait3A_184 = arith.constant 0 : i32
        %dma_wait3A_185 = tpu.memref_slice %arg6[%dma_wait3A_183, %dma_wait3A_184] : memref<10240x128xf32, #tpu.memory_space<vmem_shared>> -> memref<10240x128xf32, #tpu.memory_space<vmem_shared>>
        tpu.wait_indirect_dma semaphore(%run_scoped3A : memref<!tpu.dma_semaphore, #tpu.memory_space<semaphore_mem>>) src(%arg14 : memref<80x128xf32, #tpu.memory_space<vmem>>) dst(%dma_wait3A_185 : memref<10240x128xf32, #tpu.memory_space<vmem_shared>>)
        tpu.yield
      }) : () -> ()
      %add3A_127 = arith.constant 4 : i32
      %add3A_128 = arith.addi %add3A_91, %add3A_127 : i32
      %mul3A_129 = arith.constant 80 : i32
      %mul3A_130 = arith.muli %add3A_128, %mul3A_129 : i32
      %add3A_131 = arith.addi %mul3A_2, %mul3A_130 : i32
      %dma_start3A_132 = tpu.memref_slice %arg3[%add3A_131] : memref<320000xi32, #tpu.memory_space<hbm>> -> memref<80xi32, #tpu.memory_space<hbm>>
      %dma_start3A_133 = tpu.memref_slice %arg3[%add3A_131] : memref<320000xi32, #tpu.memory_space<hbm>> -> memref<80xi32, #tpu.memory_space<hbm>>
      tpu.enqueue_dma source(%dma_start3A_133 : memref<80xi32, #tpu.memory_space<hbm>>) target(%arg9 : memref<80xi32, #tpu.memory_space<vmem>>) target_semaphore(%arg18 : memref<!tpu.dma_semaphore, #tpu.memory_space<semaphore_mem>>)
      %mul3A_134 = arith.constant 80 : i32
      %mul3A_135 = arith.muli %add3A_128, %mul3A_134 : i32
      %add3A_136 = arith.addi %mul3A_2, %mul3A_135 : i32
      %dma_start3A_137 = tpu.memref_slice %arg4[%add3A_136] : memref<320000xi32, #tpu.memory_space<hbm>> -> memref<80xi32, #tpu.memory_space<hbm>>
      %dma_start3A_138 = tpu.memref_slice %arg4[%add3A_136] : memref<320000xi32, #tpu.memory_space<hbm>> -> memref<80xi32, #tpu.memory_space<hbm>>
      tpu.enqueue_dma source(%dma_start3A_138 : memref<80xi32, #tpu.memory_space<hbm>>) target(%arg10 : memref<80xi32, #tpu.memory_space<vmem>>) target_semaphore(%arg19 : memref<!tpu.dma_semaphore, #tpu.memory_space<semaphore_mem>>)
      %dma_wait3A_139 = arith.constant 0 : i32
      %dma_wait3A_140 = tpu.memref_slice %arg3[%dma_wait3A_139] : memref<320000xi32, #tpu.memory_space<hbm>> -> memref<80xi32, #tpu.memory_space<hbm>>
      %dma_wait3A_141 = arith.constant 0 : i32
      %dma_wait3A_142 = tpu.memref_slice %arg3[%dma_wait3A_141] : memref<320000xi32, #tpu.memory_space<hbm>> -> memref<80xi32, #tpu.memory_space<hbm>>
      tpu.wait_dma2 semaphore(%arg16 : memref<!tpu.dma_semaphore, #tpu.memory_space<semaphore_mem>>) src(%dma_wait3A_142 : memref<80xi32, #tpu.memory_space<hbm>>) dst(%arg7 : memref<80xi32, #tpu.memory_space<vmem>>)
      %dma_wait3A_143 = arith.constant 0 : i32
      %dma_wait3A_144 = tpu.memref_slice %arg3[%dma_wait3A_143] : memref<320000xi32, #tpu.memory_space<hbm>> -> memref<80xi32, #tpu.memory_space<hbm>>
      %dma_wait3A_145 = arith.constant 0 : i32
      %dma_wait3A_146 = tpu.memref_slice %arg3[%dma_wait3A_145] : memref<320000xi32, #tpu.memory_space<hbm>> -> memref<80xi32, #tpu.memory_space<hbm>>
      tpu.wait_dma2 semaphore(%arg17 : memref<!tpu.dma_semaphore, #tpu.memory_space<semaphore_mem>>) src(%dma_wait3A_146 : memref<80xi32, #tpu.memory_space<hbm>>) dst(%arg8 : memref<80xi32, #tpu.memory_space<vmem>>)
      %dma_start3A_147 = arith.constant 0 : i32
      %dma_start3A_148 = arith.constant 0 : i32
      %dma_start3A_149 = tpu.memref_slice %arg2[%dma_start3A_147, %dma_start3A_148] : memref<10240x128xf32, #tpu.memory_space<hbm>> -> memref<10240x128xf32, #tpu.memory_space<hbm>>
      tpu.enqueue_indirect_dma source(%dma_start3A_149 : memref<10240x128xf32, #tpu.memory_space<hbm>>) target(%arg13 : memref<80x128xf32, #tpu.memory_space<vmem>>) offsets(%arg7 : memref<80xi32, #tpu.memory_space<vmem>>) semaphore(%arg22 : memref<!tpu.dma_semaphore, #tpu.memory_space<semaphore_mem>>)
      %dma_wait3A_150 = arith.constant 0 : i32
      %dma_wait3A_151 = arith.constant 0 : i32
      %dma_wait3A_152 = tpu.memref_slice %arg2[%dma_wait3A_150, %dma_wait3A_151] : memref<10240x128xf32, #tpu.memory_space<hbm>> -> memref<80x128xf32, #tpu.memory_space<hbm>>
      %dma_wait3A_153 = arith.constant 0 : i32
      %dma_wait3A_154 = arith.constant 0 : i32
      %dma_wait3A_155 = tpu.memref_slice %arg2[%dma_wait3A_153, %dma_wait3A_154] : memref<10240x128xf32, #tpu.memory_space<hbm>> -> memref<80x128xf32, #tpu.memory_space<hbm>>
      tpu.wait_dma2 semaphore(%arg24 : memref<!tpu.dma_semaphore, #tpu.memory_space<semaphore_mem>>) src(%dma_wait3A_155 : memref<80x128xf32, #tpu.memory_space<hbm>>) dst(%arg15 : memref<80x128xf32, #tpu.memory_space<vmem>>)
      "tpu.region"() ({
        %run_scoped3A = tpu.sem_alloc : memref<!tpu.dma_semaphore, #tpu.memory_space<semaphore_mem>>
        %dma_start3A_180 = arith.constant 0 : i32
        %dma_start3A_181 = arith.constant 0 : i32
        %dma_start3A_182 = tpu.memref_slice %arg6[%dma_start3A_180, %dma_start3A_181] : memref<10240x128xf32, #tpu.memory_space<vmem_shared>> -> memref<10240x128xf32, #tpu.memory_space<vmem_shared>>
        tpu.enqueue_indirect_dma source(%arg15 : memref<80x128xf32, #tpu.memory_space<vmem>>) target(%dma_start3A_182 : memref<10240x128xf32, #tpu.memory_space<vmem_shared>>) offsets(%arg12 : memref<80xi32, #tpu.memory_space<vmem>>) semaphore(%run_scoped3A : memref<!tpu.dma_semaphore, #tpu.memory_space<semaphore_mem>>) {add = true}
        %dma_wait3A_183 = arith.constant 0 : i32
        %dma_wait3A_184 = arith.constant 0 : i32
        %dma_wait3A_185 = tpu.memref_slice %arg6[%dma_wait3A_183, %dma_wait3A_184] : memref<10240x128xf32, #tpu.memory_space<vmem_shared>> -> memref<10240x128xf32, #tpu.memory_space<vmem_shared>>
        tpu.wait_indirect_dma semaphore(%run_scoped3A : memref<!tpu.dma_semaphore, #tpu.memory_space<semaphore_mem>>) src(%arg15 : memref<80x128xf32, #tpu.memory_space<vmem>>) dst(%dma_wait3A_185 : memref<10240x128xf32, #tpu.memory_space<vmem_shared>>)
        tpu.yield
      }) : () -> ()
      %add3A_156 = arith.constant 5 : i32
      %add3A_157 = arith.addi %add3A_91, %add3A_156 : i32
      %min3A = arith.constant 124 : i32
      %min3A_158 = arith.minsi %add3A_157, %min3A : i32
      %mul3A_159 = arith.constant 80 : i32
      %mul3A_160 = arith.muli %min3A_158, %mul3A_159 : i32
      %add3A_161 = arith.addi %mul3A_2, %mul3A_160 : i32
      %dma_start3A_162 = tpu.memref_slice %arg3[%add3A_161] : memref<320000xi32, #tpu.memory_space<hbm>> -> memref<80xi32, #tpu.memory_space<hbm>>
      %dma_start3A_163 = tpu.memref_slice %arg3[%add3A_161] : memref<320000xi32, #tpu.memory_space<hbm>> -> memref<80xi32, #tpu.memory_space<hbm>>
      tpu.enqueue_dma source(%dma_start3A_163 : memref<80xi32, #tpu.memory_space<hbm>>) target(%arg11 : memref<80xi32, #tpu.memory_space<vmem>>) target_semaphore(%arg20 : memref<!tpu.dma_semaphore, #tpu.memory_space<semaphore_mem>>)
      %mul3A_164 = arith.constant 80 : i32
      %mul3A_165 = arith.muli %min3A_158, %mul3A_164 : i32
      %add3A_166 = arith.addi %mul3A_2, %mul3A_165 : i32
      %dma_start3A_167 = tpu.memref_slice %arg4[%add3A_166] : memref<320000xi32, #tpu.memory_space<hbm>> -> memref<80xi32, #tpu.memory_space<hbm>>
      %dma_start3A_168 = tpu.memref_slice %arg4[%add3A_166] : memref<320000xi32, #tpu.memory_space<hbm>> -> memref<80xi32, #tpu.memory_space<hbm>>
      tpu.enqueue_dma source(%dma_start3A_168 : memref<80xi32, #tpu.memory_space<hbm>>) target(%arg12 : memref<80xi32, #tpu.memory_space<vmem>>) target_semaphore(%arg21 : memref<!tpu.dma_semaphore, #tpu.memory_space<semaphore_mem>>)
      %dma_wait3A_169 = arith.constant 0 : i32
      %dma_wait3A_170 = tpu.memref_slice %arg3[%dma_wait3A_169] : memref<320000xi32, #tpu.memory_space<hbm>> -> memref<80xi32, #tpu.memory_space<hbm>>
      %dma_wait3A_171 = arith.constant 0 : i32
      %dma_wait3A_172 = tpu.memref_slice %arg3[%dma_wait3A_171] : memref<320000xi32, #tpu.memory_space<hbm>> -> memref<80xi32, #tpu.memory_space<hbm>>
      tpu.wait_dma2 semaphore(%arg18 : memref<!tpu.dma_semaphore, #tpu.memory_space<semaphore_mem>>) src(%dma_wait3A_172 : memref<80xi32, #tpu.memory_space<hbm>>) dst(%arg9 : memref<80xi32, #tpu.memory_space<vmem>>)
      %dma_wait3A_173 = arith.constant 0 : i32
      %dma_wait3A_174 = tpu.memref_slice %arg3[%dma_wait3A_173] : memref<320000xi32, #tpu.memory_space<hbm>> -> memref<80xi32, #tpu.memory_space<hbm>>
      %dma_wait3A_175 = arith.constant 0 : i32
      %dma_wait3A_176 = tpu.memref_slice %arg3[%dma_wait3A_175] : memref<320000xi32, #tpu.memory_space<hbm>> -> memref<80xi32, #tpu.memory_space<hbm>>
      tpu.wait_dma2 semaphore(%arg19 : memref<!tpu.dma_semaphore, #tpu.memory_space<semaphore_mem>>) src(%dma_wait3A_176 : memref<80xi32, #tpu.memory_space<hbm>>) dst(%arg10 : memref<80xi32, #tpu.memory_space<vmem>>)
      %dma_start3A_177 = arith.constant 0 : i32
      %dma_start3A_178 = arith.constant 0 : i32
      %dma_start3A_179 = tpu.memref_slice %arg2[%dma_start3A_177, %dma_start3A_178] : memref<10240x128xf32, #tpu.memory_space<hbm>> -> memref<10240x128xf32, #tpu.memory_space<hbm>>
      tpu.enqueue_indirect_dma source(%dma_start3A_179 : memref<10240x128xf32, #tpu.memory_space<hbm>>) target(%arg14 : memref<80x128xf32, #tpu.memory_space<vmem>>) offsets(%arg9 : memref<80xi32, #tpu.memory_space<vmem>>) semaphore(%arg23 : memref<!tpu.dma_semaphore, #tpu.memory_space<semaphore_mem>>)
    }
    %scan3A_61 = arith.constant 41 : i32
    %dma_wait3A_62 = arith.constant 0 : i32
    %dma_wait3A_63 = arith.constant 0 : i32
    %dma_wait3A_64 = tpu.memref_slice %arg2[%dma_wait3A_62, %dma_wait3A_63] : memref<10240x128xf32, #tpu.memory_space<hbm>> -> memref<80x128xf32, #tpu.memory_space<hbm>>
    %dma_wait3A_65 = arith.constant 0 : i32
    %dma_wait3A_66 = arith.constant 0 : i32
    %dma_wait3A_67 = tpu.memref_slice %arg2[%dma_wait3A_65, %dma_wait3A_66] : memref<10240x128xf32, #tpu.memory_space<hbm>> -> memref<80x128xf32, #tpu.memory_space<hbm>>
    tpu.wait_dma2 semaphore(%arg22 : memref<!tpu.dma_semaphore, #tpu.memory_space<semaphore_mem>>) src(%dma_wait3A_67 : memref<80x128xf32, #tpu.memory_space<hbm>>) dst(%arg13 : memref<80x128xf32, #tpu.memory_space<vmem>>)
    "tpu.region"() ({
      %run_scoped3A = tpu.sem_alloc : memref<!tpu.dma_semaphore, #tpu.memory_space<semaphore_mem>>
      %dma_start3A_87 = arith.constant 0 : i32
      %dma_start3A_88 = arith.constant 0 : i32
      %dma_start3A_89 = tpu.memref_slice %arg6[%dma_start3A_87, %dma_start3A_88] : memref<10240x128xf32, #tpu.memory_space<vmem_shared>> -> memref<10240x128xf32, #tpu.memory_space<vmem_shared>>
      tpu.enqueue_indirect_dma source(%arg13 : memref<80x128xf32, #tpu.memory_space<vmem>>) target(%dma_start3A_89 : memref<10240x128xf32, #tpu.memory_space<vmem_shared>>) offsets(%arg8 : memref<80xi32, #tpu.memory_space<vmem>>) semaphore(%run_scoped3A : memref<!tpu.dma_semaphore, #tpu.memory_space<semaphore_mem>>) {add = true}
      %dma_wait3A_90 = arith.constant 0 : i32
      %dma_wait3A_91 = arith.constant 0 : i32
      %dma_wait3A_92 = tpu.memref_slice %arg6[%dma_wait3A_90, %dma_wait3A_91] : memref<10240x128xf32, #tpu.memory_space<vmem_shared>> -> memref<10240x128xf32, #tpu.memory_space<vmem_shared>>
      tpu.wait_indirect_dma semaphore(%run_scoped3A : memref<!tpu.dma_semaphore, #tpu.memory_space<semaphore_mem>>) src(%arg13 : memref<80x128xf32, #tpu.memory_space<vmem>>) dst(%dma_wait3A_92 : memref<10240x128xf32, #tpu.memory_space<vmem_shared>>)
      tpu.yield
    }) : () -> ()
    %dma_wait3A_68 = arith.constant 0 : i32
    %dma_wait3A_69 = arith.constant 0 : i32
    %dma_wait3A_70 = tpu.memref_slice %arg2[%dma_wait3A_68, %dma_wait3A_69] : memref<10240x128xf32, #tpu.memory_space<hbm>> -> memref<80x128xf32, #tpu.memory_space<hbm>>
    %dma_wait3A_71 = arith.constant 0 : i32
    %dma_wait3A_72 = arith.constant 0 : i32
    %dma_wait3A_73 = tpu.memref_slice %arg2[%dma_wait3A_71, %dma_wait3A_72] : memref<10240x128xf32, #tpu.memory_space<hbm>> -> memref<80x128xf32, #tpu.memory_space<hbm>>
    tpu.wait_dma2 semaphore(%arg23 : memref<!tpu.dma_semaphore, #tpu.memory_space<semaphore_mem>>) src(%dma_wait3A_73 : memref<80x128xf32, #tpu.memory_space<hbm>>) dst(%arg14 : memref<80x128xf32, #tpu.memory_space<vmem>>)
    "tpu.region"() ({
      %run_scoped3A = tpu.sem_alloc : memref<!tpu.dma_semaphore, #tpu.memory_space<semaphore_mem>>
      %dma_start3A_87 = arith.constant 0 : i32
      %dma_start3A_88 = arith.constant 0 : i32
      %dma_start3A_89 = tpu.memref_slice %arg6[%dma_start3A_87, %dma_start3A_88] : memref<10240x128xf32, #tpu.memory_space<vmem_shared>> -> memref<10240x128xf32, #tpu.memory_space<vmem_shared>>
      tpu.enqueue_indirect_dma source(%arg14 : memref<80x128xf32, #tpu.memory_space<vmem>>) target(%dma_start3A_89 : memref<10240x128xf32, #tpu.memory_space<vmem_shared>>) offsets(%arg10 : memref<80xi32, #tpu.memory_space<vmem>>) semaphore(%run_scoped3A : memref<!tpu.dma_semaphore, #tpu.memory_space<semaphore_mem>>) {add = true}
      %dma_wait3A_90 = arith.constant 0 : i32
      %dma_wait3A_91 = arith.constant 0 : i32
      %dma_wait3A_92 = tpu.memref_slice %arg6[%dma_wait3A_90, %dma_wait3A_91] : memref<10240x128xf32, #tpu.memory_space<vmem_shared>> -> memref<10240x128xf32, #tpu.memory_space<vmem_shared>>
      tpu.wait_indirect_dma semaphore(%run_scoped3A : memref<!tpu.dma_semaphore, #tpu.memory_space<semaphore_mem>>) src(%arg14 : memref<80x128xf32, #tpu.memory_space<vmem>>) dst(%dma_wait3A_92 : memref<10240x128xf32, #tpu.memory_space<vmem_shared>>)
      tpu.yield
    }) : () -> ()
    %dma_wait3A_74 = arith.constant 0 : i32
    %dma_wait3A_75 = tpu.memref_slice %arg3[%dma_wait3A_74] : memref<320000xi32, #tpu.memory_space<hbm>> -> memref<80xi32, #tpu.memory_space<hbm>>
    %dma_wait3A_76 = arith.constant 0 : i32
    %dma_wait3A_77 = tpu.memref_slice %arg3[%dma_wait3A_76] : memref<320000xi32, #tpu.memory_space<hbm>> -> memref<80xi32, #tpu.memory_space<hbm>>
    tpu.wait_dma2 semaphore(%arg20 : memref<!tpu.dma_semaphore, #tpu.memory_space<semaphore_mem>>) src(%dma_wait3A_77 : memref<80xi32, #tpu.memory_space<hbm>>) dst(%arg11 : memref<80xi32, #tpu.memory_space<vmem>>)
    %dma_wait3A_78 = arith.constant 0 : i32
    %dma_wait3A_79 = tpu.memref_slice %arg3[%dma_wait3A_78] : memref<320000xi32, #tpu.memory_space<hbm>> -> memref<80xi32, #tpu.memory_space<hbm>>
    %dma_wait3A_80 = arith.constant 0 : i32
    %dma_wait3A_81 = tpu.memref_slice %arg3[%dma_wait3A_80] : memref<320000xi32, #tpu.memory_space<hbm>> -> memref<80xi32, #tpu.memory_space<hbm>>
    tpu.wait_dma2 semaphore(%arg21 : memref<!tpu.dma_semaphore, #tpu.memory_space<semaphore_mem>>) src(%dma_wait3A_81 : memref<80xi32, #tpu.memory_space<hbm>>) dst(%arg12 : memref<80xi32, #tpu.memory_space<vmem>>)
    %barrier3A_82 = arith.constant 0 : index
    tpu.barrier barrier_id(%barrier3A_82)
    %mul3A_83 = arith.constant 640 : i32
    %mul3A_84 = arith.muli %arg1, %mul3A_83 : i32
    %mul3A_85 = arith.constant 640 : i32
    %mul3A_86 = arith.muli %arg1, %mul3A_85 : i32
    "tpu.region"() ({
      %run_scoped3A = tpu.sem_alloc : memref<!tpu.dma_semaphore, #tpu.memory_space<semaphore_mem>>
      %dma_start3A_87 = arith.constant 0 : i32
      %dma_start3A_88 = tpu.memref_slice %arg5[%arg0, %mul3A_86, %dma_start3A_87] : memref<2x10240x128xf32, #tpu.memory_space<hbm>> -> memref<1x640x128xf32, #tpu.memory_space<hbm>>
      %dma_start3A_89 = tpu.memref_squeeze %dma_start3A_88 : memref<1x640x128xf32, #tpu.memory_space<hbm>> -> memref<640x128xf32, #tpu.memory_space<hbm>>
      %dma_start3A_90 = arith.constant 0 : i32
      %dma_start3A_91 = tpu.memref_slice %arg6[%mul3A_84, %dma_start3A_90] : memref<10240x128xf32, #tpu.memory_space<vmem_shared>> -> memref<640x128xf32, #tpu.memory_space<vmem_shared>>
      tpu.enqueue_dma source(%dma_start3A_91 : memref<640x128xf32, #tpu.memory_space<vmem_shared>>) target(%dma_start3A_89 : memref<640x128xf32, #tpu.memory_space<hbm>>) target_semaphore(%run_scoped3A : memref<!tpu.dma_semaphore, #tpu.memory_space<semaphore_mem>>)
      %dma_wait3A_92 = arith.constant 0 : i32
      %dma_wait3A_93 = tpu.memref_slice %arg5[%arg0, %mul3A_86, %dma_wait3A_92] : memref<2x10240x128xf32, #tpu.memory_space<hbm>> -> memref<1x640x128xf32, #tpu.memory_space<hbm>>
      %dma_wait3A_94 = tpu.memref_squeeze %dma_wait3A_93 : memref<1x640x128xf32, #tpu.memory_space<hbm>> -> memref<640x128xf32, #tpu.memory_space<hbm>>
      %dma_wait3A_95 = arith.constant 0 : i32
      %dma_wait3A_96 = tpu.memref_slice %arg6[%mul3A_84, %dma_wait3A_95] : memref<10240x128xf32, #tpu.memory_space<vmem_shared>> -> memref<640x128xf32, #tpu.memory_space<vmem_shared>>
      tpu.wait_dma2 semaphore(%run_scoped3A : memref<!tpu.dma_semaphore, #tpu.memory_space<semaphore_mem>>) src(%dma_wait3A_96 : memref<640x128xf32, #tpu.memory_space<vmem_shared>>) dst(%dma_wait3A_94 : memref<640x128xf32, #tpu.memory_space<hbm>>)
      tpu.yield
    }) : () -> ()
    return
  }
}

#map = affine_map<(d0, d1) -> (0, 0)>
#map1 = affine_map<(d0, d1) -> (0)>
#map2 = affine_map<(d0, d1) -> (0, 0, 0)>
module attributes {stable_mosaic.version = 14 : i64} {
  func.func @_scatter_pass(%arg0: i32, %arg1: i32, %arg2: memref<10240x128xf32, #tpu.memory_space<hbm>>, %arg3: memref<320000xi32, #tpu.memory_space<hbm>>, %arg4: memref<320000xi32, #tpu.memory_space<hbm>>, %arg5: memref<2x10240x128xf32, #tpu.memory_space<hbm>>, %arg6: memref<10240x128xf32, #tpu.memory_space<vmem_shared>>, %arg7: memref<80xi32, #tpu.memory_space<vmem>>, %arg8: memref<80xi32, #tpu.memory_space<vmem>>, %arg9: memref<80xi32, #tpu.memory_space<vmem>>, %arg10: memref<80xi32, #tpu.memory_space<vmem>>, %arg11: memref<80xi32, #tpu.memory_space<vmem>>, %arg12: memref<80xi32, #tpu.memory_space<vmem>>, %arg13: memref<80x128xf32, #tpu.memory_space<vmem>>, %arg14: memref<80x128xf32, #tpu.memory_space<vmem>>, %arg15: memref<80x128xf32, #tpu.memory_space<vmem>>, %arg16: memref<!tpu.dma_semaphore, #tpu.memory_space<semaphore_mem>>, %arg17: memref<!tpu.dma_semaphore, #tpu.memory_space<semaphore_mem>>, %arg18: memref<!tpu.dma_semaphore, #tpu.memory_space<semaphore_mem>>, %arg19: memref<!tpu.dma_semaphore, #tpu.memory_space<semaphore_mem>>, %arg20: memref<!tpu.dma_semaphore, #tpu.memory_space<semaphore_mem>>, %arg21: memref<!tpu.dma_semaphore, #tpu.memory_space<semaphore_mem>>, %arg22: memref<!tpu.dma_semaphore, #tpu.memory_space<semaphore_mem>>, %arg23: memref<!tpu.dma_semaphore, #tpu.memory_space<semaphore_mem>>, %arg24: memref<!tpu.dma_semaphore, #tpu.memory_space<semaphore_mem>>) attributes {dimension_semantics = [#tpu.dimension_semantics<core_parallel>, #tpu.dimension_semantics<subcore_parallel>], iteration_bounds = array<i64: 2, 16>, scalar_prefetch = 0 : i64, scratch_operands = 19 : i64, tpu.core_type = #tpu.core_type<sc_vector_subcore>, window_params = [{transform_indices = #map}, {transform_indices = #map1}, {transform_indices = #map1}, {transform_indices = #map2}]} {
    %mul3A = arith.constant 16 : i32
    %mul3A_0 = arith.muli %arg0, %mul3A : i32
    %add3A = arith.addi %mul3A_0, %arg1 : i32
    %mul3A_1 = arith.constant 10000 : i32
    %mul3A_2 = arith.muli %add3A, %mul3A_1 : i32
    %broadcast_in_dim3A = arith.constant 0.000000e+00 : f32
    %broadcast_in_dim3A_3 = vector.broadcast %broadcast_in_dim3A : f32 to vector<16xf32>
    %scan3A = arith.constant 0 : i32
    %scan3A_4 = arith.constant 80 : i32
    %scan3A_5 = arith.addi %scan3A, %scan3A_4 : i32
    %scan3A_6 = arith.constant 1 : i32
    scf.for %scan3A_87 = %scan3A to %scan3A_5 step %scan3A_6  : i32 {
      %mul3A_88 = arith.constant 1 : i32
      %mul3A_89 = arith.muli %scan3A_87, %mul3A_88 : i32
      %add3A_90 = arith.constant 0 : i32
      %add3A_91 = arith.addi %add3A_90, %mul3A_89 : i32
      %scan3A_92 = arith.constant 0 : i32
      %scan3A_93 = arith.constant 8 : i32
      %scan3A_94 = arith.addi %scan3A_92, %scan3A_93 : i32
      %scan3A_95 = arith.constant 1 : i32
      scf.for %scan3A_97 = %scan3A_92 to %scan3A_94 step %scan3A_95  : i32 {
        %mul3A_98 = arith.constant 1 : i32
        %mul3A_99 = arith.muli %scan3A_97, %mul3A_98 : i32
        %add3A_100 = arith.constant 0 : i32
        %add3A_101 = arith.addi %add3A_100, %mul3A_99 : i32
        %mul3A_102 = arith.constant 16 : i32
        %mul3A_103 = arith.muli %add3A_101, %mul3A_102 : i32
        %swap3A = arith.index_cast %add3A_91 : i32 to index
        %swap3A_104 = arith.index_cast %mul3A_103 : i32 to index
        %swap3A_105 = tpu.vector_load %arg13[%swap3A, %swap3A_104] {strides = array<i32>} : memref<80x128xf32, #tpu.memory_space<vmem>>, vector<1x16xf32>,
        %swap3A_106 = vector.shape_cast %swap3A_105 : vector<1x16xf32> to vector<16xf32>
        %swap3A_107 = vector.shape_cast %broadcast_in_dim3A_3 : vector<16xf32> to vector<1x16xf32>
        tpu.vector_store %arg13[%swap3A, %swap3A_104], %swap3A_107 {strides = array<i32>} : memref<80x128xf32, #tpu.memory_space<vmem>>, vector<1x16xf32>,
      }
      %scan3A_96 = arith.constant 8 : i32
    }
    %scan3A_7 = arith.constant 80 : i32
    %scan3A_8 = arith.constant 0 : i32
    %scan3A_9 = arith.constant 8 : i32
    %scan3A_10 = arith.addi %scan3A_8, %scan3A_9 : i32
    %scan3A_11 = arith.constant 1 : i32
    scf.for %scan3A_87 = %scan3A_8 to %scan3A_10 step %scan3A_11  : i32 {
      %mul3A_88 = arith.constant 1 : i32
      %mul3A_89 = arith.muli %scan3A_87, %mul3A_88 : i32
      %add3A_90 = arith.constant 0 : i32
      %add3A_91 = arith.addi %add3A_90, %mul3A_89 : i32
      %mul3A_92 = arith.constant 640 : i32
      %mul3A_93 = arith.muli %arg1, %mul3A_92 : i32
      %mul3A_94 = arith.constant 80 : i32
      %mul3A_95 = arith.muli %add3A_91, %mul3A_94 : i32
      %add3A_96 = arith.addi %mul3A_93, %mul3A_95 : i32
      "tpu.region"() ({
        %run_scoped3A = tpu.sem_alloc : memref<!tpu.dma_semaphore, #tpu.memory_space<semaphore_mem>>
        %dma_start3A_97 = arith.constant 0 : i32
        %dma_start3A_98 = tpu.memref_slice %arg6[%add3A_96, %dma_start3A_97] : memref<10240x128xf32, #tpu.memory_space<vmem_shared>> -> memref<80x128xf32, #tpu.memory_space<vmem_shared>>
        %dma_start3A_99 = arith.constant 0 : i32
        %dma_start3A_100 = tpu.memref_slice %arg6[%add3A_96, %dma_start3A_99] : memref<10240x128xf32, #tpu.memory_space<vmem_shared>> -> memref<80x128xf32, #tpu.memory_space<vmem_shared>>
        tpu.enqueue_dma source(%arg13 : memref<80x128xf32, #tpu.memory_space<vmem>>) target(%dma_start3A_100 : memref<80x128xf32, #tpu.memory_space<vmem_shared>>) target_semaphore(%run_scoped3A : memref<!tpu.dma_semaphore, #tpu.memory_space<semaphore_mem>>)
        %dma_wait3A_101 = arith.constant 0 : i32
        %dma_wait3A_102 = tpu.memref_slice %arg6[%add3A_96, %dma_wait3A_101] : memref<10240x128xf32, #tpu.memory_space<vmem_shared>> -> memref<80x128xf32, #tpu.memory_space<vmem_shared>>
        %dma_wait3A_103 = arith.constant 0 : i32
        %dma_wait3A_104 = tpu.memref_slice %arg6[%add3A_96, %dma_wait3A_103] : memref<10240x128xf32, #tpu.memory_space<vmem_shared>> -> memref<80x128xf32, #tpu.memory_space<vmem_shared>>
        tpu.wait_dma2 semaphore(%run_scoped3A : memref<!tpu.dma_semaphore, #tpu.memory_space<semaphore_mem>>) src(%arg13 : memref<80x128xf32, #tpu.memory_space<vmem>>) dst(%dma_wait3A_104 : memref<80x128xf32, #tpu.memory_space<vmem_shared>>)
        tpu.yield
      }) : () -> ()
    }
    %scan3A_12 = arith.constant 8 : i32
    %add3A_13 = arith.constant 0 : i32
    %add3A_14 = arith.addi %mul3A_2, %add3A_13 : i32
    %dma_start3A = tpu.memref_slice %arg3[%add3A_14] : memref<320000xi32, #tpu.memory_space<hbm>> -> memref<80xi32, #tpu.memory_space<hbm>>
    %dma_start3A_15 = tpu.memref_slice %arg3[%add3A_14] : memref<320000xi32, #tpu.memory_space<hbm>> -> memref<80xi32, #tpu.memory_space<hbm>>
    tpu.enqueue_dma source(%dma_start3A_15 : memref<80xi32, #tpu.memory_space<hbm>>) target(%arg7 : memref<80xi32, #tpu.memory_space<vmem>>) target_semaphore(%arg16 : memref<!tpu.dma_semaphore, #tpu.memory_space<semaphore_mem>>)
    %add3A_16 = arith.constant 0 : i32
    %add3A_17 = arith.addi %mul3A_2, %add3A_16 : i32
    %dma_start3A_18 = tpu.memref_slice %arg4[%add3A_17] : memref<320000xi32, #tpu.memory_space<hbm>> -> memref<80xi32, #tpu.memory_space<hbm>>
    %dma_start3A_19 = tpu.memref_slice %arg4[%add3A_17] : memref<320000xi32, #tpu.memory_space<hbm>> -> memref<80xi32, #tpu.memory_space<hbm>>
    tpu.enqueue_dma source(%dma_start3A_19 : memref<80xi32, #tpu.memory_space<hbm>>) target(%arg8 : memref<80xi32, #tpu.memory_space<vmem>>) target_semaphore(%arg17 : memref<!tpu.dma_semaphore, #tpu.memory_space<semaphore_mem>>)
    %add3A_20 = arith.constant 80 : i32
    %add3A_21 = arith.addi %mul3A_2, %add3A_20 : i32
    %dma_start3A_22 = tpu.memref_slice %arg3[%add3A_21] : memref<320000xi32, #tpu.memory_space<hbm>> -> memref<80xi32, #tpu.memory_space<hbm>>
    %dma_start3A_23 = tpu.memref_slice %arg3[%add3A_21] : memref<320000xi32, #tpu.memory_space<hbm>> -> memref<80xi32, #tpu.memory_space<hbm>>
    tpu.enqueue_dma source(%dma_start3A_23 : memref<80xi32, #tpu.memory_space<hbm>>) target(%arg9 : memref<80xi32, #tpu.memory_space<vmem>>) target_semaphore(%arg18 : memref<!tpu.dma_semaphore, #tpu.memory_space<semaphore_mem>>)
    %add3A_24 = arith.constant 80 : i32
    %add3A_25 = arith.addi %mul3A_2, %add3A_24 : i32
    %dma_start3A_26 = tpu.memref_slice %arg4[%add3A_25] : memref<320000xi32, #tpu.memory_space<hbm>> -> memref<80xi32, #tpu.memory_space<hbm>>
    %dma_start3A_27 = tpu.memref_slice %arg4[%add3A_25] : memref<320000xi32, #tpu.memory_space<hbm>> -> memref<80xi32, #tpu.memory_space<hbm>>
    tpu.enqueue_dma source(%dma_start3A_27 : memref<80xi32, #tpu.memory_space<hbm>>) target(%arg10 : memref<80xi32, #tpu.memory_space<vmem>>) target_semaphore(%arg19 : memref<!tpu.dma_semaphore, #tpu.memory_space<semaphore_mem>>)
    %add3A_28 = arith.constant 160 : i32
    %add3A_29 = arith.addi %mul3A_2, %add3A_28 : i32
    %dma_start3A_30 = tpu.memref_slice %arg3[%add3A_29] : memref<320000xi32, #tpu.memory_space<hbm>> -> memref<80xi32, #tpu.memory_space<hbm>>
    %dma_start3A_31 = tpu.memref_slice %arg3[%add3A_29] : memref<320000xi32, #tpu.memory_space<hbm>> -> memref<80xi32, #tpu.memory_space<hbm>>
    tpu.enqueue_dma source(%dma_start3A_31 : memref<80xi32, #tpu.memory_space<hbm>>) target(%arg11 : memref<80xi32, #tpu.memory_space<vmem>>) target_semaphore(%arg20 : memref<!tpu.dma_semaphore, #tpu.memory_space<semaphore_mem>>)
    %add3A_32 = arith.constant 160 : i32
    %add3A_33 = arith.addi %mul3A_2, %add3A_32 : i32
    %dma_start3A_34 = tpu.memref_slice %arg4[%add3A_33] : memref<320000xi32, #tpu.memory_space<hbm>> -> memref<80xi32, #tpu.memory_space<hbm>>
    %dma_start3A_35 = tpu.memref_slice %arg4[%add3A_33] : memref<320000xi32, #tpu.memory_space<hbm>> -> memref<80xi32, #tpu.memory_space<hbm>>
    tpu.enqueue_dma source(%dma_start3A_35 : memref<80xi32, #tpu.memory_space<hbm>>) target(%arg12 : memref<80xi32, #tpu.memory_space<vmem>>) target_semaphore(%arg21 : memref<!tpu.dma_semaphore, #tpu.memory_space<semaphore_mem>>)
    %dma_wait3A = arith.constant 0 : i32
    %dma_wait3A_36 = tpu.memref_slice %arg3[%dma_wait3A] : memref<320000xi32, #tpu.memory_space<hbm>> -> memref<80xi32, #tpu.memory_space<hbm>>
    %dma_wait3A_37 = arith.constant 0 : i32
    %dma_wait3A_38 = tpu.memref_slice %arg3[%dma_wait3A_37] : memref<320000xi32, #tpu.memory_space<hbm>> -> memref<80xi32, #tpu.memory_space<hbm>>
    tpu.wait_dma2 semaphore(%arg16 : memref<!tpu.dma_semaphore, #tpu.memory_space<semaphore_mem>>) src(%dma_wait3A_38 : memref<80xi32, #tpu.memory_space<hbm>>) dst(%arg7 : memref<80xi32, #tpu.memory_space<vmem>>)
    %dma_wait3A_39 = arith.constant 0 : i32
    %dma_wait3A_40 = tpu.memref_slice %arg3[%dma_wait3A_39] : memref<320000xi32, #tpu.memory_space<hbm>> -> memref<80xi32, #tpu.memory_space<hbm>>
    %dma_wait3A_41 = arith.constant 0 : i32
    %dma_wait3A_42 = tpu.memref_slice %arg3[%dma_wait3A_41] : memref<320000xi32, #tpu.memory_space<hbm>> -> memref<80xi32, #tpu.memory_space<hbm>>
    tpu.wait_dma2 semaphore(%arg17 : memref<!tpu.dma_semaphore, #tpu.memory_space<semaphore_mem>>) src(%dma_wait3A_42 : memref<80xi32, #tpu.memory_space<hbm>>) dst(%arg8 : memref<80xi32, #tpu.memory_space<vmem>>)
    %dma_start3A_43 = arith.constant 0 : i32
    %dma_start3A_44 = arith.constant 0 : i32
    %dma_start3A_45 = tpu.memref_slice %arg2[%dma_start3A_43, %dma_start3A_44] : memref<10240x128xf32, #tpu.memory_space<hbm>> -> memref<10240x128xf32, #tpu.memory_space<hbm>>
    tpu.enqueue_indirect_dma source(%dma_start3A_45 : memref<10240x128xf32, #tpu.memory_space<hbm>>) target(%arg13 : memref<80x128xf32, #tpu.memory_space<vmem>>) offsets(%arg7 : memref<80xi32, #tpu.memory_space<vmem>>) semaphore(%arg22 : memref<!tpu.dma_semaphore, #tpu.memory_space<semaphore_mem>>)
    %dma_wait3A_46 = arith.constant 0 : i32
    %dma_wait3A_47 = tpu.memref_slice %arg3[%dma_wait3A_46] : memref<320000xi32, #tpu.memory_space<hbm>> -> memref<80xi32, #tpu.memory_space<hbm>>
    %dma_wait3A_48 = arith.constant 0 : i32
    %dma_wait3A_49 = tpu.memref_slice %arg3[%dma_wait3A_48] : memref<320000xi32, #tpu.memory_space<hbm>> -> memref<80xi32, #tpu.memory_space<hbm>>
    tpu.wait_dma2 semaphore(%arg18 : memref<!tpu.dma_semaphore, #tpu.memory_space<semaphore_mem>>) src(%dma_wait3A_49 : memref<80xi32, #tpu.memory_space<hbm>>) dst(%arg9 : memref<80xi32, #tpu.memory_space<vmem>>)
    %dma_wait3A_50 = arith.constant 0 : i32
    %dma_wait3A_51 = tpu.memref_slice %arg3[%dma_wait3A_50] : memref<320000xi32, #tpu.memory_space<hbm>> -> memref<80xi32, #tpu.memory_space<hbm>>
    %dma_wait3A_52 = arith.constant 0 : i32
    %dma_wait3A_53 = tpu.memref_slice %arg3[%dma_wait3A_52] : memref<320000xi32, #tpu.memory_space<hbm>> -> memref<80xi32, #tpu.memory_space<hbm>>
    tpu.wait_dma2 semaphore(%arg19 : memref<!tpu.dma_semaphore, #tpu.memory_space<semaphore_mem>>) src(%dma_wait3A_53 : memref<80xi32, #tpu.memory_space<hbm>>) dst(%arg10 : memref<80xi32, #tpu.memory_space<vmem>>)
    %dma_start3A_54 = arith.constant 0 : i32
    %dma_start3A_55 = arith.constant 0 : i32
    %dma_start3A_56 = tpu.memref_slice %arg2[%dma_start3A_54, %dma_start3A_55] : memref<10240x128xf32, #tpu.memory_space<hbm>> -> memref<10240x128xf32, #tpu.memory_space<hbm>>
    tpu.enqueue_indirect_dma source(%dma_start3A_56 : memref<10240x128xf32, #tpu.memory_space<hbm>>) target(%arg14 : memref<80x128xf32, #tpu.memory_space<vmem>>) offsets(%arg9 : memref<80xi32, #tpu.memory_space<vmem>>) semaphore(%arg23 : memref<!tpu.dma_semaphore, #tpu.memory_space<semaphore_mem>>)
    %barrier3A = arith.constant 0 : index
    tpu.barrier barrier_id(%barrier3A)
    %scan3A_57 = arith.constant 0 : i32
    %scan3A_58 = arith.constant 41 : i32
    %scan3A_59 = arith.addi %scan3A_57, %scan3A_58 : i32
    %scan3A_60 = arith.constant 1 : i32
    scf.for %scan3A_87 = %scan3A_57 to %scan3A_59 step %scan3A_60  : i32 {
      %mul3A_88 = arith.constant 3 : i32
      %mul3A_89 = arith.muli %scan3A_87, %mul3A_88 : i32
      %add3A_90 = arith.constant 0 : i32
      %add3A_91 = arith.addi %add3A_90, %mul3A_89 : i32
      %dma_wait3A_92 = arith.constant 0 : i32
      %dma_wait3A_93 = tpu.memref_slice %arg3[%dma_wait3A_92] : memref<320000xi32, #tpu.memory_space<hbm>> -> memref<80xi32, #tpu.memory_space<hbm>>
      %dma_wait3A_94 = arith.constant 0 : i32
      %dma_wait3A_95 = tpu.memref_slice %arg3[%dma_wait3A_94] : memref<320000xi32, #tpu.memory_space<hbm>> -> memref<80xi32, #tpu.memory_space<hbm>>
      tpu.wait_dma2 semaphore(%arg20 : memref<!tpu.dma_semaphore, #tpu.memory_space<semaphore_mem>>) src(%dma_wait3A_95 : memref<80xi32, #tpu.memory_space<hbm>>) dst(%arg11 : memref<80xi32, #tpu.memory_space<vmem>>)
      %dma_wait3A_96 = arith.constant 0 : i32
      %dma_wait3A_97 = tpu.memref_slice %arg3[%dma_wait3A_96] : memref<320000xi32, #tpu.memory_space<hbm>> -> memref<80xi32, #tpu.memory_space<hbm>>
      %dma_wait3A_98 = arith.constant 0 : i32
      %dma_wait3A_99 = tpu.memref_slice %arg3[%dma_wait3A_98] : memref<320000xi32, #tpu.memory_space<hbm>> -> memref<80xi32, #tpu.memory_space<hbm>>
      tpu.wait_dma2 semaphore(%arg21 : memref<!tpu.dma_semaphore, #tpu.memory_space<semaphore_mem>>) src(%dma_wait3A_99 : memref<80xi32, #tpu.memory_space<hbm>>) dst(%arg12 : memref<80xi32, #tpu.memory_space<vmem>>)
      %dma_start3A_100 = arith.constant 0 : i32
      %dma_start3A_101 = arith.constant 0 : i32
      %dma_start3A_102 = tpu.memref_slice %arg2[%dma_start3A_100, %dma_start3A_101] : memref<10240x128xf32, #tpu.memory_space<hbm>> -> memref<10240x128xf32, #tpu.memory_space<hbm>>
      tpu.enqueue_indirect_dma source(%dma_start3A_102 : memref<10240x128xf32, #tpu.memory_space<hbm>>) target(%arg15 : memref<80x128xf32, #tpu.memory_space<vmem>>) offsets(%arg11 : memref<80xi32, #tpu.memory_space<vmem>>) semaphore(%arg24 : memref<!tpu.dma_semaphore, #tpu.memory_space<semaphore_mem>>)
      %dma_wait3A_103 = arith.constant 0 : i32
      %dma_wait3A_104 = arith.constant 0 : i32
      %dma_wait3A_105 = tpu.memref_slice %arg2[%dma_wait3A_103, %dma_wait3A_104] : memref<10240x128xf32, #tpu.memory_space<hbm>> -> memref<80x128xf32, #tpu.memory_space<hbm>>
      %dma_wait3A_106 = arith.constant 0 : i32
      %dma_wait3A_107 = arith.constant 0 : i32
      %dma_wait3A_108 = tpu.memref_slice %arg2[%dma_wait3A_106, %dma_wait3A_107] : memref<10240x128xf32, #tpu.memory_space<hbm>> -> memref<80x128xf32, #tpu.memory_space<hbm>>
      tpu.wait_dma2 semaphore(%arg22 : memref<!tpu.dma_semaphore, #tpu.memory_space<semaphore_mem>>) src(%dma_wait3A_108 : memref<80x128xf32, #tpu.memory_space<hbm>>) dst(%arg13 : memref<80x128xf32, #tpu.memory_space<vmem>>)
      "tpu.region"() ({
        %run_scoped3A = tpu.sem_alloc : memref<!tpu.dma_semaphore, #tpu.memory_space<semaphore_mem>>
        %dma_start3A_180 = arith.constant 0 : i32
        %dma_start3A_181 = arith.constant 0 : i32
        %dma_start3A_182 = tpu.memref_slice %arg6[%dma_start3A_180, %dma_start3A_181] : memref<10240x128xf32, #tpu.memory_space<vmem_shared>> -> memref<10240x128xf32, #tpu.memory_space<vmem_shared>>
        tpu.enqueue_indirect_dma source(%arg13 : memref<80x128xf32, #tpu.memory_space<vmem>>) target(%dma_start3A_182 : memref<10240x128xf32, #tpu.memory_space<vmem_shared>>) offsets(%arg8 : memref<80xi32, #tpu.memory_space<vmem>>) semaphore(%run_scoped3A : memref<!tpu.dma_semaphore, #tpu.memory_space<semaphore_mem>>) {add = true}
        %dma_wait3A_183 = arith.constant 0 : i32
        %dma_wait3A_184 = arith.constant 0 : i32
        %dma_wait3A_185 = tpu.memref_slice %arg6[%dma_wait3A_183, %dma_wait3A_184] : memref<10240x128xf32, #tpu.memory_space<vmem_shared>> -> memref<10240x128xf32, #tpu.memory_space<vmem_shared>>
        tpu.wait_indirect_dma semaphore(%run_scoped3A : memref<!tpu.dma_semaphore, #tpu.memory_space<semaphore_mem>>) src(%arg13 : memref<80x128xf32, #tpu.memory_space<vmem>>) dst(%dma_wait3A_185 : memref<10240x128xf32, #tpu.memory_space<vmem_shared>>)
        tpu.yield
      }) : () -> ()
      %add3A_109 = arith.constant 3 : i32
      %add3A_110 = arith.addi %add3A_91, %add3A_109 : i32
      %mul3A_111 = arith.constant 80 : i32
      %mul3A_112 = arith.muli %add3A_110, %mul3A_111 : i32
      %add3A_113 = arith.addi %mul3A_2, %mul3A_112 : i32
      %dma_start3A_114 = tpu.memref_slice %arg3[%add3A_113] : memref<320000xi32, #tpu.memory_space<hbm>> -> memref<80xi32, #tpu.memory_space<hbm>>
      %dma_start3A_115 = tpu.memref_slice %arg3[%add3A_113] : memref<320000xi32, #tpu.memory_space<hbm>> -> memref<80xi32, #tpu.memory_space<hbm>>
      tpu.enqueue_dma source(%dma_start3A_115 : memref<80xi32, #tpu.memory_space<hbm>>) target(%arg7 : memref<80xi32, #tpu.memory_space<vmem>>) target_semaphore(%arg16 : memref<!tpu.dma_semaphore, #tpu.memory_space<semaphore_mem>>)
      %mul3A_116 = arith.constant 80 : i32
      %mul3A_117 = arith.muli %add3A_110, %mul3A_116 : i32
      %add3A_118 = arith.addi %mul3A_2, %mul3A_117 : i32
      %dma_start3A_119 = tpu.memref_slice %arg4[%add3A_118] : memref<320000xi32, #tpu.memory_space<hbm>> -> memref<80xi32, #tpu.memory_space<hbm>>
      %dma_start3A_120 = tpu.memref_slice %arg4[%add3A_118] : memref<320000xi32, #tpu.memory_space<hbm>> -> memref<80xi32, #tpu.memory_space<hbm>>
      tpu.enqueue_dma source(%dma_start3A_120 : memref<80xi32, #tpu.memory_space<hbm>>) target(%arg8 : memref<80xi32, #tpu.memory_space<vmem>>) target_semaphore(%arg17 : memref<!tpu.dma_semaphore, #tpu.memory_space<semaphore_mem>>)
      %dma_wait3A_121 = arith.constant 0 : i32
      %dma_wait3A_122 = arith.constant 0 : i32
      %dma_wait3A_123 = tpu.memref_slice %arg2[%dma_wait3A_121, %dma_wait3A_122] : memref<10240x128xf32, #tpu.memory_space<hbm>> -> memref<80x128xf32, #tpu.memory_space<hbm>>
      %dma_wait3A_124 = arith.constant 0 : i32
      %dma_wait3A_125 = arith.constant 0 : i32
      %dma_wait3A_126 = tpu.memref_slice %arg2[%dma_wait3A_124, %dma_wait3A_125] : memref<10240x128xf32, #tpu.memory_space<hbm>> -> memref<80x128xf32, #tpu.memory_space<hbm>>
      tpu.wait_dma2 semaphore(%arg23 : memref<!tpu.dma_semaphore, #tpu.memory_space<semaphore_mem>>) src(%dma_wait3A_126 : memref<80x128xf32, #tpu.memory_space<hbm>>) dst(%arg14 : memref<80x128xf32, #tpu.memory_space<vmem>>)
      "tpu.region"() ({
        %run_scoped3A = tpu.sem_alloc : memref<!tpu.dma_semaphore, #tpu.memory_space<semaphore_mem>>
        %dma_start3A_180 = arith.constant 0 : i32
        %dma_start3A_181 = arith.constant 0 : i32
        %dma_start3A_182 = tpu.memref_slice %arg6[%dma_start3A_180, %dma_start3A_181] : memref<10240x128xf32, #tpu.memory_space<vmem_shared>> -> memref<10240x128xf32, #tpu.memory_space<vmem_shared>>
        tpu.enqueue_indirect_dma source(%arg14 : memref<80x128xf32, #tpu.memory_space<vmem>>) target(%dma_start3A_182 : memref<10240x128xf32, #tpu.memory_space<vmem_shared>>) offsets(%arg10 : memref<80xi32, #tpu.memory_space<vmem>>) semaphore(%run_scoped3A : memref<!tpu.dma_semaphore, #tpu.memory_space<semaphore_mem>>) {add = true}
        %dma_wait3A_183 = arith.constant 0 : i32
        %dma_wait3A_184 = arith.constant 0 : i32
        %dma_wait3A_185 = tpu.memref_slice %arg6[%dma_wait3A_183, %dma_wait3A_184] : memref<10240x128xf32, #tpu.memory_space<vmem_shared>> -> memref<10240x128xf32, #tpu.memory_space<vmem_shared>>
        tpu.wait_indirect_dma semaphore(%run_scoped3A : memref<!tpu.dma_semaphore, #tpu.memory_space<semaphore_mem>>) src(%arg14 : memref<80x128xf32, #tpu.memory_space<vmem>>) dst(%dma_wait3A_185 : memref<10240x128xf32, #tpu.memory_space<vmem_shared>>)
        tpu.yield
      }) : () -> ()
      %add3A_127 = arith.constant 4 : i32
      %add3A_128 = arith.addi %add3A_91, %add3A_127 : i32
      %mul3A_129 = arith.constant 80 : i32
      %mul3A_130 = arith.muli %add3A_128, %mul3A_129 : i32
      %add3A_131 = arith.addi %mul3A_2, %mul3A_130 : i32
      %dma_start3A_132 = tpu.memref_slice %arg3[%add3A_131] : memref<320000xi32, #tpu.memory_space<hbm>> -> memref<80xi32, #tpu.memory_space<hbm>>
      %dma_start3A_133 = tpu.memref_slice %arg3[%add3A_131] : memref<320000xi32, #tpu.memory_space<hbm>> -> memref<80xi32, #tpu.memory_space<hbm>>
      tpu.enqueue_dma source(%dma_start3A_133 : memref<80xi32, #tpu.memory_space<hbm>>) target(%arg9 : memref<80xi32, #tpu.memory_space<vmem>>) target_semaphore(%arg18 : memref<!tpu.dma_semaphore, #tpu.memory_space<semaphore_mem>>)
      %mul3A_134 = arith.constant 80 : i32
      %mul3A_135 = arith.muli %add3A_128, %mul3A_134 : i32
      %add3A_136 = arith.addi %mul3A_2, %mul3A_135 : i32
      %dma_start3A_137 = tpu.memref_slice %arg4[%add3A_136] : memref<320000xi32, #tpu.memory_space<hbm>> -> memref<80xi32, #tpu.memory_space<hbm>>
      %dma_start3A_138 = tpu.memref_slice %arg4[%add3A_136] : memref<320000xi32, #tpu.memory_space<hbm>> -> memref<80xi32, #tpu.memory_space<hbm>>
      tpu.enqueue_dma source(%dma_start3A_138 : memref<80xi32, #tpu.memory_space<hbm>>) target(%arg10 : memref<80xi32, #tpu.memory_space<vmem>>) target_semaphore(%arg19 : memref<!tpu.dma_semaphore, #tpu.memory_space<semaphore_mem>>)
      %dma_wait3A_139 = arith.constant 0 : i32
      %dma_wait3A_140 = tpu.memref_slice %arg3[%dma_wait3A_139] : memref<320000xi32, #tpu.memory_space<hbm>> -> memref<80xi32, #tpu.memory_space<hbm>>
      %dma_wait3A_141 = arith.constant 0 : i32
      %dma_wait3A_142 = tpu.memref_slice %arg3[%dma_wait3A_141] : memref<320000xi32, #tpu.memory_space<hbm>> -> memref<80xi32, #tpu.memory_space<hbm>>
      tpu.wait_dma2 semaphore(%arg16 : memref<!tpu.dma_semaphore, #tpu.memory_space<semaphore_mem>>) src(%dma_wait3A_142 : memref<80xi32, #tpu.memory_space<hbm>>) dst(%arg7 : memref<80xi32, #tpu.memory_space<vmem>>)
      %dma_wait3A_143 = arith.constant 0 : i32
      %dma_wait3A_144 = tpu.memref_slice %arg3[%dma_wait3A_143] : memref<320000xi32, #tpu.memory_space<hbm>> -> memref<80xi32, #tpu.memory_space<hbm>>
      %dma_wait3A_145 = arith.constant 0 : i32
      %dma_wait3A_146 = tpu.memref_slice %arg3[%dma_wait3A_145] : memref<320000xi32, #tpu.memory_space<hbm>> -> memref<80xi32, #tpu.memory_space<hbm>>
      tpu.wait_dma2 semaphore(%arg17 : memref<!tpu.dma_semaphore, #tpu.memory_space<semaphore_mem>>) src(%dma_wait3A_146 : memref<80xi32, #tpu.memory_space<hbm>>) dst(%arg8 : memref<80xi32, #tpu.memory_space<vmem>>)
      %dma_start3A_147 = arith.constant 0 : i32
      %dma_start3A_148 = arith.constant 0 : i32
      %dma_start3A_149 = tpu.memref_slice %arg2[%dma_start3A_147, %dma_start3A_148] : memref<10240x128xf32, #tpu.memory_space<hbm>> -> memref<10240x128xf32, #tpu.memory_space<hbm>>
      tpu.enqueue_indirect_dma source(%dma_start3A_149 : memref<10240x128xf32, #tpu.memory_space<hbm>>) target(%arg13 : memref<80x128xf32, #tpu.memory_space<vmem>>) offsets(%arg7 : memref<80xi32, #tpu.memory_space<vmem>>) semaphore(%arg22 : memref<!tpu.dma_semaphore, #tpu.memory_space<semaphore_mem>>)
      %dma_wait3A_150 = arith.constant 0 : i32
      %dma_wait3A_151 = arith.constant 0 : i32
      %dma_wait3A_152 = tpu.memref_slice %arg2[%dma_wait3A_150, %dma_wait3A_151] : memref<10240x128xf32, #tpu.memory_space<hbm>> -> memref<80x128xf32, #tpu.memory_space<hbm>>
      %dma_wait3A_153 = arith.constant 0 : i32
      %dma_wait3A_154 = arith.constant 0 : i32
      %dma_wait3A_155 = tpu.memref_slice %arg2[%dma_wait3A_153, %dma_wait3A_154] : memref<10240x128xf32, #tpu.memory_space<hbm>> -> memref<80x128xf32, #tpu.memory_space<hbm>>
      tpu.wait_dma2 semaphore(%arg24 : memref<!tpu.dma_semaphore, #tpu.memory_space<semaphore_mem>>) src(%dma_wait3A_155 : memref<80x128xf32, #tpu.memory_space<hbm>>) dst(%arg15 : memref<80x128xf32, #tpu.memory_space<vmem>>)
      "tpu.region"() ({
        %run_scoped3A = tpu.sem_alloc : memref<!tpu.dma_semaphore, #tpu.memory_space<semaphore_mem>>
        %dma_start3A_180 = arith.constant 0 : i32
        %dma_start3A_181 = arith.constant 0 : i32
        %dma_start3A_182 = tpu.memref_slice %arg6[%dma_start3A_180, %dma_start3A_181] : memref<10240x128xf32, #tpu.memory_space<vmem_shared>> -> memref<10240x128xf32, #tpu.memory_space<vmem_shared>>
        tpu.enqueue_indirect_dma source(%arg15 : memref<80x128xf32, #tpu.memory_space<vmem>>) target(%dma_start3A_182 : memref<10240x128xf32, #tpu.memory_space<vmem_shared>>) offsets(%arg12 : memref<80xi32, #tpu.memory_space<vmem>>) semaphore(%run_scoped3A : memref<!tpu.dma_semaphore, #tpu.memory_space<semaphore_mem>>) {add = true}
        %dma_wait3A_183 = arith.constant 0 : i32
        %dma_wait3A_184 = arith.constant 0 : i32
        %dma_wait3A_185 = tpu.memref_slice %arg6[%dma_wait3A_183, %dma_wait3A_184] : memref<10240x128xf32, #tpu.memory_space<vmem_shared>> -> memref<10240x128xf32, #tpu.memory_space<vmem_shared>>
        tpu.wait_indirect_dma semaphore(%run_scoped3A : memref<!tpu.dma_semaphore, #tpu.memory_space<semaphore_mem>>) src(%arg15 : memref<80x128xf32, #tpu.memory_space<vmem>>) dst(%dma_wait3A_185 : memref<10240x128xf32, #tpu.memory_space<vmem_shared>>)
        tpu.yield
      }) : () -> ()
      %add3A_156 = arith.constant 5 : i32
      %add3A_157 = arith.addi %add3A_91, %add3A_156 : i32
      %min3A = arith.constant 124 : i32
      %min3A_158 = arith.minsi %add3A_157, %min3A : i32
      %mul3A_159 = arith.constant 80 : i32
      %mul3A_160 = arith.muli %min3A_158, %mul3A_159 : i32
      %add3A_161 = arith.addi %mul3A_2, %mul3A_160 : i32
      %dma_start3A_162 = tpu.memref_slice %arg3[%add3A_161] : memref<320000xi32, #tpu.memory_space<hbm>> -> memref<80xi32, #tpu.memory_space<hbm>>
      %dma_start3A_163 = tpu.memref_slice %arg3[%add3A_161] : memref<320000xi32, #tpu.memory_space<hbm>> -> memref<80xi32, #tpu.memory_space<hbm>>
      tpu.enqueue_dma source(%dma_start3A_163 : memref<80xi32, #tpu.memory_space<hbm>>) target(%arg11 : memref<80xi32, #tpu.memory_space<vmem>>) target_semaphore(%arg20 : memref<!tpu.dma_semaphore, #tpu.memory_space<semaphore_mem>>)
      %mul3A_164 = arith.constant 80 : i32
      %mul3A_165 = arith.muli %min3A_158, %mul3A_164 : i32
      %add3A_166 = arith.addi %mul3A_2, %mul3A_165 : i32
      %dma_start3A_167 = tpu.memref_slice %arg4[%add3A_166] : memref<320000xi32, #tpu.memory_space<hbm>> -> memref<80xi32, #tpu.memory_space<hbm>>
      %dma_start3A_168 = tpu.memref_slice %arg4[%add3A_166] : memref<320000xi32, #tpu.memory_space<hbm>> -> memref<80xi32, #tpu.memory_space<hbm>>
      tpu.enqueue_dma source(%dma_start3A_168 : memref<80xi32, #tpu.memory_space<hbm>>) target(%arg12 : memref<80xi32, #tpu.memory_space<vmem>>) target_semaphore(%arg21 : memref<!tpu.dma_semaphore, #tpu.memory_space<semaphore_mem>>)
      %dma_wait3A_169 = arith.constant 0 : i32
      %dma_wait3A_170 = tpu.memref_slice %arg3[%dma_wait3A_169] : memref<320000xi32, #tpu.memory_space<hbm>> -> memref<80xi32, #tpu.memory_space<hbm>>
      %dma_wait3A_171 = arith.constant 0 : i32
      %dma_wait3A_172 = tpu.memref_slice %arg3[%dma_wait3A_171] : memref<320000xi32, #tpu.memory_space<hbm>> -> memref<80xi32, #tpu.memory_space<hbm>>
      tpu.wait_dma2 semaphore(%arg18 : memref<!tpu.dma_semaphore, #tpu.memory_space<semaphore_mem>>) src(%dma_wait3A_172 : memref<80xi32, #tpu.memory_space<hbm>>) dst(%arg9 : memref<80xi32, #tpu.memory_space<vmem>>)
      %dma_wait3A_173 = arith.constant 0 : i32
      %dma_wait3A_174 = tpu.memref_slice %arg3[%dma_wait3A_173] : memref<320000xi32, #tpu.memory_space<hbm>> -> memref<80xi32, #tpu.memory_space<hbm>>
      %dma_wait3A_175 = arith.constant 0 : i32
      %dma_wait3A_176 = tpu.memref_slice %arg3[%dma_wait3A_175] : memref<320000xi32, #tpu.memory_space<hbm>> -> memref<80xi32, #tpu.memory_space<hbm>>
      tpu.wait_dma2 semaphore(%arg19 : memref<!tpu.dma_semaphore, #tpu.memory_space<semaphore_mem>>) src(%dma_wait3A_176 : memref<80xi32, #tpu.memory_space<hbm>>) dst(%arg10 : memref<80xi32, #tpu.memory_space<vmem>>)
      %dma_start3A_177 = arith.constant 0 : i32
      %dma_start3A_178 = arith.constant 0 : i32
      %dma_start3A_179 = tpu.memref_slice %arg2[%dma_start3A_177, %dma_start3A_178] : memref<10240x128xf32, #tpu.memory_space<hbm>> -> memref<10240x128xf32, #tpu.memory_space<hbm>>
      tpu.enqueue_indirect_dma source(%dma_start3A_179 : memref<10240x128xf32, #tpu.memory_space<hbm>>) target(%arg14 : memref<80x128xf32, #tpu.memory_space<vmem>>) offsets(%arg9 : memref<80xi32, #tpu.memory_space<vmem>>) semaphore(%arg23 : memref<!tpu.dma_semaphore, #tpu.memory_space<semaphore_mem>>)
    }
    %scan3A_61 = arith.constant 41 : i32
    %dma_wait3A_62 = arith.constant 0 : i32
    %dma_wait3A_63 = arith.constant 0 : i32
    %dma_wait3A_64 = tpu.memref_slice %arg2[%dma_wait3A_62, %dma_wait3A_63] : memref<10240x128xf32, #tpu.memory_space<hbm>> -> memref<80x128xf32, #tpu.memory_space<hbm>>
    %dma_wait3A_65 = arith.constant 0 : i32
    %dma_wait3A_66 = arith.constant 0 : i32
    %dma_wait3A_67 = tpu.memref_slice %arg2[%dma_wait3A_65, %dma_wait3A_66] : memref<10240x128xf32, #tpu.memory_space<hbm>> -> memref<80x128xf32, #tpu.memory_space<hbm>>
    tpu.wait_dma2 semaphore(%arg22 : memref<!tpu.dma_semaphore, #tpu.memory_space<semaphore_mem>>) src(%dma_wait3A_67 : memref<80x128xf32, #tpu.memory_space<hbm>>) dst(%arg13 : memref<80x128xf32, #tpu.memory_space<vmem>>)
    "tpu.region"() ({
      %run_scoped3A = tpu.sem_alloc : memref<!tpu.dma_semaphore, #tpu.memory_space<semaphore_mem>>
      %dma_start3A_87 = arith.constant 0 : i32
      %dma_start3A_88 = arith.constant 0 : i32
      %dma_start3A_89 = tpu.memref_slice %arg6[%dma_start3A_87, %dma_start3A_88] : memref<10240x128xf32, #tpu.memory_space<vmem_shared>> -> memref<10240x128xf32, #tpu.memory_space<vmem_shared>>
      tpu.enqueue_indirect_dma source(%arg13 : memref<80x128xf32, #tpu.memory_space<vmem>>) target(%dma_start3A_89 : memref<10240x128xf32, #tpu.memory_space<vmem_shared>>) offsets(%arg8 : memref<80xi32, #tpu.memory_space<vmem>>) semaphore(%run_scoped3A : memref<!tpu.dma_semaphore, #tpu.memory_space<semaphore_mem>>) {add = true}
      %dma_wait3A_90 = arith.constant 0 : i32
      %dma_wait3A_91 = arith.constant 0 : i32
      %dma_wait3A_92 = tpu.memref_slice %arg6[%dma_wait3A_90, %dma_wait3A_91] : memref<10240x128xf32, #tpu.memory_space<vmem_shared>> -> memref<10240x128xf32, #tpu.memory_space<vmem_shared>>
      tpu.wait_indirect_dma semaphore(%run_scoped3A : memref<!tpu.dma_semaphore, #tpu.memory_space<semaphore_mem>>) src(%arg13 : memref<80x128xf32, #tpu.memory_space<vmem>>) dst(%dma_wait3A_92 : memref<10240x128xf32, #tpu.memory_space<vmem_shared>>)
      tpu.yield
    }) : () -> ()
    %dma_wait3A_68 = arith.constant 0 : i32
    %dma_wait3A_69 = arith.constant 0 : i32
    %dma_wait3A_70 = tpu.memref_slice %arg2[%dma_wait3A_68, %dma_wait3A_69] : memref<10240x128xf32, #tpu.memory_space<hbm>> -> memref<80x128xf32, #tpu.memory_space<hbm>>
    %dma_wait3A_71 = arith.constant 0 : i32
    %dma_wait3A_72 = arith.constant 0 : i32
    %dma_wait3A_73 = tpu.memref_slice %arg2[%dma_wait3A_71, %dma_wait3A_72] : memref<10240x128xf32, #tpu.memory_space<hbm>> -> memref<80x128xf32, #tpu.memory_space<hbm>>
    tpu.wait_dma2 semaphore(%arg23 : memref<!tpu.dma_semaphore, #tpu.memory_space<semaphore_mem>>) src(%dma_wait3A_73 : memref<80x128xf32, #tpu.memory_space<hbm>>) dst(%arg14 : memref<80x128xf32, #tpu.memory_space<vmem>>)
    "tpu.region"() ({
      %run_scoped3A = tpu.sem_alloc : memref<!tpu.dma_semaphore, #tpu.memory_space<semaphore_mem>>
      %dma_start3A_87 = arith.constant 0 : i32
      %dma_start3A_88 = arith.constant 0 : i32
      %dma_start3A_89 = tpu.memref_slice %arg6[%dma_start3A_87, %dma_start3A_88] : memref<10240x128xf32, #tpu.memory_space<vmem_shared>> -> memref<10240x128xf32, #tpu.memory_space<vmem_shared>>
      tpu.enqueue_indirect_dma source(%arg14 : memref<80x128xf32, #tpu.memory_space<vmem>>) target(%dma_start3A_89 : memref<10240x128xf32, #tpu.memory_space<vmem_shared>>) offsets(%arg10 : memref<80xi32, #tpu.memory_space<vmem>>) semaphore(%run_scoped3A : memref<!tpu.dma_semaphore, #tpu.memory_space<semaphore_mem>>) {add = true}
      %dma_wait3A_90 = arith.constant 0 : i32
      %dma_wait3A_91 = arith.constant 0 : i32
      %dma_wait3A_92 = tpu.memref_slice %arg6[%dma_wait3A_90, %dma_wait3A_91] : memref<10240x128xf32, #tpu.memory_space<vmem_shared>> -> memref<10240x128xf32, #tpu.memory_space<vmem_shared>>
      tpu.wait_indirect_dma semaphore(%run_scoped3A : memref<!tpu.dma_semaphore, #tpu.memory_space<semaphore_mem>>) src(%arg14 : memref<80x128xf32, #tpu.memory_space<vmem>>) dst(%dma_wait3A_92 : memref<10240x128xf32, #tpu.memory_space<vmem_shared>>)
      tpu.yield
    }) : () -> ()
    %dma_wait3A_74 = arith.constant 0 : i32
    %dma_wait3A_75 = tpu.memref_slice %arg3[%dma_wait3A_74] : memref<320000xi32, #tpu.memory_space<hbm>> -> memref<80xi32, #tpu.memory_space<hbm>>
    %dma_wait3A_76 = arith.constant 0 : i32
    %dma_wait3A_77 = tpu.memref_slice %arg3[%dma_wait3A_76] : memref<320000xi32, #tpu.memory_space<hbm>> -> memref<80xi32, #tpu.memory_space<hbm>>
    tpu.wait_dma2 semaphore(%arg20 : memref<!tpu.dma_semaphore, #tpu.memory_space<semaphore_mem>>) src(%dma_wait3A_77 : memref<80xi32, #tpu.memory_space<hbm>>) dst(%arg11 : memref<80xi32, #tpu.memory_space<vmem>>)
    %dma_wait3A_78 = arith.constant 0 : i32
    %dma_wait3A_79 = tpu.memref_slice %arg3[%dma_wait3A_78] : memref<320000xi32, #tpu.memory_space<hbm>> -> memref<80xi32, #tpu.memory_space<hbm>>
    %dma_wait3A_80 = arith.constant 0 : i32
    %dma_wait3A_81 = tpu.memref_slice %arg3[%dma_wait3A_80] : memref<320000xi32, #tpu.memory_space<hbm>> -> memref<80xi32, #tpu.memory_space<hbm>>
    tpu.wait_dma2 semaphore(%arg21 : memref<!tpu.dma_semaphore, #tpu.memory_space<semaphore_mem>>) src(%dma_wait3A_81 : memref<80xi32, #tpu.memory_space<hbm>>) dst(%arg12 : memref<80xi32, #tpu.memory_space<vmem>>)
    %barrier3A_82 = arith.constant 0 : index
    tpu.barrier barrier_id(%barrier3A_82)
    %mul3A_83 = arith.constant 640 : i32
    %mul3A_84 = arith.muli %arg1, %mul3A_83 : i32
    %mul3A_85 = arith.constant 640 : i32
    %mul3A_86 = arith.muli %arg1, %mul3A_85 : i32
    "tpu.region"() ({
      %run_scoped3A = tpu.sem_alloc : memref<!tpu.dma_semaphore, #tpu.memory_space<semaphore_mem>>
      %dma_start3A_87 = arith.constant 0 : i32
      %dma_start3A_88 = tpu.memref_slice %arg5[%arg0, %mul3A_86, %dma_start3A_87] : memref<2x10240x128xf32, #tpu.memory_space<hbm>> -> memref<1x640x128xf32, #tpu.memory_space<hbm>>
      %dma_start3A_89 = tpu.memref_squeeze %dma_start3A_88 : memref<1x640x128xf32, #tpu.memory_space<hbm>> -> memref<640x128xf32, #tpu.memory_space<hbm>>
      %dma_start3A_90 = arith.constant 0 : i32
      %dma_start3A_91 = tpu.memref_slice %arg6[%mul3A_84, %dma_start3A_90] : memref<10240x128xf32, #tpu.memory_space<vmem_shared>> -> memref<640x128xf32, #tpu.memory_space<vmem_shared>>
      tpu.enqueue_dma source(%dma_start3A_91 : memref<640x128xf32, #tpu.memory_space<vmem_shared>>) target(%dma_start3A_89 : memref<640x128xf32, #tpu.memory_space<hbm>>) target_semaphore(%run_scoped3A : memref<!tpu.dma_semaphore, #tpu.memory_space<semaphore_mem>>)
      %dma_wait3A_92 = arith.constant 0 : i32
      %dma_wait3A_93 = tpu.memref_slice %arg5[%arg0, %mul3A_86, %dma_wait3A_92] : memref<2x10240x128xf32, #tpu.memory_space<hbm>> -> memref<1x640x128xf32, #tpu.memory_space<hbm>>
      %dma_wait3A_94 = tpu.memref_squeeze %dma_wait3A_93 : memref<1x640x128xf32, #tpu.memory_space<hbm>> -> memref<640x128xf32, #tpu.memory_space<hbm>>
      %dma_wait3A_95 = arith.constant 0 : i32
      %dma_wait3A_96 = tpu.memref_slice %arg6[%mul3A_84, %dma_wait3A_95] : memref<10240x128xf32, #tpu.memory_space<vmem_shared>> -> memref<640x128xf32, #tpu.memory_space<vmem_shared>>
      tpu.wait_dma2 semaphore(%run_scoped3A : memref<!tpu.dma_semaphore, #tpu.memory_space<semaphore_mem>>) src(%dma_wait3A_96 : memref<640x128xf32, #tpu.memory_space<vmem_shared>>) dst(%dma_wait3A_94 : memref<640x128xf32, #tpu.memory_space<hbm>>)
      tpu.yield
    }) : () -> ()
    return
  }
}

#map = affine_map<(d0, d1) -> (0, 0)>
#map1 = affine_map<(d0, d1) -> (0)>
#map2 = affine_map<(d0, d1) -> (0, 0, 0)>
module attributes {stable_mosaic.version = 14 : i64} {
  func.func @_scatter_pass(%arg0: i32, %arg1: i32, %arg2: memref<10240x128xf32, #tpu.memory_space<hbm>>, %arg3: memref<320000xi32, #tpu.memory_space<hbm>>, %arg4: memref<320000xi32, #tpu.memory_space<hbm>>, %arg5: memref<2x10240x128xf32, #tpu.memory_space<hbm>>, %arg6: memref<10240x128xf32, #tpu.memory_space<vmem_shared>>, %arg7: memref<80xi32, #tpu.memory_space<vmem>>, %arg8: memref<80xi32, #tpu.memory_space<vmem>>, %arg9: memref<80xi32, #tpu.memory_space<vmem>>, %arg10: memref<80xi32, #tpu.memory_space<vmem>>, %arg11: memref<80xi32, #tpu.memory_space<vmem>>, %arg12: memref<80xi32, #tpu.memory_space<vmem>>, %arg13: memref<80x128xf32, #tpu.memory_space<vmem>>, %arg14: memref<80x128xf32, #tpu.memory_space<vmem>>, %arg15: memref<80x128xf32, #tpu.memory_space<vmem>>, %arg16: memref<!tpu.dma_semaphore, #tpu.memory_space<semaphore_mem>>, %arg17: memref<!tpu.dma_semaphore, #tpu.memory_space<semaphore_mem>>, %arg18: memref<!tpu.dma_semaphore, #tpu.memory_space<semaphore_mem>>, %arg19: memref<!tpu.dma_semaphore, #tpu.memory_space<semaphore_mem>>, %arg20: memref<!tpu.dma_semaphore, #tpu.memory_space<semaphore_mem>>, %arg21: memref<!tpu.dma_semaphore, #tpu.memory_space<semaphore_mem>>, %arg22: memref<!tpu.dma_semaphore, #tpu.memory_space<semaphore_mem>>, %arg23: memref<!tpu.dma_semaphore, #tpu.memory_space<semaphore_mem>>, %arg24: memref<!tpu.dma_semaphore, #tpu.memory_space<semaphore_mem>>) attributes {dimension_semantics = [#tpu.dimension_semantics<core_parallel>, #tpu.dimension_semantics<subcore_parallel>], iteration_bounds = array<i64: 2, 16>, scalar_prefetch = 0 : i64, scratch_operands = 19 : i64, tpu.core_type = #tpu.core_type<sc_vector_subcore>, window_params = [{transform_indices = #map}, {transform_indices = #map1}, {transform_indices = #map1}, {transform_indices = #map2}]} {
    %mul3A = arith.constant 16 : i32
    %mul3A_0 = arith.muli %arg0, %mul3A : i32
    %add3A = arith.addi %mul3A_0, %arg1 : i32
    %mul3A_1 = arith.constant 10000 : i32
    %mul3A_2 = arith.muli %add3A, %mul3A_1 : i32
    %broadcast_in_dim3A = arith.constant 0.000000e+00 : f32
    %broadcast_in_dim3A_3 = vector.broadcast %broadcast_in_dim3A : f32 to vector<16xf32>
    %scan3A = arith.constant 0 : i32
    %scan3A_4 = arith.constant 80 : i32
    %scan3A_5 = arith.addi %scan3A, %scan3A_4 : i32
    %scan3A_6 = arith.constant 1 : i32
    scf.for %scan3A_87 = %scan3A to %scan3A_5 step %scan3A_6  : i32 {
      %mul3A_88 = arith.constant 1 : i32
      %mul3A_89 = arith.muli %scan3A_87, %mul3A_88 : i32
      %add3A_90 = arith.constant 0 : i32
      %add3A_91 = arith.addi %add3A_90, %mul3A_89 : i32
      %scan3A_92 = arith.constant 0 : i32
      %scan3A_93 = arith.constant 8 : i32
      %scan3A_94 = arith.addi %scan3A_92, %scan3A_93 : i32
      %scan3A_95 = arith.constant 1 : i32
      scf.for %scan3A_97 = %scan3A_92 to %scan3A_94 step %scan3A_95  : i32 {
        %mul3A_98 = arith.constant 1 : i32
        %mul3A_99 = arith.muli %scan3A_97, %mul3A_98 : i32
        %add3A_100 = arith.constant 0 : i32
        %add3A_101 = arith.addi %add3A_100, %mul3A_99 : i32
        %mul3A_102 = arith.constant 16 : i32
        %mul3A_103 = arith.muli %add3A_101, %mul3A_102 : i32
        %swap3A = arith.index_cast %add3A_91 : i32 to index
        %swap3A_104 = arith.index_cast %mul3A_103 : i32 to index
        %swap3A_105 = tpu.vector_load %arg13[%swap3A, %swap3A_104] {strides = array<i32>} : memref<80x128xf32, #tpu.memory_space<vmem>>, vector<1x16xf32>,
        %swap3A_106 = vector.shape_cast %swap3A_105 : vector<1x16xf32> to vector<16xf32>
        %swap3A_107 = vector.shape_cast %broadcast_in_dim3A_3 : vector<16xf32> to vector<1x16xf32>
        tpu.vector_store %arg13[%swap3A, %swap3A_104], %swap3A_107 {strides = array<i32>} : memref<80x128xf32, #tpu.memory_space<vmem>>, vector<1x16xf32>,
      }
      %scan3A_96 = arith.constant 8 : i32
    }
    %scan3A_7 = arith.constant 80 : i32
    %scan3A_8 = arith.constant 0 : i32
    %scan3A_9 = arith.constant 8 : i32
    %scan3A_10 = arith.addi %scan3A_8, %scan3A_9 : i32
    %scan3A_11 = arith.constant 1 : i32
    scf.for %scan3A_87 = %scan3A_8 to %scan3A_10 step %scan3A_11  : i32 {
      %mul3A_88 = arith.constant 1 : i32
      %mul3A_89 = arith.muli %scan3A_87, %mul3A_88 : i32
      %add3A_90 = arith.constant 0 : i32
      %add3A_91 = arith.addi %add3A_90, %mul3A_89 : i32
      %mul3A_92 = arith.constant 640 : i32
      %mul3A_93 = arith.muli %arg1, %mul3A_92 : i32
      %mul3A_94 = arith.constant 80 : i32
      %mul3A_95 = arith.muli %add3A_91, %mul3A_94 : i32
      %add3A_96 = arith.addi %mul3A_93, %mul3A_95 : i32
      "tpu.region"() ({
        %run_scoped3A = tpu.sem_alloc : memref<!tpu.dma_semaphore, #tpu.memory_space<semaphore_mem>>
        %dma_start3A_97 = arith.constant 0 : i32
        %dma_start3A_98 = tpu.memref_slice %arg6[%add3A_96, %dma_start3A_97] : memref<10240x128xf32, #tpu.memory_space<vmem_shared>> -> memref<80x128xf32, #tpu.memory_space<vmem_shared>>
        %dma_start3A_99 = arith.constant 0 : i32
        %dma_start3A_100 = tpu.memref_slice %arg6[%add3A_96, %dma_start3A_99] : memref<10240x128xf32, #tpu.memory_space<vmem_shared>> -> memref<80x128xf32, #tpu.memory_space<vmem_shared>>
        tpu.enqueue_dma source(%arg13 : memref<80x128xf32, #tpu.memory_space<vmem>>) target(%dma_start3A_100 : memref<80x128xf32, #tpu.memory_space<vmem_shared>>) target_semaphore(%run_scoped3A : memref<!tpu.dma_semaphore, #tpu.memory_space<semaphore_mem>>)
        %dma_wait3A_101 = arith.constant 0 : i32
        %dma_wait3A_102 = tpu.memref_slice %arg6[%add3A_96, %dma_wait3A_101] : memref<10240x128xf32, #tpu.memory_space<vmem_shared>> -> memref<80x128xf32, #tpu.memory_space<vmem_shared>>
        %dma_wait3A_103 = arith.constant 0 : i32
        %dma_wait3A_104 = tpu.memref_slice %arg6[%add3A_96, %dma_wait3A_103] : memref<10240x128xf32, #tpu.memory_space<vmem_shared>> -> memref<80x128xf32, #tpu.memory_space<vmem_shared>>
        tpu.wait_dma2 semaphore(%run_scoped3A : memref<!tpu.dma_semaphore, #tpu.memory_space<semaphore_mem>>) src(%arg13 : memref<80x128xf32, #tpu.memory_space<vmem>>) dst(%dma_wait3A_104 : memref<80x128xf32, #tpu.memory_space<vmem_shared>>)
        tpu.yield
      }) : () -> ()
    }
    %scan3A_12 = arith.constant 8 : i32
    %add3A_13 = arith.constant 0 : i32
    %add3A_14 = arith.addi %mul3A_2, %add3A_13 : i32
    %dma_start3A = tpu.memref_slice %arg3[%add3A_14] : memref<320000xi32, #tpu.memory_space<hbm>> -> memref<80xi32, #tpu.memory_space<hbm>>
    %dma_start3A_15 = tpu.memref_slice %arg3[%add3A_14] : memref<320000xi32, #tpu.memory_space<hbm>> -> memref<80xi32, #tpu.memory_space<hbm>>
    tpu.enqueue_dma source(%dma_start3A_15 : memref<80xi32, #tpu.memory_space<hbm>>) target(%arg7 : memref<80xi32, #tpu.memory_space<vmem>>) target_semaphore(%arg16 : memref<!tpu.dma_semaphore, #tpu.memory_space<semaphore_mem>>)
    %add3A_16 = arith.constant 0 : i32
    %add3A_17 = arith.addi %mul3A_2, %add3A_16 : i32
    %dma_start3A_18 = tpu.memref_slice %arg4[%add3A_17] : memref<320000xi32, #tpu.memory_space<hbm>> -> memref<80xi32, #tpu.memory_space<hbm>>
    %dma_start3A_19 = tpu.memref_slice %arg4[%add3A_17] : memref<320000xi32, #tpu.memory_space<hbm>> -> memref<80xi32, #tpu.memory_space<hbm>>
    tpu.enqueue_dma source(%dma_start3A_19 : memref<80xi32, #tpu.memory_space<hbm>>) target(%arg8 : memref<80xi32, #tpu.memory_space<vmem>>) target_semaphore(%arg17 : memref<!tpu.dma_semaphore, #tpu.memory_space<semaphore_mem>>)
    %add3A_20 = arith.constant 80 : i32
    %add3A_21 = arith.addi %mul3A_2, %add3A_20 : i32
    %dma_start3A_22 = tpu.memref_slice %arg3[%add3A_21] : memref<320000xi32, #tpu.memory_space<hbm>> -> memref<80xi32, #tpu.memory_space<hbm>>
    %dma_start3A_23 = tpu.memref_slice %arg3[%add3A_21] : memref<320000xi32, #tpu.memory_space<hbm>> -> memref<80xi32, #tpu.memory_space<hbm>>
    tpu.enqueue_dma source(%dma_start3A_23 : memref<80xi32, #tpu.memory_space<hbm>>) target(%arg9 : memref<80xi32, #tpu.memory_space<vmem>>) target_semaphore(%arg18 : memref<!tpu.dma_semaphore, #tpu.memory_space<semaphore_mem>>)
    %add3A_24 = arith.constant 80 : i32
    %add3A_25 = arith.addi %mul3A_2, %add3A_24 : i32
    %dma_start3A_26 = tpu.memref_slice %arg4[%add3A_25] : memref<320000xi32, #tpu.memory_space<hbm>> -> memref<80xi32, #tpu.memory_space<hbm>>
    %dma_start3A_27 = tpu.memref_slice %arg4[%add3A_25] : memref<320000xi32, #tpu.memory_space<hbm>> -> memref<80xi32, #tpu.memory_space<hbm>>
    tpu.enqueue_dma source(%dma_start3A_27 : memref<80xi32, #tpu.memory_space<hbm>>) target(%arg10 : memref<80xi32, #tpu.memory_space<vmem>>) target_semaphore(%arg19 : memref<!tpu.dma_semaphore, #tpu.memory_space<semaphore_mem>>)
    %add3A_28 = arith.constant 160 : i32
    %add3A_29 = arith.addi %mul3A_2, %add3A_28 : i32
    %dma_start3A_30 = tpu.memref_slice %arg3[%add3A_29] : memref<320000xi32, #tpu.memory_space<hbm>> -> memref<80xi32, #tpu.memory_space<hbm>>
    %dma_start3A_31 = tpu.memref_slice %arg3[%add3A_29] : memref<320000xi32, #tpu.memory_space<hbm>> -> memref<80xi32, #tpu.memory_space<hbm>>
    tpu.enqueue_dma source(%dma_start3A_31 : memref<80xi32, #tpu.memory_space<hbm>>) target(%arg11 : memref<80xi32, #tpu.memory_space<vmem>>) target_semaphore(%arg20 : memref<!tpu.dma_semaphore, #tpu.memory_space<semaphore_mem>>)
    %add3A_32 = arith.constant 160 : i32
    %add3A_33 = arith.addi %mul3A_2, %add3A_32 : i32
    %dma_start3A_34 = tpu.memref_slice %arg4[%add3A_33] : memref<320000xi32, #tpu.memory_space<hbm>> -> memref<80xi32, #tpu.memory_space<hbm>>
    %dma_start3A_35 = tpu.memref_slice %arg4[%add3A_33] : memref<320000xi32, #tpu.memory_space<hbm>> -> memref<80xi32, #tpu.memory_space<hbm>>
    tpu.enqueue_dma source(%dma_start3A_35 : memref<80xi32, #tpu.memory_space<hbm>>) target(%arg12 : memref<80xi32, #tpu.memory_space<vmem>>) target_semaphore(%arg21 : memref<!tpu.dma_semaphore, #tpu.memory_space<semaphore_mem>>)
    %dma_wait3A = arith.constant 0 : i32
    %dma_wait3A_36 = tpu.memref_slice %arg3[%dma_wait3A] : memref<320000xi32, #tpu.memory_space<hbm>> -> memref<80xi32, #tpu.memory_space<hbm>>
    %dma_wait3A_37 = arith.constant 0 : i32
    %dma_wait3A_38 = tpu.memref_slice %arg3[%dma_wait3A_37] : memref<320000xi32, #tpu.memory_space<hbm>> -> memref<80xi32, #tpu.memory_space<hbm>>
    tpu.wait_dma2 semaphore(%arg16 : memref<!tpu.dma_semaphore, #tpu.memory_space<semaphore_mem>>) src(%dma_wait3A_38 : memref<80xi32, #tpu.memory_space<hbm>>) dst(%arg7 : memref<80xi32, #tpu.memory_space<vmem>>)
    %dma_wait3A_39 = arith.constant 0 : i32
    %dma_wait3A_40 = tpu.memref_slice %arg3[%dma_wait3A_39] : memref<320000xi32, #tpu.memory_space<hbm>> -> memref<80xi32, #tpu.memory_space<hbm>>
    %dma_wait3A_41 = arith.constant 0 : i32
    %dma_wait3A_42 = tpu.memref_slice %arg3[%dma_wait3A_41] : memref<320000xi32, #tpu.memory_space<hbm>> -> memref<80xi32, #tpu.memory_space<hbm>>
    tpu.wait_dma2 semaphore(%arg17 : memref<!tpu.dma_semaphore, #tpu.memory_space<semaphore_mem>>) src(%dma_wait3A_42 : memref<80xi32, #tpu.memory_space<hbm>>) dst(%arg8 : memref<80xi32, #tpu.memory_space<vmem>>)
    %dma_start3A_43 = arith.constant 0 : i32
    %dma_start3A_44 = arith.constant 0 : i32
    %dma_start3A_45 = tpu.memref_slice %arg2[%dma_start3A_43, %dma_start3A_44] : memref<10240x128xf32, #tpu.memory_space<hbm>> -> memref<10240x128xf32, #tpu.memory_space<hbm>>
    tpu.enqueue_indirect_dma source(%dma_start3A_45 : memref<10240x128xf32, #tpu.memory_space<hbm>>) target(%arg13 : memref<80x128xf32, #tpu.memory_space<vmem>>) offsets(%arg7 : memref<80xi32, #tpu.memory_space<vmem>>) semaphore(%arg22 : memref<!tpu.dma_semaphore, #tpu.memory_space<semaphore_mem>>)
    %dma_wait3A_46 = arith.constant 0 : i32
    %dma_wait3A_47 = tpu.memref_slice %arg3[%dma_wait3A_46] : memref<320000xi32, #tpu.memory_space<hbm>> -> memref<80xi32, #tpu.memory_space<hbm>>
    %dma_wait3A_48 = arith.constant 0 : i32
    %dma_wait3A_49 = tpu.memref_slice %arg3[%dma_wait3A_48] : memref<320000xi32, #tpu.memory_space<hbm>> -> memref<80xi32, #tpu.memory_space<hbm>>
    tpu.wait_dma2 semaphore(%arg18 : memref<!tpu.dma_semaphore, #tpu.memory_space<semaphore_mem>>) src(%dma_wait3A_49 : memref<80xi32, #tpu.memory_space<hbm>>) dst(%arg9 : memref<80xi32, #tpu.memory_space<vmem>>)
    %dma_wait3A_50 = arith.constant 0 : i32
    %dma_wait3A_51 = tpu.memref_slice %arg3[%dma_wait3A_50] : memref<320000xi32, #tpu.memory_space<hbm>> -> memref<80xi32, #tpu.memory_space<hbm>>
    %dma_wait3A_52 = arith.constant 0 : i32
    %dma_wait3A_53 = tpu.memref_slice %arg3[%dma_wait3A_52] : memref<320000xi32, #tpu.memory_space<hbm>> -> memref<80xi32, #tpu.memory_space<hbm>>
    tpu.wait_dma2 semaphore(%arg19 : memref<!tpu.dma_semaphore, #tpu.memory_space<semaphore_mem>>) src(%dma_wait3A_53 : memref<80xi32, #tpu.memory_space<hbm>>) dst(%arg10 : memref<80xi32, #tpu.memory_space<vmem>>)
    %dma_start3A_54 = arith.constant 0 : i32
    %dma_start3A_55 = arith.constant 0 : i32
    %dma_start3A_56 = tpu.memref_slice %arg2[%dma_start3A_54, %dma_start3A_55] : memref<10240x128xf32, #tpu.memory_space<hbm>> -> memref<10240x128xf32, #tpu.memory_space<hbm>>
    tpu.enqueue_indirect_dma source(%dma_start3A_56 : memref<10240x128xf32, #tpu.memory_space<hbm>>) target(%arg14 : memref<80x128xf32, #tpu.memory_space<vmem>>) offsets(%arg9 : memref<80xi32, #tpu.memory_space<vmem>>) semaphore(%arg23 : memref<!tpu.dma_semaphore, #tpu.memory_space<semaphore_mem>>)
    %barrier3A = arith.constant 0 : index
    tpu.barrier barrier_id(%barrier3A)
    %scan3A_57 = arith.constant 0 : i32
    %scan3A_58 = arith.constant 41 : i32
    %scan3A_59 = arith.addi %scan3A_57, %scan3A_58 : i32
    %scan3A_60 = arith.constant 1 : i32
    scf.for %scan3A_87 = %scan3A_57 to %scan3A_59 step %scan3A_60  : i32 {
      %mul3A_88 = arith.constant 3 : i32
      %mul3A_89 = arith.muli %scan3A_87, %mul3A_88 : i32
      %add3A_90 = arith.constant 0 : i32
      %add3A_91 = arith.addi %add3A_90, %mul3A_89 : i32
      %dma_wait3A_92 = arith.constant 0 : i32
      %dma_wait3A_93 = tpu.memref_slice %arg3[%dma_wait3A_92] : memref<320000xi32, #tpu.memory_space<hbm>> -> memref<80xi32, #tpu.memory_space<hbm>>
      %dma_wait3A_94 = arith.constant 0 : i32
      %dma_wait3A_95 = tpu.memref_slice %arg3[%dma_wait3A_94] : memref<320000xi32, #tpu.memory_space<hbm>> -> memref<80xi32, #tpu.memory_space<hbm>>
      tpu.wait_dma2 semaphore(%arg20 : memref<!tpu.dma_semaphore, #tpu.memory_space<semaphore_mem>>) src(%dma_wait3A_95 : memref<80xi32, #tpu.memory_space<hbm>>) dst(%arg11 : memref<80xi32, #tpu.memory_space<vmem>>)
      %dma_wait3A_96 = arith.constant 0 : i32
      %dma_wait3A_97 = tpu.memref_slice %arg3[%dma_wait3A_96] : memref<320000xi32, #tpu.memory_space<hbm>> -> memref<80xi32, #tpu.memory_space<hbm>>
      %dma_wait3A_98 = arith.constant 0 : i32
      %dma_wait3A_99 = tpu.memref_slice %arg3[%dma_wait3A_98] : memref<320000xi32, #tpu.memory_space<hbm>> -> memref<80xi32, #tpu.memory_space<hbm>>
      tpu.wait_dma2 semaphore(%arg21 : memref<!tpu.dma_semaphore, #tpu.memory_space<semaphore_mem>>) src(%dma_wait3A_99 : memref<80xi32, #tpu.memory_space<hbm>>) dst(%arg12 : memref<80xi32, #tpu.memory_space<vmem>>)
      %dma_start3A_100 = arith.constant 0 : i32
      %dma_start3A_101 = arith.constant 0 : i32
      %dma_start3A_102 = tpu.memref_slice %arg2[%dma_start3A_100, %dma_start3A_101] : memref<10240x128xf32, #tpu.memory_space<hbm>> -> memref<10240x128xf32, #tpu.memory_space<hbm>>
      tpu.enqueue_indirect_dma source(%dma_start3A_102 : memref<10240x128xf32, #tpu.memory_space<hbm>>) target(%arg15 : memref<80x128xf32, #tpu.memory_space<vmem>>) offsets(%arg11 : memref<80xi32, #tpu.memory_space<vmem>>) semaphore(%arg24 : memref<!tpu.dma_semaphore, #tpu.memory_space<semaphore_mem>>)
      %dma_wait3A_103 = arith.constant 0 : i32
      %dma_wait3A_104 = arith.constant 0 : i32
      %dma_wait3A_105 = tpu.memref_slice %arg2[%dma_wait3A_103, %dma_wait3A_104] : memref<10240x128xf32, #tpu.memory_space<hbm>> -> memref<80x128xf32, #tpu.memory_space<hbm>>
      %dma_wait3A_106 = arith.constant 0 : i32
      %dma_wait3A_107 = arith.constant 0 : i32
      %dma_wait3A_108 = tpu.memref_slice %arg2[%dma_wait3A_106, %dma_wait3A_107] : memref<10240x128xf32, #tpu.memory_space<hbm>> -> memref<80x128xf32, #tpu.memory_space<hbm>>
      tpu.wait_dma2 semaphore(%arg22 : memref<!tpu.dma_semaphore, #tpu.memory_space<semaphore_mem>>) src(%dma_wait3A_108 : memref<80x128xf32, #tpu.memory_space<hbm>>) dst(%arg13 : memref<80x128xf32, #tpu.memory_space<vmem>>)
      "tpu.region"() ({
        %run_scoped3A = tpu.sem_alloc : memref<!tpu.dma_semaphore, #tpu.memory_space<semaphore_mem>>
        %dma_start3A_180 = arith.constant 0 : i32
        %dma_start3A_181 = arith.constant 0 : i32
        %dma_start3A_182 = tpu.memref_slice %arg6[%dma_start3A_180, %dma_start3A_181] : memref<10240x128xf32, #tpu.memory_space<vmem_shared>> -> memref<10240x128xf32, #tpu.memory_space<vmem_shared>>
        tpu.enqueue_indirect_dma source(%arg13 : memref<80x128xf32, #tpu.memory_space<vmem>>) target(%dma_start3A_182 : memref<10240x128xf32, #tpu.memory_space<vmem_shared>>) offsets(%arg8 : memref<80xi32, #tpu.memory_space<vmem>>) semaphore(%run_scoped3A : memref<!tpu.dma_semaphore, #tpu.memory_space<semaphore_mem>>) {add = true}
        %dma_wait3A_183 = arith.constant 0 : i32
        %dma_wait3A_184 = arith.constant 0 : i32
        %dma_wait3A_185 = tpu.memref_slice %arg6[%dma_wait3A_183, %dma_wait3A_184] : memref<10240x128xf32, #tpu.memory_space<vmem_shared>> -> memref<10240x128xf32, #tpu.memory_space<vmem_shared>>
        tpu.wait_indirect_dma semaphore(%run_scoped3A : memref<!tpu.dma_semaphore, #tpu.memory_space<semaphore_mem>>) src(%arg13 : memref<80x128xf32, #tpu.memory_space<vmem>>) dst(%dma_wait3A_185 : memref<10240x128xf32, #tpu.memory_space<vmem_shared>>)
        tpu.yield
      }) : () -> ()
      %add3A_109 = arith.constant 3 : i32
      %add3A_110 = arith.addi %add3A_91, %add3A_109 : i32
      %mul3A_111 = arith.constant 80 : i32
      %mul3A_112 = arith.muli %add3A_110, %mul3A_111 : i32
      %add3A_113 = arith.addi %mul3A_2, %mul3A_112 : i32
      %dma_start3A_114 = tpu.memref_slice %arg3[%add3A_113] : memref<320000xi32, #tpu.memory_space<hbm>> -> memref<80xi32, #tpu.memory_space<hbm>>
      %dma_start3A_115 = tpu.memref_slice %arg3[%add3A_113] : memref<320000xi32, #tpu.memory_space<hbm>> -> memref<80xi32, #tpu.memory_space<hbm>>
      tpu.enqueue_dma source(%dma_start3A_115 : memref<80xi32, #tpu.memory_space<hbm>>) target(%arg7 : memref<80xi32, #tpu.memory_space<vmem>>) target_semaphore(%arg16 : memref<!tpu.dma_semaphore, #tpu.memory_space<semaphore_mem>>)
      %mul3A_116 = arith.constant 80 : i32
      %mul3A_117 = arith.muli %add3A_110, %mul3A_116 : i32
      %add3A_118 = arith.addi %mul3A_2, %mul3A_117 : i32
      %dma_start3A_119 = tpu.memref_slice %arg4[%add3A_118] : memref<320000xi32, #tpu.memory_space<hbm>> -> memref<80xi32, #tpu.memory_space<hbm>>
      %dma_start3A_120 = tpu.memref_slice %arg4[%add3A_118] : memref<320000xi32, #tpu.memory_space<hbm>> -> memref<80xi32, #tpu.memory_space<hbm>>
      tpu.enqueue_dma source(%dma_start3A_120 : memref<80xi32, #tpu.memory_space<hbm>>) target(%arg8 : memref<80xi32, #tpu.memory_space<vmem>>) target_semaphore(%arg17 : memref<!tpu.dma_semaphore, #tpu.memory_space<semaphore_mem>>)
      %dma_wait3A_121 = arith.constant 0 : i32
      %dma_wait3A_122 = arith.constant 0 : i32
      %dma_wait3A_123 = tpu.memref_slice %arg2[%dma_wait3A_121, %dma_wait3A_122] : memref<10240x128xf32, #tpu.memory_space<hbm>> -> memref<80x128xf32, #tpu.memory_space<hbm>>
      %dma_wait3A_124 = arith.constant 0 : i32
      %dma_wait3A_125 = arith.constant 0 : i32
      %dma_wait3A_126 = tpu.memref_slice %arg2[%dma_wait3A_124, %dma_wait3A_125] : memref<10240x128xf32, #tpu.memory_space<hbm>> -> memref<80x128xf32, #tpu.memory_space<hbm>>
      tpu.wait_dma2 semaphore(%arg23 : memref<!tpu.dma_semaphore, #tpu.memory_space<semaphore_mem>>) src(%dma_wait3A_126 : memref<80x128xf32, #tpu.memory_space<hbm>>) dst(%arg14 : memref<80x128xf32, #tpu.memory_space<vmem>>)
      "tpu.region"() ({
        %run_scoped3A = tpu.sem_alloc : memref<!tpu.dma_semaphore, #tpu.memory_space<semaphore_mem>>
        %dma_start3A_180 = arith.constant 0 : i32
        %dma_start3A_181 = arith.constant 0 : i32
        %dma_start3A_182 = tpu.memref_slice %arg6[%dma_start3A_180, %dma_start3A_181] : memref<10240x128xf32, #tpu.memory_space<vmem_shared>> -> memref<10240x128xf32, #tpu.memory_space<vmem_shared>>
        tpu.enqueue_indirect_dma source(%arg14 : memref<80x128xf32, #tpu.memory_space<vmem>>) target(%dma_start3A_182 : memref<10240x128xf32, #tpu.memory_space<vmem_shared>>) offsets(%arg10 : memref<80xi32, #tpu.memory_space<vmem>>) semaphore(%run_scoped3A : memref<!tpu.dma_semaphore, #tpu.memory_space<semaphore_mem>>) {add = true}
        %dma_wait3A_183 = arith.constant 0 : i32
        %dma_wait3A_184 = arith.constant 0 : i32
        %dma_wait3A_185 = tpu.memref_slice %arg6[%dma_wait3A_183, %dma_wait3A_184] : memref<10240x128xf32, #tpu.memory_space<vmem_shared>> -> memref<10240x128xf32, #tpu.memory_space<vmem_shared>>
        tpu.wait_indirect_dma semaphore(%run_scoped3A : memref<!tpu.dma_semaphore, #tpu.memory_space<semaphore_mem>>) src(%arg14 : memref<80x128xf32, #tpu.memory_space<vmem>>) dst(%dma_wait3A_185 : memref<10240x128xf32, #tpu.memory_space<vmem_shared>>)
        tpu.yield
      }) : () -> ()
      %add3A_127 = arith.constant 4 : i32
      %add3A_128 = arith.addi %add3A_91, %add3A_127 : i32
      %mul3A_129 = arith.constant 80 : i32
      %mul3A_130 = arith.muli %add3A_128, %mul3A_129 : i32
      %add3A_131 = arith.addi %mul3A_2, %mul3A_130 : i32
      %dma_start3A_132 = tpu.memref_slice %arg3[%add3A_131] : memref<320000xi32, #tpu.memory_space<hbm>> -> memref<80xi32, #tpu.memory_space<hbm>>
      %dma_start3A_133 = tpu.memref_slice %arg3[%add3A_131] : memref<320000xi32, #tpu.memory_space<hbm>> -> memref<80xi32, #tpu.memory_space<hbm>>
      tpu.enqueue_dma source(%dma_start3A_133 : memref<80xi32, #tpu.memory_space<hbm>>) target(%arg9 : memref<80xi32, #tpu.memory_space<vmem>>) target_semaphore(%arg18 : memref<!tpu.dma_semaphore, #tpu.memory_space<semaphore_mem>>)
      %mul3A_134 = arith.constant 80 : i32
      %mul3A_135 = arith.muli %add3A_128, %mul3A_134 : i32
      %add3A_136 = arith.addi %mul3A_2, %mul3A_135 : i32
      %dma_start3A_137 = tpu.memref_slice %arg4[%add3A_136] : memref<320000xi32, #tpu.memory_space<hbm>> -> memref<80xi32, #tpu.memory_space<hbm>>
      %dma_start3A_138 = tpu.memref_slice %arg4[%add3A_136] : memref<320000xi32, #tpu.memory_space<hbm>> -> memref<80xi32, #tpu.memory_space<hbm>>
      tpu.enqueue_dma source(%dma_start3A_138 : memref<80xi32, #tpu.memory_space<hbm>>) target(%arg10 : memref<80xi32, #tpu.memory_space<vmem>>) target_semaphore(%arg19 : memref<!tpu.dma_semaphore, #tpu.memory_space<semaphore_mem>>)
      %dma_wait3A_139 = arith.constant 0 : i32
      %dma_wait3A_140 = tpu.memref_slice %arg3[%dma_wait3A_139] : memref<320000xi32, #tpu.memory_space<hbm>> -> memref<80xi32, #tpu.memory_space<hbm>>
      %dma_wait3A_141 = arith.constant 0 : i32
      %dma_wait3A_142 = tpu.memref_slice %arg3[%dma_wait3A_141] : memref<320000xi32, #tpu.memory_space<hbm>> -> memref<80xi32, #tpu.memory_space<hbm>>
      tpu.wait_dma2 semaphore(%arg16 : memref<!tpu.dma_semaphore, #tpu.memory_space<semaphore_mem>>) src(%dma_wait3A_142 : memref<80xi32, #tpu.memory_space<hbm>>) dst(%arg7 : memref<80xi32, #tpu.memory_space<vmem>>)
      %dma_wait3A_143 = arith.constant 0 : i32
      %dma_wait3A_144 = tpu.memref_slice %arg3[%dma_wait3A_143] : memref<320000xi32, #tpu.memory_space<hbm>> -> memref<80xi32, #tpu.memory_space<hbm>>
      %dma_wait3A_145 = arith.constant 0 : i32
      %dma_wait3A_146 = tpu.memref_slice %arg3[%dma_wait3A_145] : memref<320000xi32, #tpu.memory_space<hbm>> -> memref<80xi32, #tpu.memory_space<hbm>>
      tpu.wait_dma2 semaphore(%arg17 : memref<!tpu.dma_semaphore, #tpu.memory_space<semaphore_mem>>) src(%dma_wait3A_146 : memref<80xi32, #tpu.memory_space<hbm>>) dst(%arg8 : memref<80xi32, #tpu.memory_space<vmem>>)
      %dma_start3A_147 = arith.constant 0 : i32
      %dma_start3A_148 = arith.constant 0 : i32
      %dma_start3A_149 = tpu.memref_slice %arg2[%dma_start3A_147, %dma_start3A_148] : memref<10240x128xf32, #tpu.memory_space<hbm>> -> memref<10240x128xf32, #tpu.memory_space<hbm>>
      tpu.enqueue_indirect_dma source(%dma_start3A_149 : memref<10240x128xf32, #tpu.memory_space<hbm>>) target(%arg13 : memref<80x128xf32, #tpu.memory_space<vmem>>) offsets(%arg7 : memref<80xi32, #tpu.memory_space<vmem>>) semaphore(%arg22 : memref<!tpu.dma_semaphore, #tpu.memory_space<semaphore_mem>>)
      %dma_wait3A_150 = arith.constant 0 : i32
      %dma_wait3A_151 = arith.constant 0 : i32
      %dma_wait3A_152 = tpu.memref_slice %arg2[%dma_wait3A_150, %dma_wait3A_151] : memref<10240x128xf32, #tpu.memory_space<hbm>> -> memref<80x128xf32, #tpu.memory_space<hbm>>
      %dma_wait3A_153 = arith.constant 0 : i32
      %dma_wait3A_154 = arith.constant 0 : i32
      %dma_wait3A_155 = tpu.memref_slice %arg2[%dma_wait3A_153, %dma_wait3A_154] : memref<10240x128xf32, #tpu.memory_space<hbm>> -> memref<80x128xf32, #tpu.memory_space<hbm>>
      tpu.wait_dma2 semaphore(%arg24 : memref<!tpu.dma_semaphore, #tpu.memory_space<semaphore_mem>>) src(%dma_wait3A_155 : memref<80x128xf32, #tpu.memory_space<hbm>>) dst(%arg15 : memref<80x128xf32, #tpu.memory_space<vmem>>)
      "tpu.region"() ({
        %run_scoped3A = tpu.sem_alloc : memref<!tpu.dma_semaphore, #tpu.memory_space<semaphore_mem>>
        %dma_start3A_180 = arith.constant 0 : i32
        %dma_start3A_181 = arith.constant 0 : i32
        %dma_start3A_182 = tpu.memref_slice %arg6[%dma_start3A_180, %dma_start3A_181] : memref<10240x128xf32, #tpu.memory_space<vmem_shared>> -> memref<10240x128xf32, #tpu.memory_space<vmem_shared>>
        tpu.enqueue_indirect_dma source(%arg15 : memref<80x128xf32, #tpu.memory_space<vmem>>) target(%dma_start3A_182 : memref<10240x128xf32, #tpu.memory_space<vmem_shared>>) offsets(%arg12 : memref<80xi32, #tpu.memory_space<vmem>>) semaphore(%run_scoped3A : memref<!tpu.dma_semaphore, #tpu.memory_space<semaphore_mem>>) {add = true}
        %dma_wait3A_183 = arith.constant 0 : i32
        %dma_wait3A_184 = arith.constant 0 : i32
        %dma_wait3A_185 = tpu.memref_slice %arg6[%dma_wait3A_183, %dma_wait3A_184] : memref<10240x128xf32, #tpu.memory_space<vmem_shared>> -> memref<10240x128xf32, #tpu.memory_space<vmem_shared>>
        tpu.wait_indirect_dma semaphore(%run_scoped3A : memref<!tpu.dma_semaphore, #tpu.memory_space<semaphore_mem>>) src(%arg15 : memref<80x128xf32, #tpu.memory_space<vmem>>) dst(%dma_wait3A_185 : memref<10240x128xf32, #tpu.memory_space<vmem_shared>>)
        tpu.yield
      }) : () -> ()
      %add3A_156 = arith.constant 5 : i32
      %add3A_157 = arith.addi %add3A_91, %add3A_156 : i32
      %min3A = arith.constant 124 : i32
      %min3A_158 = arith.minsi %add3A_157, %min3A : i32
      %mul3A_159 = arith.constant 80 : i32
      %mul3A_160 = arith.muli %min3A_158, %mul3A_159 : i32
      %add3A_161 = arith.addi %mul3A_2, %mul3A_160 : i32
      %dma_start3A_162 = tpu.memref_slice %arg3[%add3A_161] : memref<320000xi32, #tpu.memory_space<hbm>> -> memref<80xi32, #tpu.memory_space<hbm>>
      %dma_start3A_163 = tpu.memref_slice %arg3[%add3A_161] : memref<320000xi32, #tpu.memory_space<hbm>> -> memref<80xi32, #tpu.memory_space<hbm>>
      tpu.enqueue_dma source(%dma_start3A_163 : memref<80xi32, #tpu.memory_space<hbm>>) target(%arg11 : memref<80xi32, #tpu.memory_space<vmem>>) target_semaphore(%arg20 : memref<!tpu.dma_semaphore, #tpu.memory_space<semaphore_mem>>)
      %mul3A_164 = arith.constant 80 : i32
      %mul3A_165 = arith.muli %min3A_158, %mul3A_164 : i32
      %add3A_166 = arith.addi %mul3A_2, %mul3A_165 : i32
      %dma_start3A_167 = tpu.memref_slice %arg4[%add3A_166] : memref<320000xi32, #tpu.memory_space<hbm>> -> memref<80xi32, #tpu.memory_space<hbm>>
      %dma_start3A_168 = tpu.memref_slice %arg4[%add3A_166] : memref<320000xi32, #tpu.memory_space<hbm>> -> memref<80xi32, #tpu.memory_space<hbm>>
      tpu.enqueue_dma source(%dma_start3A_168 : memref<80xi32, #tpu.memory_space<hbm>>) target(%arg12 : memref<80xi32, #tpu.memory_space<vmem>>) target_semaphore(%arg21 : memref<!tpu.dma_semaphore, #tpu.memory_space<semaphore_mem>>)
      %dma_wait3A_169 = arith.constant 0 : i32
      %dma_wait3A_170 = tpu.memref_slice %arg3[%dma_wait3A_169] : memref<320000xi32, #tpu.memory_space<hbm>> -> memref<80xi32, #tpu.memory_space<hbm>>
      %dma_wait3A_171 = arith.constant 0 : i32
      %dma_wait3A_172 = tpu.memref_slice %arg3[%dma_wait3A_171] : memref<320000xi32, #tpu.memory_space<hbm>> -> memref<80xi32, #tpu.memory_space<hbm>>
      tpu.wait_dma2 semaphore(%arg18 : memref<!tpu.dma_semaphore, #tpu.memory_space<semaphore_mem>>) src(%dma_wait3A_172 : memref<80xi32, #tpu.memory_space<hbm>>) dst(%arg9 : memref<80xi32, #tpu.memory_space<vmem>>)
      %dma_wait3A_173 = arith.constant 0 : i32
      %dma_wait3A_174 = tpu.memref_slice %arg3[%dma_wait3A_173] : memref<320000xi32, #tpu.memory_space<hbm>> -> memref<80xi32, #tpu.memory_space<hbm>>
      %dma_wait3A_175 = arith.constant 0 : i32
      %dma_wait3A_176 = tpu.memref_slice %arg3[%dma_wait3A_175] : memref<320000xi32, #tpu.memory_space<hbm>> -> memref<80xi32, #tpu.memory_space<hbm>>
      tpu.wait_dma2 semaphore(%arg19 : memref<!tpu.dma_semaphore, #tpu.memory_space<semaphore_mem>>) src(%dma_wait3A_176 : memref<80xi32, #tpu.memory_space<hbm>>) dst(%arg10 : memref<80xi32, #tpu.memory_space<vmem>>)
      %dma_start3A_177 = arith.constant 0 : i32
      %dma_start3A_178 = arith.constant 0 : i32
      %dma_start3A_179 = tpu.memref_slice %arg2[%dma_start3A_177, %dma_start3A_178] : memref<10240x128xf32, #tpu.memory_space<hbm>> -> memref<10240x128xf32, #tpu.memory_space<hbm>>
      tpu.enqueue_indirect_dma source(%dma_start3A_179 : memref<10240x128xf32, #tpu.memory_space<hbm>>) target(%arg14 : memref<80x128xf32, #tpu.memory_space<vmem>>) offsets(%arg9 : memref<80xi32, #tpu.memory_space<vmem>>) semaphore(%arg23 : memref<!tpu.dma_semaphore, #tpu.memory_space<semaphore_mem>>)
    }
    %scan3A_61 = arith.constant 41 : i32
    %dma_wait3A_62 = arith.constant 0 : i32
    %dma_wait3A_63 = arith.constant 0 : i32
    %dma_wait3A_64 = tpu.memref_slice %arg2[%dma_wait3A_62, %dma_wait3A_63] : memref<10240x128xf32, #tpu.memory_space<hbm>> -> memref<80x128xf32, #tpu.memory_space<hbm>>
    %dma_wait3A_65 = arith.constant 0 : i32
    %dma_wait3A_66 = arith.constant 0 : i32
    %dma_wait3A_67 = tpu.memref_slice %arg2[%dma_wait3A_65, %dma_wait3A_66] : memref<10240x128xf32, #tpu.memory_space<hbm>> -> memref<80x128xf32, #tpu.memory_space<hbm>>
    tpu.wait_dma2 semaphore(%arg22 : memref<!tpu.dma_semaphore, #tpu.memory_space<semaphore_mem>>) src(%dma_wait3A_67 : memref<80x128xf32, #tpu.memory_space<hbm>>) dst(%arg13 : memref<80x128xf32, #tpu.memory_space<vmem>>)
    "tpu.region"() ({
      %run_scoped3A = tpu.sem_alloc : memref<!tpu.dma_semaphore, #tpu.memory_space<semaphore_mem>>
      %dma_start3A_87 = arith.constant 0 : i32
      %dma_start3A_88 = arith.constant 0 : i32
      %dma_start3A_89 = tpu.memref_slice %arg6[%dma_start3A_87, %dma_start3A_88] : memref<10240x128xf32, #tpu.memory_space<vmem_shared>> -> memref<10240x128xf32, #tpu.memory_space<vmem_shared>>
      tpu.enqueue_indirect_dma source(%arg13 : memref<80x128xf32, #tpu.memory_space<vmem>>) target(%dma_start3A_89 : memref<10240x128xf32, #tpu.memory_space<vmem_shared>>) offsets(%arg8 : memref<80xi32, #tpu.memory_space<vmem>>) semaphore(%run_scoped3A : memref<!tpu.dma_semaphore, #tpu.memory_space<semaphore_mem>>) {add = true}
      %dma_wait3A_90 = arith.constant 0 : i32
      %dma_wait3A_91 = arith.constant 0 : i32
      %dma_wait3A_92 = tpu.memref_slice %arg6[%dma_wait3A_90, %dma_wait3A_91] : memref<10240x128xf32, #tpu.memory_space<vmem_shared>> -> memref<10240x128xf32, #tpu.memory_space<vmem_shared>>
      tpu.wait_indirect_dma semaphore(%run_scoped3A : memref<!tpu.dma_semaphore, #tpu.memory_space<semaphore_mem>>) src(%arg13 : memref<80x128xf32, #tpu.memory_space<vmem>>) dst(%dma_wait3A_92 : memref<10240x128xf32, #tpu.memory_space<vmem_shared>>)
      tpu.yield
    }) : () -> ()
    %dma_wait3A_68 = arith.constant 0 : i32
    %dma_wait3A_69 = arith.constant 0 : i32
    %dma_wait3A_70 = tpu.memref_slice %arg2[%dma_wait3A_68, %dma_wait3A_69] : memref<10240x128xf32, #tpu.memory_space<hbm>> -> memref<80x128xf32, #tpu.memory_space<hbm>>
    %dma_wait3A_71 = arith.constant 0 : i32
    %dma_wait3A_72 = arith.constant 0 : i32
    %dma_wait3A_73 = tpu.memref_slice %arg2[%dma_wait3A_71, %dma_wait3A_72] : memref<10240x128xf32, #tpu.memory_space<hbm>> -> memref<80x128xf32, #tpu.memory_space<hbm>>
    tpu.wait_dma2 semaphore(%arg23 : memref<!tpu.dma_semaphore, #tpu.memory_space<semaphore_mem>>) src(%dma_wait3A_73 : memref<80x128xf32, #tpu.memory_space<hbm>>) dst(%arg14 : memref<80x128xf32, #tpu.memory_space<vmem>>)
    "tpu.region"() ({
      %run_scoped3A = tpu.sem_alloc : memref<!tpu.dma_semaphore, #tpu.memory_space<semaphore_mem>>
      %dma_start3A_87 = arith.constant 0 : i32
      %dma_start3A_88 = arith.constant 0 : i32
      %dma_start3A_89 = tpu.memref_slice %arg6[%dma_start3A_87, %dma_start3A_88] : memref<10240x128xf32, #tpu.memory_space<vmem_shared>> -> memref<10240x128xf32, #tpu.memory_space<vmem_shared>>
      tpu.enqueue_indirect_dma source(%arg14 : memref<80x128xf32, #tpu.memory_space<vmem>>) target(%dma_start3A_89 : memref<10240x128xf32, #tpu.memory_space<vmem_shared>>) offsets(%arg10 : memref<80xi32, #tpu.memory_space<vmem>>) semaphore(%run_scoped3A : memref<!tpu.dma_semaphore, #tpu.memory_space<semaphore_mem>>) {add = true}
      %dma_wait3A_90 = arith.constant 0 : i32
      %dma_wait3A_91 = arith.constant 0 : i32
      %dma_wait3A_92 = tpu.memref_slice %arg6[%dma_wait3A_90, %dma_wait3A_91] : memref<10240x128xf32, #tpu.memory_space<vmem_shared>> -> memref<10240x128xf32, #tpu.memory_space<vmem_shared>>
      tpu.wait_indirect_dma semaphore(%run_scoped3A : memref<!tpu.dma_semaphore, #tpu.memory_space<semaphore_mem>>) src(%arg14 : memref<80x128xf32, #tpu.memory_space<vmem>>) dst(%dma_wait3A_92 : memref<10240x128xf32, #tpu.memory_space<vmem_shared>>)
      tpu.yield
    }) : () -> ()
    %dma_wait3A_74 = arith.constant 0 : i32
    %dma_wait3A_75 = tpu.memref_slice %arg3[%dma_wait3A_74] : memref<320000xi32, #tpu.memory_space<hbm>> -> memref<80xi32, #tpu.memory_space<hbm>>
    %dma_wait3A_76 = arith.constant 0 : i32
    %dma_wait3A_77 = tpu.memref_slice %arg3[%dma_wait3A_76] : memref<320000xi32, #tpu.memory_space<hbm>> -> memref<80xi32, #tpu.memory_space<hbm>>
    tpu.wait_dma2 semaphore(%arg20 : memref<!tpu.dma_semaphore, #tpu.memory_space<semaphore_mem>>) src(%dma_wait3A_77 : memref<80xi32, #tpu.memory_space<hbm>>) dst(%arg11 : memref<80xi32, #tpu.memory_space<vmem>>)
    %dma_wait3A_78 = arith.constant 0 : i32
    %dma_wait3A_79 = tpu.memref_slice %arg3[%dma_wait3A_78] : memref<320000xi32, #tpu.memory_space<hbm>> -> memref<80xi32, #tpu.memory_space<hbm>>
    %dma_wait3A_80 = arith.constant 0 : i32
    %dma_wait3A_81 = tpu.memref_slice %arg3[%dma_wait3A_80] : memref<320000xi32, #tpu.memory_space<hbm>> -> memref<80xi32, #tpu.memory_space<hbm>>
    tpu.wait_dma2 semaphore(%arg21 : memref<!tpu.dma_semaphore, #tpu.memory_space<semaphore_mem>>) src(%dma_wait3A_81 : memref<80xi32, #tpu.memory_space<hbm>>) dst(%arg12 : memref<80xi32, #tpu.memory_space<vmem>>)
    %barrier3A_82 = arith.constant 0 : index
    tpu.barrier barrier_id(%barrier3A_82)
    %mul3A_83 = arith.constant 640 : i32
    %mul3A_84 = arith.muli %arg1, %mul3A_83 : i32
    %mul3A_85 = arith.constant 640 : i32
    %mul3A_86 = arith.muli %arg1, %mul3A_85 : i32
    "tpu.region"() ({
      %run_scoped3A = tpu.sem_alloc : memref<!tpu.dma_semaphore, #tpu.memory_space<semaphore_mem>>
      %dma_start3A_87 = arith.constant 0 : i32
      %dma_start3A_88 = tpu.memref_slice %arg5[%arg0, %mul3A_86, %dma_start3A_87] : memref<2x10240x128xf32, #tpu.memory_space<hbm>> -> memref<1x640x128xf32, #tpu.memory_space<hbm>>
      %dma_start3A_89 = tpu.memref_squeeze %dma_start3A_88 : memref<1x640x128xf32, #tpu.memory_space<hbm>> -> memref<640x128xf32, #tpu.memory_space<hbm>>
      %dma_start3A_90 = arith.constant 0 : i32
      %dma_start3A_91 = tpu.memref_slice %arg6[%mul3A_84, %dma_start3A_90] : memref<10240x128xf32, #tpu.memory_space<vmem_shared>> -> memref<640x128xf32, #tpu.memory_space<vmem_shared>>
      tpu.enqueue_dma source(%dma_start3A_91 : memref<640x128xf32, #tpu.memory_space<vmem_shared>>) target(%dma_start3A_89 : memref<640x128xf32, #tpu.memory_space<hbm>>) target_semaphore(%run_scoped3A : memref<!tpu.dma_semaphore, #tpu.memory_space<semaphore_mem>>)
      %dma_wait3A_92 = arith.constant 0 : i32
      %dma_wait3A_93 = tpu.memref_slice %arg5[%arg0, %mul3A_86, %dma_wait3A_92] : memref<2x10240x128xf32, #tpu.memory_space<hbm>> -> memref<1x640x128xf32, #tpu.memory_space<hbm>>
      %dma_wait3A_94 = tpu.memref_squeeze %dma_wait3A_93 : memref<1x640x128xf32, #tpu.memory_space<hbm>> -> memref<640x128xf32, #tpu.memory_space<hbm>>
      %dma_wait3A_95 = arith.constant 0 : i32
      %dma_wait3A_96 = tpu.memref_slice %arg6[%mul3A_84, %dma_wait3A_95] : memref<10240x128xf32, #tpu.memory_space<vmem_shared>> -> memref<640x128xf32, #tpu.memory_space<vmem_shared>>
      tpu.wait_dma2 semaphore(%run_scoped3A : memref<!tpu.dma_semaphore, #tpu.memory_space<semaphore_mem>>) src(%dma_wait3A_96 : memref<640x128xf32, #tpu.memory_space<vmem_shared>>) dst(%dma_wait3A_94 : memref<640x128xf32, #tpu.memory_space<hbm>>)
      tpu.yield
    }) : () -> ()
    return
  }
}

module attributes {stable_mosaic.version = 14 : i64} {
  func.func @body(%arg0: i32, %arg1: memref<1024x128xf32, #tpu.memory_space<vmem>>, %arg2: memref<1024x128xf32, #tpu.memory_space<vmem>>, %arg3: memref<1024x128xf32, #tpu.memory_space<vmem>>, %arg4: memref<128x128xf32, #tpu.memory_space<vmem>>, %arg5: memref<1x128xf32, #tpu.memory_space<vmem>>, %arg6: memref<1024x1xf32, #tpu.memory_space<vmem>>, %arg7: memref<1024x128xf32, #tpu.memory_space<vmem>>) attributes {dimension_semantics = [#tpu.dimension_semantics<arbitrary>], iteration_bounds = array<i64: 10>, scalar_prefetch = 0 : i64, scratch_operands = 0 : i64, tpu.core_type = #tpu.core_type<tc>, window_params = [{transform_indices = @transform_0, window_bounds = array<i64: 1024, 128>}, {transform_indices = @transform_1, window_bounds = array<i64: 1024, 128>}, {transform_indices = @transform_2, window_bounds = array<i64: 1024, 128>}, {pipeline_mode = #tpu.pipeline_mode<synchronous>, transform_indices = @transform_3, window_bounds = array<i64: 128, 128>}, {pipeline_mode = #tpu.pipeline_mode<synchronous>, transform_indices = @transform_4, window_bounds = array<i64: 1, 128>}, {transform_indices = @transform_5, window_bounds = array<i64: 1024, 1>}, {transform_indices = @transform_6, window_bounds = array<i64: 1024, 128>}]} {
    %get3A = arith.constant 0 : index
    %get3A_0 = arith.constant 0 : index
    %get3A_1 = vector.load %arg1[%get3A, %get3A_0] : memref<1024x128xf32, #tpu.memory_space<vmem>>, vector<1024x1xf32>
    %add3A = arith.constant 1.000000e+00 : f32
    %add3A_2 = vector.broadcast %add3A : f32 to vector<1024x1xf32>
    %add3A_3 = arith.addf %add3A_2, %get3A_1 : vector<1024x1xf32>
    %get3A_4 = arith.constant 0 : index
    %get3A_5 = arith.constant 0 : index
    %get3A_6 = vector.load %arg2[%get3A_4, %get3A_5] : memref<1024x128xf32, #tpu.memory_space<vmem>>, vector<1024x1xf32>
    %add3A_7 = arith.addf %add3A_3, %get3A_6 : vector<1024x1xf32>
    %rsqrt3A = math.rsqrt %add3A_7 : vector<1024x1xf32>
    %swap3A = arith.constant 0 : index
    %swap3A_8 = arith.constant 0 : index
    %swap3A_9 = vector.load %arg6[%swap3A, %swap3A_8] : memref<1024x1xf32, #tpu.memory_space<vmem>>, vector<1024x1xf32>
    tpu.vector_store %arg6[%swap3A, %swap3A_8], %rsqrt3A {strides = array<i32>} : memref<1024x1xf32, #tpu.memory_space<vmem>>, vector<1024x1xf32>,
    %get3A_10 = arith.constant 0 : index
    %get3A_11 = arith.constant 0 : index
    %get3A_12 = vector.load %arg3[%get3A_10, %get3A_11] : memref<1024x128xf32, #tpu.memory_space<vmem>>, vector<1024x128xf32>
    %get3A_13 = arith.constant 0 : index
    %get3A_14 = arith.constant 0 : index
    %get3A_15 = vector.load %arg4[%get3A_13, %get3A_14] : memref<128x128xf32, #tpu.memory_space<vmem>>, vector<128x128xf32>
    %dot_general3A = arith.constant dense<0.000000e+00> : vector<1024x128xf32>
    %dot_general3A_16 = tpu.matmul %get3A_12, %get3A_15, %dot_general3A {dimension_numbers = #tpu.dot_dimension_numbers<[1], [1], [0], [0], [0, 0, 1, 0], [], []>, transpose_lhs_hint = false} : vector<1024x128xf32>, vector<128x128xf32>, vector<1024x128xf32> -> vector<1024x128xf32>
    %get3A_17 = arith.constant 0 : index
    %get3A_18 = arith.constant 0 : index
    %get3A_19 = vector.load %arg5[%get3A_17, %get3A_18] : memref<1x128xf32, #tpu.memory_space<vmem>>, vector<1x128xf32>
    %add3A_20 = vector.broadcast %get3A_19 : vector<1x128xf32> to vector<1024x128xf32>
    %add3A_21 = arith.addf %dot_general3A_16, %add3A_20 : vector<1024x128xf32>
    %mul3A = vector.broadcast %rsqrt3A : vector<1024x1xf32> to vector<1024x128xf32>
    %mul3A_22 = arith.mulf %mul3A, %add3A_21 : vector<1024x128xf32>
    %swap3A_23 = arith.constant 0 : index
    %swap3A_24 = arith.constant 0 : index
    %swap3A_25 = vector.load %arg7[%swap3A_23, %swap3A_24] : memref<1024x128xf32, #tpu.memory_space<vmem>>, vector<1024x128xf32>
    tpu.vector_store %arg7[%swap3A_23, %swap3A_24], %mul3A_22 {strides = array<i32>} : memref<1024x128xf32, #tpu.memory_space<vmem>>, vector<1024x128xf32>,
    return
  }
  func.func @transform_0(%arg0: i32) -> (i32, i32) {
    %c0_i32 = arith.constant 0 : i32
    %c0_i32_0 = arith.constant 0 : i32
    return %arg0, %c0_i32 : i32, i32
  }
  func.func @transform_1(%arg0: i32) -> (i32, i32) {
    %c0_i32 = arith.constant 0 : i32
    %c0_i32_0 = arith.constant 0 : i32
    return %arg0, %c0_i32 : i32, i32
  }
  func.func @transform_2(%arg0: i32) -> (i32, i32) {
    %c0_i32 = arith.constant 0 : i32
    %c0_i32_0 = arith.constant 0 : i32
    return %arg0, %c0_i32 : i32, i32
  }
  func.func @transform_3(%arg0: i32) -> (i32, i32) {
    %c0_i32 = arith.constant 0 : i32
    %c0_i32_0 = arith.constant 0 : i32
    %c0_i32_1 = arith.constant 0 : i32
    return %c0_i32, %c0_i32_0 : i32, i32
  }
  func.func @transform_4(%arg0: i32) -> (i32, i32) {
    %c0_i32 = arith.constant 0 : i32
    %c0_i32_0 = arith.constant 0 : i32
    %c0_i32_1 = arith.constant 0 : i32
    return %c0_i32, %c0_i32_0 : i32, i32
  }
  func.func @transform_5(%arg0: i32) -> (i32, i32) {
    %c0_i32 = arith.constant 0 : i32
    %c0_i32_0 = arith.constant 0 : i32
    return %arg0, %c0_i32 : i32, i32
  }
  func.func @transform_6(%arg0: i32) -> (i32, i32) {
    %c0_i32 = arith.constant 0 : i32
    %c0_i32_0 = arith.constant 0 : i32
    return %arg0, %c0_i32 : i32, i32
  }
}

module attributes {stable_mosaic.version = 14 : i64} {
  func.func @body(%arg0: i32, %arg1: memref<1024x128xf32, #tpu.memory_space<vmem>>, %arg2: memref<1024x128xf32, #tpu.memory_space<vmem>>, %arg3: memref<1024x128xf32, #tpu.memory_space<vmem>>, %arg4: memref<1024x1xf32, #tpu.memory_space<vmem>>, %arg5: memref<128x128xf32, #tpu.memory_space<vmem>>, %arg6: memref<1x128xf32, #tpu.memory_space<vmem>>, %arg7: memref<1024x128xf32, #tpu.memory_space<vmem>>) attributes {dimension_semantics = [#tpu.dimension_semantics<arbitrary>], iteration_bounds = array<i64: 10>, scalar_prefetch = 0 : i64, scratch_operands = 0 : i64, tpu.core_type = #tpu.core_type<tc>, window_params = [{transform_indices = @transform_0, window_bounds = array<i64: 1024, 128>}, {transform_indices = @transform_1, window_bounds = array<i64: 1024, 128>}, {transform_indices = @transform_2, window_bounds = array<i64: 1024, 128>}, {transform_indices = @transform_3, window_bounds = array<i64: 1024, 1>}, {pipeline_mode = #tpu.pipeline_mode<synchronous>, transform_indices = @transform_4, window_bounds = array<i64: 128, 128>}, {pipeline_mode = #tpu.pipeline_mode<synchronous>, transform_indices = @transform_5, window_bounds = array<i64: 1, 128>}, {transform_indices = @transform_6, window_bounds = array<i64: 1024, 128>}]} {
    %get3A = arith.constant 0 : index
    %get3A_0 = arith.constant 0 : index
    %get3A_1 = vector.load %arg4[%get3A, %get3A_0] : memref<1024x1xf32, #tpu.memory_space<vmem>>, vector<1024x1xf32>
    %get3A_2 = arith.constant 0 : index
    %get3A_3 = arith.constant 0 : index
    %get3A_4 = vector.load %arg1[%get3A_2, %get3A_3] : memref<1024x128xf32, #tpu.memory_space<vmem>>, vector<1024x128xf32>
    %get3A_5 = arith.constant 0 : index
    %get3A_6 = arith.constant 0 : index
    %get3A_7 = vector.load %arg2[%get3A_5, %get3A_6] : memref<1024x128xf32, #tpu.memory_space<vmem>>, vector<1024x128xf32>
    %add3A = arith.addf %get3A_4, %get3A_7 : vector<1024x128xf32>
    %get3A_8 = arith.constant 0 : index
    %get3A_9 = arith.constant 0 : index
    %get3A_10 = vector.load %arg3[%get3A_8, %get3A_9] : memref<1024x128xf32, #tpu.memory_space<vmem>>, vector<1024x128xf32>
    %add3A_11 = arith.addf %add3A, %get3A_10 : vector<1024x128xf32>
    %mul3A = vector.broadcast %get3A_1 : vector<1024x1xf32> to vector<1024x128xf32>
    %mul3A_12 = arith.mulf %mul3A, %add3A_11 : vector<1024x128xf32>
    %max3A = arith.constant 0.000000e+00 : f32
    %max3A_13 = vector.broadcast %max3A : f32 to vector<1024x128xf32>
    %max3A_14 = arith.maximumf %mul3A_12, %max3A_13 : vector<1024x128xf32>
    %get3A_15 = arith.constant 0 : index
    %get3A_16 = arith.constant 0 : index
    %get3A_17 = vector.load %arg5[%get3A_15, %get3A_16] : memref<128x128xf32, #tpu.memory_space<vmem>>, vector<128x128xf32>
    %dot_general3A = arith.constant dense<0.000000e+00> : vector<1024x128xf32>
    %dot_general3A_18 = tpu.matmul %max3A_14, %get3A_17, %dot_general3A {dimension_numbers = #tpu.dot_dimension_numbers<[1], [1], [0], [0], [0, 0, 1, 0], [], []>, transpose_lhs_hint = false} : vector<1024x128xf32>, vector<128x128xf32>, vector<1024x128xf32> -> vector<1024x128xf32>
    %get3A_19 = arith.constant 0 : index
    %get3A_20 = arith.constant 0 : index
    %get3A_21 = vector.load %arg6[%get3A_19, %get3A_20] : memref<1x128xf32, #tpu.memory_space<vmem>>, vector<1x128xf32>
    %add3A_22 = vector.broadcast %get3A_21 : vector<1x128xf32> to vector<1024x128xf32>
    %add3A_23 = arith.addf %dot_general3A_18, %add3A_22 : vector<1024x128xf32>
    %mul3A_24 = vector.broadcast %get3A_1 : vector<1024x1xf32> to vector<1024x128xf32>
    %mul3A_25 = arith.mulf %mul3A_24, %add3A_23 : vector<1024x128xf32>
    %swap3A = arith.constant 0 : index
    %swap3A_26 = arith.constant 0 : index
    %swap3A_27 = vector.load %arg7[%swap3A, %swap3A_26] : memref<1024x128xf32, #tpu.memory_space<vmem>>, vector<1024x128xf32>
    tpu.vector_store %arg7[%swap3A, %swap3A_26], %mul3A_25 {strides = array<i32>} : memref<1024x128xf32, #tpu.memory_space<vmem>>, vector<1024x128xf32>,
    return
  }
  func.func @transform_0(%arg0: i32) -> (i32, i32) {
    %c0_i32 = arith.constant 0 : i32
    %c0_i32_0 = arith.constant 0 : i32
    return %arg0, %c0_i32 : i32, i32
  }
  func.func @transform_1(%arg0: i32) -> (i32, i32) {
    %c0_i32 = arith.constant 0 : i32
    %c0_i32_0 = arith.constant 0 : i32
    return %arg0, %c0_i32 : i32, i32
  }
  func.func @transform_2(%arg0: i32) -> (i32, i32) {
    %c0_i32 = arith.constant 0 : i32
    %c0_i32_0 = arith.constant 0 : i32
    return %arg0, %c0_i32 : i32, i32
  }
  func.func @transform_3(%arg0: i32) -> (i32, i32) {
    %c0_i32 = arith.constant 0 : i32
    %c0_i32_0 = arith.constant 0 : i32
    return %arg0, %c0_i32 : i32, i32
  }
  func.func @transform_4(%arg0: i32) -> (i32, i32) {
    %c0_i32 = arith.constant 0 : i32
    %c0_i32_0 = arith.constant 0 : i32
    %c0_i32_1 = arith.constant 0 : i32
    return %c0_i32, %c0_i32_0 : i32, i32
  }
  func.func @transform_5(%arg0: i32) -> (i32, i32) {
    %c0_i32 = arith.constant 0 : i32
    %c0_i32_0 = arith.constant 0 : i32
    %c0_i32_1 = arith.constant 0 : i32
    return %c0_i32, %c0_i32_0 : i32, i32
  }
  func.func @transform_6(%arg0: i32) -> (i32, i32) {
    %c0_i32 = arith.constant 0 : i32
    %c0_i32_0 = arith.constant 0 : i32
    return %arg0, %c0_i32 : i32, i32
  }
}

module attributes {stable_mosaic.version = 14 : i64} {
  func.func @body(%arg0: i32, %arg1: memref<1024x128xf32, #tpu.memory_space<vmem>>, %arg2: memref<1024x128xf32, #tpu.memory_space<vmem>>, %arg3: memref<1024x128xf32, #tpu.memory_space<vmem>>, %arg4: memref<1024x1xf32, #tpu.memory_space<vmem>>, %arg5: memref<16x128xf32, #tpu.memory_space<vmem>>, %arg6: memref<1024x16xf32, #tpu.memory_space<vmem>>) attributes {dimension_semantics = [#tpu.dimension_semantics<arbitrary>], iteration_bounds = array<i64: 10>, scalar_prefetch = 0 : i64, scratch_operands = 0 : i64, tpu.core_type = #tpu.core_type<tc>, window_params = [{transform_indices = @transform_0, window_bounds = array<i64: 1024, 128>}, {transform_indices = @transform_1, window_bounds = array<i64: 1024, 128>}, {transform_indices = @transform_2, window_bounds = array<i64: 1024, 128>}, {transform_indices = @transform_3, window_bounds = array<i64: 1024, 1>}, {pipeline_mode = #tpu.pipeline_mode<synchronous>, transform_indices = @transform_4, window_bounds = array<i64: 16, 128>}, {transform_indices = @transform_5, window_bounds = array<i64: 1024, 16>}]} {
    %get3A = arith.constant 0 : index
    %get3A_0 = arith.constant 0 : index
    %get3A_1 = vector.load %arg4[%get3A, %get3A_0] : memref<1024x1xf32, #tpu.memory_space<vmem>>, vector<1024x1xf32>
    %get3A_2 = arith.constant 0 : index
    %get3A_3 = arith.constant 0 : index
    %get3A_4 = vector.load %arg1[%get3A_2, %get3A_3] : memref<1024x128xf32, #tpu.memory_space<vmem>>, vector<1024x128xf32>
    %get3A_5 = arith.constant 0 : index
    %get3A_6 = arith.constant 0 : index
    %get3A_7 = vector.load %arg2[%get3A_5, %get3A_6] : memref<1024x128xf32, #tpu.memory_space<vmem>>, vector<1024x128xf32>
    %add3A = arith.addf %get3A_4, %get3A_7 : vector<1024x128xf32>
    %get3A_8 = arith.constant 0 : index
    %get3A_9 = arith.constant 0 : index
    %get3A_10 = vector.load %arg3[%get3A_8, %get3A_9] : memref<1024x128xf32, #tpu.memory_space<vmem>>, vector<1024x128xf32>
    %add3A_11 = arith.addf %add3A, %get3A_10 : vector<1024x128xf32>
    %mul3A = vector.broadcast %get3A_1 : vector<1024x1xf32> to vector<1024x128xf32>
    %mul3A_12 = arith.mulf %mul3A, %add3A_11 : vector<1024x128xf32>
    %logistic3A = arith.negf %mul3A_12 : vector<1024x128xf32>
    %logistic3A_13 = math.exp %logistic3A : vector<1024x128xf32>
    %logistic3A_14 = arith.constant 1.000000e+00 : f32
    %logistic3A_15 = vector.broadcast %logistic3A_14 : f32 to vector<1024x128xf32>
    %logistic3A_16 = arith.addf %logistic3A_15, %logistic3A_13 : vector<1024x128xf32>
    %logistic3A_17 = arith.divf %logistic3A_15, %logistic3A_16 : vector<1024x128xf32>
    %get3A_18 = arith.constant 0 : index
    %get3A_19 = arith.constant 0 : index
    %get3A_20 = vector.load %arg5[%get3A_18, %get3A_19] : memref<16x128xf32, #tpu.memory_space<vmem>>, vector<1x128xf32>
    %get3A_21 = vector.shape_cast %get3A_20 : vector<1x128xf32> to vector<128xf32>
    %broadcast_in_dim3A = vector.shape_cast %get3A_21 : vector<128xf32> to vector<1x128xf32>
    %mul3A_22 = vector.broadcast %broadcast_in_dim3A : vector<1x128xf32> to vector<1024x128xf32>
    %mul3A_23 = arith.mulf %mul3A_22, %logistic3A_17 : vector<1024x128xf32>
    %reduce_max3A = arith.constant dense<0xFF800000> : vector<1024xf32>
    %reduce_max3A_24 = vector.multi_reduction <maximumf>, %mul3A_23, %reduce_max3A [1] : vector<1024x128xf32> to vector<1024xf32>
    %broadcast_in_dim3A_25 = vector.shape_cast %reduce_max3A_24 : vector<1024xf32> to vector<1024x1xf32>
    %get3A_26 = arith.constant 1 : index
    %get3A_27 = arith.constant 0 : index
    %get3A_28 = vector.load %arg5[%get3A_26, %get3A_27] : memref<16x128xf32, #tpu.memory_space<vmem>>, vector<1x128xf32>
    %get3A_29 = vector.shape_cast %get3A_28 : vector<1x128xf32> to vector<128xf32>
    %broadcast_in_dim3A_30 = vector.shape_cast %get3A_29 : vector<128xf32> to vector<1x128xf32>
    %mul3A_31 = vector.broadcast %broadcast_in_dim3A_30 : vector<1x128xf32> to vector<1024x128xf32>
    %mul3A_32 = arith.mulf %mul3A_31, %logistic3A_17 : vector<1024x128xf32>
    %reduce_max3A_33 = arith.constant dense<0xFF800000> : vector<1024xf32>
    %reduce_max3A_34 = vector.multi_reduction <maximumf>, %mul3A_32, %reduce_max3A_33 [1] : vector<1024x128xf32> to vector<1024xf32>
    %broadcast_in_dim3A_35 = vector.shape_cast %reduce_max3A_34 : vector<1024xf32> to vector<1024x1xf32>
    %get3A_36 = arith.constant 2 : index
    %get3A_37 = arith.constant 0 : index
    %get3A_38 = vector.load %arg5[%get3A_36, %get3A_37] : memref<16x128xf32, #tpu.memory_space<vmem>>, vector<1x128xf32>
    %get3A_39 = vector.shape_cast %get3A_38 : vector<1x128xf32> to vector<128xf32>
    %broadcast_in_dim3A_40 = vector.shape_cast %get3A_39 : vector<128xf32> to vector<1x128xf32>
    %mul3A_41 = vector.broadcast %broadcast_in_dim3A_40 : vector<1x128xf32> to vector<1024x128xf32>
    %mul3A_42 = arith.mulf %mul3A_41, %logistic3A_17 : vector<1024x128xf32>
    %reduce_max3A_43 = arith.constant dense<0xFF800000> : vector<1024xf32>
    %reduce_max3A_44 = vector.multi_reduction <maximumf>, %mul3A_42, %reduce_max3A_43 [1] : vector<1024x128xf32> to vector<1024xf32>
    %broadcast_in_dim3A_45 = vector.shape_cast %reduce_max3A_44 : vector<1024xf32> to vector<1024x1xf32>
    %get3A_46 = arith.constant 3 : index
    %get3A_47 = arith.constant 0 : index
    %get3A_48 = vector.load %arg5[%get3A_46, %get3A_47] : memref<16x128xf32, #tpu.memory_space<vmem>>, vector<1x128xf32>
    %get3A_49 = vector.shape_cast %get3A_48 : vector<1x128xf32> to vector<128xf32>
    %broadcast_in_dim3A_50 = vector.shape_cast %get3A_49 : vector<128xf32> to vector<1x128xf32>
    %mul3A_51 = vector.broadcast %broadcast_in_dim3A_50 : vector<1x128xf32> to vector<1024x128xf32>
    %mul3A_52 = arith.mulf %mul3A_51, %logistic3A_17 : vector<1024x128xf32>
    %reduce_max3A_53 = arith.constant dense<0xFF800000> : vector<1024xf32>
    %reduce_max3A_54 = vector.multi_reduction <maximumf>, %mul3A_52, %reduce_max3A_53 [1] : vector<1024x128xf32> to vector<1024xf32>
    %broadcast_in_dim3A_55 = vector.shape_cast %reduce_max3A_54 : vector<1024xf32> to vector<1024x1xf32>
    %get3A_56 = arith.constant 4 : index
    %get3A_57 = arith.constant 0 : index
    %get3A_58 = vector.load %arg5[%get3A_56, %get3A_57] : memref<16x128xf32, #tpu.memory_space<vmem>>, vector<1x128xf32>
    %get3A_59 = vector.shape_cast %get3A_58 : vector<1x128xf32> to vector<128xf32>
    %broadcast_in_dim3A_60 = vector.shape_cast %get3A_59 : vector<128xf32> to vector<1x128xf32>
    %mul3A_61 = vector.broadcast %broadcast_in_dim3A_60 : vector<1x128xf32> to vector<1024x128xf32>
    %mul3A_62 = arith.mulf %mul3A_61, %logistic3A_17 : vector<1024x128xf32>
    %reduce_max3A_63 = arith.constant dense<0xFF800000> : vector<1024xf32>
    %reduce_max3A_64 = vector.multi_reduction <maximumf>, %mul3A_62, %reduce_max3A_63 [1] : vector<1024x128xf32> to vector<1024xf32>
    %broadcast_in_dim3A_65 = vector.shape_cast %reduce_max3A_64 : vector<1024xf32> to vector<1024x1xf32>
    %get3A_66 = arith.constant 5 : index
    %get3A_67 = arith.constant 0 : index
    %get3A_68 = vector.load %arg5[%get3A_66, %get3A_67] : memref<16x128xf32, #tpu.memory_space<vmem>>, vector<1x128xf32>
    %get3A_69 = vector.shape_cast %get3A_68 : vector<1x128xf32> to vector<128xf32>
    %broadcast_in_dim3A_70 = vector.shape_cast %get3A_69 : vector<128xf32> to vector<1x128xf32>
    %mul3A_71 = vector.broadcast %broadcast_in_dim3A_70 : vector<1x128xf32> to vector<1024x128xf32>
    %mul3A_72 = arith.mulf %mul3A_71, %logistic3A_17 : vector<1024x128xf32>
    %reduce_max3A_73 = arith.constant dense<0xFF800000> : vector<1024xf32>
    %reduce_max3A_74 = vector.multi_reduction <maximumf>, %mul3A_72, %reduce_max3A_73 [1] : vector<1024x128xf32> to vector<1024xf32>
    %broadcast_in_dim3A_75 = vector.shape_cast %reduce_max3A_74 : vector<1024xf32> to vector<1024x1xf32>
    %get3A_76 = arith.constant 6 : index
    %get3A_77 = arith.constant 0 : index
    %get3A_78 = vector.load %arg5[%get3A_76, %get3A_77] : memref<16x128xf32, #tpu.memory_space<vmem>>, vector<1x128xf32>
    %get3A_79 = vector.shape_cast %get3A_78 : vector<1x128xf32> to vector<128xf32>
    %broadcast_in_dim3A_80 = vector.shape_cast %get3A_79 : vector<128xf32> to vector<1x128xf32>
    %mul3A_81 = vector.broadcast %broadcast_in_dim3A_80 : vector<1x128xf32> to vector<1024x128xf32>
    %mul3A_82 = arith.mulf %mul3A_81, %logistic3A_17 : vector<1024x128xf32>
    %reduce_max3A_83 = arith.constant dense<0xFF800000> : vector<1024xf32>
    %reduce_max3A_84 = vector.multi_reduction <maximumf>, %mul3A_82, %reduce_max3A_83 [1] : vector<1024x128xf32> to vector<1024xf32>
    %broadcast_in_dim3A_85 = vector.shape_cast %reduce_max3A_84 : vector<1024xf32> to vector<1024x1xf32>
    %get3A_86 = arith.constant 7 : index
    %get3A_87 = arith.constant 0 : index
    %get3A_88 = vector.load %arg5[%get3A_86, %get3A_87] : memref<16x128xf32, #tpu.memory_space<vmem>>, vector<1x128xf32>
    %get3A_89 = vector.shape_cast %get3A_88 : vector<1x128xf32> to vector<128xf32>
    %broadcast_in_dim3A_90 = vector.shape_cast %get3A_89 : vector<128xf32> to vector<1x128xf32>
    %mul3A_91 = vector.broadcast %broadcast_in_dim3A_90 : vector<1x128xf32> to vector<1024x128xf32>
    %mul3A_92 = arith.mulf %mul3A_91, %logistic3A_17 : vector<1024x128xf32>
    %reduce_max3A_93 = arith.constant dense<0xFF800000> : vector<1024xf32>
    %reduce_max3A_94 = vector.multi_reduction <maximumf>, %mul3A_92, %reduce_max3A_93 [1] : vector<1024x128xf32> to vector<1024xf32>
    %broadcast_in_dim3A_95 = vector.shape_cast %reduce_max3A_94 : vector<1024xf32> to vector<1024x1xf32>
    %get3A_96 = arith.constant 8 : index
    %get3A_97 = arith.constant 0 : index
    %get3A_98 = vector.load %arg5[%get3A_96, %get3A_97] : memref<16x128xf32, #tpu.memory_space<vmem>>, vector<1x128xf32>
    %get3A_99 = vector.shape_cast %get3A_98 : vector<1x128xf32> to vector<128xf32>
    %broadcast_in_dim3A_100 = vector.shape_cast %get3A_99 : vector<128xf32> to vector<1x128xf32>
    %mul3A_101 = vector.broadcast %broadcast_in_dim3A_100 : vector<1x128xf32> to vector<1024x128xf32>
    %mul3A_102 = arith.mulf %mul3A_101, %logistic3A_17 : vector<1024x128xf32>
    %reduce_max3A_103 = arith.constant dense<0xFF800000> : vector<1024xf32>
    %reduce_max3A_104 = vector.multi_reduction <maximumf>, %mul3A_102, %reduce_max3A_103 [1] : vector<1024x128xf32> to vector<1024xf32>
    %broadcast_in_dim3A_105 = vector.shape_cast %reduce_max3A_104 : vector<1024xf32> to vector<1024x1xf32>
    %get3A_106 = arith.constant 9 : index
    %get3A_107 = arith.constant 0 : index
    %get3A_108 = vector.load %arg5[%get3A_106, %get3A_107] : memref<16x128xf32, #tpu.memory_space<vmem>>, vector<1x128xf32>
    %get3A_109 = vector.shape_cast %get3A_108 : vector<1x128xf32> to vector<128xf32>
    %broadcast_in_dim3A_110 = vector.shape_cast %get3A_109 : vector<128xf32> to vector<1x128xf32>
    %mul3A_111 = vector.broadcast %broadcast_in_dim3A_110 : vector<1x128xf32> to vector<1024x128xf32>
    %mul3A_112 = arith.mulf %mul3A_111, %logistic3A_17 : vector<1024x128xf32>
    %reduce_max3A_113 = arith.constant dense<0xFF800000> : vector<1024xf32>
    %reduce_max3A_114 = vector.multi_reduction <maximumf>, %mul3A_112, %reduce_max3A_113 [1] : vector<1024x128xf32> to vector<1024xf32>
    %broadcast_in_dim3A_115 = vector.shape_cast %reduce_max3A_114 : vector<1024xf32> to vector<1024x1xf32>
    %get3A_116 = arith.constant 10 : index
    %get3A_117 = arith.constant 0 : index
    %get3A_118 = vector.load %arg5[%get3A_116, %get3A_117] : memref<16x128xf32, #tpu.memory_space<vmem>>, vector<1x128xf32>
    %get3A_119 = vector.shape_cast %get3A_118 : vector<1x128xf32> to vector<128xf32>
    %broadcast_in_dim3A_120 = vector.shape_cast %get3A_119 : vector<128xf32> to vector<1x128xf32>
    %mul3A_121 = vector.broadcast %broadcast_in_dim3A_120 : vector<1x128xf32> to vector<1024x128xf32>
    %mul3A_122 = arith.mulf %mul3A_121, %logistic3A_17 : vector<1024x128xf32>
    %reduce_max3A_123 = arith.constant dense<0xFF800000> : vector<1024xf32>
    %reduce_max3A_124 = vector.multi_reduction <maximumf>, %mul3A_122, %reduce_max3A_123 [1] : vector<1024x128xf32> to vector<1024xf32>
    %broadcast_in_dim3A_125 = vector.shape_cast %reduce_max3A_124 : vector<1024xf32> to vector<1024x1xf32>
    %get3A_126 = arith.constant 11 : index
    %get3A_127 = arith.constant 0 : index
    %get3A_128 = vector.load %arg5[%get3A_126, %get3A_127] : memref<16x128xf32, #tpu.memory_space<vmem>>, vector<1x128xf32>
    %get3A_129 = vector.shape_cast %get3A_128 : vector<1x128xf32> to vector<128xf32>
    %broadcast_in_dim3A_130 = vector.shape_cast %get3A_129 : vector<128xf32> to vector<1x128xf32>
    %mul3A_131 = vector.broadcast %broadcast_in_dim3A_130 : vector<1x128xf32> to vector<1024x128xf32>
    %mul3A_132 = arith.mulf %mul3A_131, %logistic3A_17 : vector<1024x128xf32>
    %reduce_max3A_133 = arith.constant dense<0xFF800000> : vector<1024xf32>
    %reduce_max3A_134 = vector.multi_reduction <maximumf>, %mul3A_132, %reduce_max3A_133 [1] : vector<1024x128xf32> to vector<1024xf32>
    %broadcast_in_dim3A_135 = vector.shape_cast %reduce_max3A_134 : vector<1024xf32> to vector<1024x1xf32>
    %get3A_136 = arith.constant 12 : index
    %get3A_137 = arith.constant 0 : index
    %get3A_138 = vector.load %arg5[%get3A_136, %get3A_137] : memref<16x128xf32, #tpu.memory_space<vmem>>, vector<1x128xf32>
    %get3A_139 = vector.shape_cast %get3A_138 : vector<1x128xf32> to vector<128xf32>
    %broadcast_in_dim3A_140 = vector.shape_cast %get3A_139 : vector<128xf32> to vector<1x128xf32>
    %mul3A_141 = vector.broadcast %broadcast_in_dim3A_140 : vector<1x128xf32> to vector<1024x128xf32>
    %mul3A_142 = arith.mulf %mul3A_141, %logistic3A_17 : vector<1024x128xf32>
    %reduce_max3A_143 = arith.constant dense<0xFF800000> : vector<1024xf32>
    %reduce_max3A_144 = vector.multi_reduction <maximumf>, %mul3A_142, %reduce_max3A_143 [1] : vector<1024x128xf32> to vector<1024xf32>
    %broadcast_in_dim3A_145 = vector.shape_cast %reduce_max3A_144 : vector<1024xf32> to vector<1024x1xf32>
    %get3A_146 = arith.constant 13 : index
    %get3A_147 = arith.constant 0 : index
    %get3A_148 = vector.load %arg5[%get3A_146, %get3A_147] : memref<16x128xf32, #tpu.memory_space<vmem>>, vector<1x128xf32>
    %get3A_149 = vector.shape_cast %get3A_148 : vector<1x128xf32> to vector<128xf32>
    %broadcast_in_dim3A_150 = vector.shape_cast %get3A_149 : vector<128xf32> to vector<1x128xf32>
    %mul3A_151 = vector.broadcast %broadcast_in_dim3A_150 : vector<1x128xf32> to vector<1024x128xf32>
    %mul3A_152 = arith.mulf %mul3A_151, %logistic3A_17 : vector<1024x128xf32>
    %reduce_max3A_153 = arith.constant dense<0xFF800000> : vector<1024xf32>
    %reduce_max3A_154 = vector.multi_reduction <maximumf>, %mul3A_152, %reduce_max3A_153 [1] : vector<1024x128xf32> to vector<1024xf32>
    %broadcast_in_dim3A_155 = vector.shape_cast %reduce_max3A_154 : vector<1024xf32> to vector<1024x1xf32>
    %get3A_156 = arith.constant 14 : index
    %get3A_157 = arith.constant 0 : index
    %get3A_158 = vector.load %arg5[%get3A_156, %get3A_157] : memref<16x128xf32, #tpu.memory_space<vmem>>, vector<1x128xf32>
    %get3A_159 = vector.shape_cast %get3A_158 : vector<1x128xf32> to vector<128xf32>
    %broadcast_in_dim3A_160 = vector.shape_cast %get3A_159 : vector<128xf32> to vector<1x128xf32>
    %mul3A_161 = vector.broadcast %broadcast_in_dim3A_160 : vector<1x128xf32> to vector<1024x128xf32>
    %mul3A_162 = arith.mulf %mul3A_161, %logistic3A_17 : vector<1024x128xf32>
    %reduce_max3A_163 = arith.constant dense<0xFF800000> : vector<1024xf32>
    %reduce_max3A_164 = vector.multi_reduction <maximumf>, %mul3A_162, %reduce_max3A_163 [1] : vector<1024x128xf32> to vector<1024xf32>
    %broadcast_in_dim3A_165 = vector.shape_cast %reduce_max3A_164 : vector<1024xf32> to vector<1024x1xf32>
    %get3A_166 = arith.constant 15 : index
    %get3A_167 = arith.constant 0 : index
    %get3A_168 = vector.load %arg5[%get3A_166, %get3A_167] : memref<16x128xf32, #tpu.memory_space<vmem>>, vector<1x128xf32>
    %get3A_169 = vector.shape_cast %get3A_168 : vector<1x128xf32> to vector<128xf32>
    %broadcast_in_dim3A_170 = vector.shape_cast %get3A_169 : vector<128xf32> to vector<1x128xf32>
    %mul3A_171 = vector.broadcast %broadcast_in_dim3A_170 : vector<1x128xf32> to vector<1024x128xf32>
    %mul3A_172 = arith.mulf %mul3A_171, %logistic3A_17 : vector<1024x128xf32>
    %reduce_max3A_173 = arith.constant dense<0xFF800000> : vector<1024xf32>
    %reduce_max3A_174 = vector.multi_reduction <maximumf>, %mul3A_172, %reduce_max3A_173 [1] : vector<1024x128xf32> to vector<1024xf32>
    %broadcast_in_dim3A_175 = vector.shape_cast %reduce_max3A_174 : vector<1024xf32> to vector<1024x1xf32>
    %concatenate3A = tpu.concatenate %broadcast_in_dim3A_25, %broadcast_in_dim3A_35, %broadcast_in_dim3A_45, %broadcast_in_dim3A_55, %broadcast_in_dim3A_65, %broadcast_in_dim3A_75, %broadcast_in_dim3A_85, %broadcast_in_dim3A_95, %broadcast_in_dim3A_105, %broadcast_in_dim3A_115, %broadcast_in_dim3A_125, %broadcast_in_dim3A_135, %broadcast_in_dim3A_145, %broadcast_in_dim3A_155, %broadcast_in_dim3A_165, %broadcast_in_dim3A_175 in 1 : vector<1024x1xf32>, vector<1024x1xf32>, vector<1024x1xf32>, vector<1024x1xf32>, vector<1024x1xf32>, vector<1024x1xf32>, vector<1024x1xf32>, vector<1024x1xf32>, vector<1024x1xf32>, vector<1024x1xf32>, vector<1024x1xf32>, vector<1024x1xf32>, vector<1024x1xf32>, vector<1024x1xf32>, vector<1024x1xf32>, vector<1024x1xf32> -> vector<1024x16xf32>
    %swap3A = arith.constant 0 : index
    %swap3A_176 = arith.constant 0 : index
    %swap3A_177 = vector.load %arg6[%swap3A, %swap3A_176] : memref<1024x16xf32, #tpu.memory_space<vmem>>, vector<1024x16xf32>
    tpu.vector_store %arg6[%swap3A, %swap3A_176], %concatenate3A {strides = array<i32>} : memref<1024x16xf32, #tpu.memory_space<vmem>>, vector<1024x16xf32>,
    return
  }
  func.func @transform_0(%arg0: i32) -> (i32, i32) {
    %c0_i32 = arith.constant 0 : i32
    %c0_i32_0 = arith.constant 0 : i32
    return %arg0, %c0_i32 : i32, i32
  }
  func.func @transform_1(%arg0: i32) -> (i32, i32) {
    %c0_i32 = arith.constant 0 : i32
    %c0_i32_0 = arith.constant 0 : i32
    return %arg0, %c0_i32 : i32, i32
  }
  func.func @transform_2(%arg0: i32) -> (i32, i32) {
    %c0_i32 = arith.constant 0 : i32
    %c0_i32_0 = arith.constant 0 : i32
    return %arg0, %c0_i32 : i32, i32
  }
  func.func @transform_3(%arg0: i32) -> (i32, i32) {
    %c0_i32 = arith.constant 0 : i32
    %c0_i32_0 = arith.constant 0 : i32
    return %arg0, %c0_i32 : i32, i32
  }
  func.func @transform_4(%arg0: i32) -> (i32, i32) {
    %c0_i32 = arith.constant 0 : i32
    %c0_i32_0 = arith.constant 0 : i32
    %c0_i32_1 = arith.constant 0 : i32
    return %c0_i32, %c0_i32_0 : i32, i32
  }
  func.func @transform_5(%arg0: i32) -> (i32, i32) {
    %c0_i32 = arith.constant 0 : i32
    %c0_i32_0 = arith.constant 0 : i32
    return %arg0, %c0_i32 : i32, i32
  }
}

</mosaic_0001>

<sc_bundles>
// kernel: kernel.10.cloned.1.call-start
scs
__scs_entry_jumppad:
0x0: {  	(pc) =	sbr.rel $0x88, $3  }
0x1: {  	(tag) =	ssettag $0x0;
	lr =	simm.s32 $0x1  }
0x2: {  	[smem:$0x3F98] =	sst lr;
	_ =	strace $0xD0000000  }
0x3: {  	_ = 	snop  }
0x4: {  	_ = 	snop  }
0x5: {  	_ = 	snop  }
0x6: {  	_ = 	snop  }
0x7: {  	_ = 	snop  }
__scs_overlays_trampoline_lowered:
0x8: {  	[smem:$0x3FA7] =	sst s0  }
0x9: {  	[smem:$0x3FA8] =	sst s1  }
0xa: {  	[smem:$0x3FA9] =	sst s2  }
0xb: {  	[smem:$0x3FAA] =	sst s3  }
0xc: {  	[smem:$0x3FAB] =	sst s4  }
0xd: {  	[smem:$0x3FAC] =	sst s5  }
0xe: {  	[smem:$0x3FAD] =	sst s6  }
0xf: {  	[smem:$0x3FAE] =	sst s7  }
0x10: {  	[smem:$0x3FAF] =	sst s8  }
0x11: {  	[smem:$0x3FB0] =	sst s9;
	s0 =	simm.s32 @!p0 $0x0  }
0x12: {  	s1 =	sld [smem:$0x3F96];
	s0 =	simm.s32 @p0 $0x1  }
0x13: {  	[smem:$0x3FB1] =	sst s0;
	s0 =	simm.s32 @!p1 $0x0  }
0x14: {  	s2 =	sld [smem:$0x3F95];
	s0 =	simm.s32 @p1 $0x1  }
0x15: {  	[smem:$0x3FB2] =	sst s0;
	s0 =	simm.s32 @!p2 $0x0  }
0x16: {  	s3 =	sld [smem:$0x3FDB];
	s0 =	simm.s32 @p2 $0x1  }
0x17: {  	s4 =	simm.s32 $0x1BF5;
	[smem:$0x3FB4] =	sst s0  }
0x18: {  	s0 =	sld [smem:$0x3F97];
	_ =	swait.ge [sflag:s4], $0x0  }
0x19: {  	s7 =	sld [smem:$0x3F98]  }
0x1a: {  	s8 =	sadd.s32 $0xFFFFE003, lr  }
0x1b: {  	s9 =	sadd.s32 $0xFFFFFEF7, lr;
	s5 =	simm.s32 $0xFFFFFFFF;
	p2 =	slt.u32 s8, $0xFFFFF086  }
0x1c: {  	p1 =	slt.u32 s9, $0xF7A;
	s5 =	simm.s32 @!p2 $0x0  }
0x1d: {  	s5 =	simm.s32 @p1 $0x1;
	p0 =	seq.s32 s7, s2  }
0x1e: {  	s7 =	smul.u32 @!p0 $0xF7A, s2;
	p2 =	seq.s32 @!p0 s5, $0x0  }
0x1f: {  	s9 =	smul.u32 $0xF7A, s1;
	s8 =	simm.s32 @!p0 $0x1BF5;
	p2 =	por !p2, p0  }
0x20: {  	[sflag:s8] =	ssyncset.s32 @!p0 $0xFFFFF086;
	s6 =	sadd.s32 @!p0 s3, s7;
	s7 =	simm.s32 @!p0 $0x108  }
0x21: {  	s3 =	sadd.s32 s3, s9;
	s6 =	sadd.s32 @!p0 $0x88, s6;
	s7 =	simm.s32 @p2 $0x1082  }
0x22: {  	[simem:s7], [sflag:s8] =	dma.local @!p0 [hbm:s6], $0xF7A  }
0x23: {  	s9 =	sor.u32 $0xD0000000, s2;
	s6 =	simm.s32 $0x108;
	_ =	swait.ge @!p0 [sflag:s8], $0x0  }
0x24: {  	s3 =	sadd.s32 $0x88, s3;
	s6 =	simm.s32 @!p1 $0x1082;
	[sflag:s4] =	ssyncset.s32 $0xFFFFF086  }
0x25: {  	[simem:s6], [sflag:s4] =	dma.local [hbm:s3], $0xF7A  }
0x26: {  	[smem:$0x3F98] =	sst s1;
	(tag) =	ssettag s2;
	_ =	strace s9  }
0x27: {  	s1 =	sld [smem:$0x3FA8]  }
0x28: {  	s2 =	sld [smem:$0x3FA9]  }
0x29: {  	s4 =	sld [smem:$0x3FAB]  }
0x2a: {  	p0 =	seq.s32 s5, $0x0;
	s5 =	sld [smem:$0x3FAC]  }
0x2b: {  	s6 =	sld [smem:$0x3FAD]  }
0x2c: {  	s7 =	sld [smem:$0x3FAE]  }
0x2d: {  	s3 =	simm.s32 $0x108;
	s8 =	sld [smem:$0x3FAF]  }
0x2e: {  	s3 =	simm.s32 @!p0 $0x1082;
	s9 =	sld [smem:$0x3FB0]  }
0x2f: {  	lr =	sadd.s32 s0, s3;
	s0 =	sld [smem:$0x3FA7]  }
0x30: {  	s3 =	sld [smem:$0x3FAA]  }
0x31: {  	[smem:$0x3FB3] =	sst s10  }
0x32: {  	s10 =	sld [smem:$0x3FB1];
	_ =	sdelay $0x3  }
0x33: {  	p0 =	seq.s32 s10, $0x1;
	s10 =	sld [smem:$0x3FB3];
	_ =	sdelay $0x3  }
0x34: {  	[smem:$0x3FB3] =	sst s10  }
0x35: {  	s10 =	sld [smem:$0x3FB2];
	_ =	sdelay $0x3  }
0x36: {  	p1 =	seq.s32 s10, $0x1;
	s10 =	sld [smem:$0x3FB3];
	_ =	sdelay $0x3  }
0x37: {  	[smem:$0x3FB3] =	sst s10  }
0x38: {  	s10 =	sld [smem:$0x3FB4]  }
0x39: {  	_ = 	snop;
	(pc) =	sbr.ind lr, $3  }
0x3a: {  	_ = 	snop  }
0x3b: {  	_ = 	snop  }
0x3c: {  	p2 =	seq.s32 s10, $0x1;
	s10 =	sld [smem:$0x3FB3]  }
0x3d: {  	_ =	shalt  }
0x3e: {  	_ =	shalt  }
0x3f: {  	_ =	shalt  }
0x40: {  	_ =	shalt  }
0x41: {  	_ =	shalt  }
0x42: {  	_ =	shalt  }
0x43: {  	_ =	shalt  }
0x44: {  	_ =	shalt  }
0x45: {  	_ =	shalt  }
0x46: {  	_ =	shalt  }
0x47: {  	_ =	shalt  }
0x48: {  	_ =	shalt  }
0x49: {  	_ =	shalt  }
0x4a: {  	_ =	shalt  }
0x4b: {  	_ =	shalt  }
0x4c: {  	_ =	shalt  }
0x4d: {  	_ =	shalt  }
0x4e: {  	_ =	shalt  }
0x4f: {  	_ =	shalt  }
0x50: {  	_ =	shalt  }
0x51: {  	_ =	shalt  }
0x52: {  	_ =	shalt  }
0x53: {  	_ =	shalt  }
0x54: {  	_ =	shalt  }
0x55: {  	_ =	shalt  }
0x56: {  	_ =	shalt  }
0x57: {  	_ =	shalt  }
0x58: {  	_ =	shalt  }
0x59: {  	_ =	shalt  }
0x5a: {  	_ =	shalt  }
0x5b: {  	_ =	shalt  }
0x5c: {  	_ =	shalt  }
0x5d: {  	_ =	shalt  }
0x5e: {  	_ =	shalt  }
0x5f: {  	_ =	shalt  }
0x60: {  	_ =	shalt  }
0x61: {  	_ =	shalt  }
0x62: {  	_ =	shalt  }
0x63: {  	_ =	shalt  }
0x64: {  	_ =	shalt  }
0x65: {  	_ =	shalt  }
0x66: {  	_ =	shalt  }
0x67: {  	_ =	shalt  }
0x68: {  	_ =	shalt  }
0x69: {  	_ =	shalt  }
0x6a: {  	_ =	shalt  }
0x6b: {  	_ =	shalt  }
0x6c: {  	_ =	shalt  }
0x6d: {  	_ =	shalt  }
0x6e: {  	_ =	shalt  }
0x6f: {  	_ =	shalt  }
0x70: {  	_ =	shalt  }
0x71: {  	_ =	shalt  }
0x72: {  	_ =	shalt  }
0x73: {  	_ =	shalt  }
0x74: {  	_ =	shalt  }
0x75: {  	_ =	shalt  }
0x76: {  	_ =	shalt  }
0x77: {  	_ =	shalt  }
0x78: {  	_ =	shalt  }
0x79: {  	_ =	shalt  }
0x7a: {  	_ =	shalt  }
0x7b: {  	_ =	shalt  }
0x7c: {  	_ =	shalt  }
0x7d: {  	_ =	shalt  }
0x7e: {  	_ =	shalt  }
0x7f: {  	_ =	shalt  }
0x80: {  	_ =	shalt  }
0x81: {  	_ =	shalt  }
0x82: {  	_ =	shalt  }
0x83: {  	_ =	shalt  }
0x84: {  	_ =	shalt  }
0x85: {  	_ =	shalt  }
0x86: {  	_ =	shalt  }
0x87: {  	_ =	shalt  }
.Lfunc_end0:
.L_simem_size_0:
called_computation_lowered:
.L_overlay_start_0:
0x88: {  	s2 =	sld [smem:$0x3FD9]  }
0x89: {  	s3 =	sld [smem:$0x3FFE];
	_ =	sdelay $0x1  }
0x8a: {  	s1 =	srdreg.scid  }
0x8b: {  	s0 =	sand.u32 $0x1, s1  }
0x8c: {  	s16 =	sshll.u32 s0, $0xA;
	s2 =	sadd.s32 s3, s2  }
0x8d: {  	s2 =	sadd.s32 s2, s16  }
0x8e: {  	[smem:$0x3FBF] =	sst s2  }
0x8f: {  	_ = 	snop  }
0x90: {  	(tm) =	ssettm $0x1  }
0x91: {  	s17 =	sld [smem:$0x3FFB];
	_ =	sdelay $0x3  }
0x92: {  	_ =	strace s17  }
0x93: {  	s2 =	sld [smem:$0x3FFC];
	_ =	sdelay $0x3  }
0x94: {  	_ =	strace s2  }
0x95: {  	s2 =	sld [smem:$0x3FFD];
	_ =	sdelay $0x3  }
0x96: {  	_ =	strace s2  }
0x97: {  	_ =	strace $0x8FFFFFFF  }
0x98: {  	s18 =	sld [smem:$0x3FDB];
	_ =	sdelay $0x1  }
0x99: {  	s19 =	simm.s32 $_scs_section_size  }
0x9a: {  	s4 =	simm.s32 $_size__tile_overlayer_lowered;
	s5 =	simm.s32 $_tile_overlayer_lowered  }
0x9b: {  	s22 =	simm.s32 $0x1BFF;
	s21 =	sshll.u32 s5, $0x1;
	s2 =	sadd.s32 s19, s18  }
0x9c: {  	s6 =	simm.s32 $0x0;
	s20 =	sshll.u32 s4, $0x1;
	s4 =	sadd.s32 s21, s2  }
0x9d: {  	[timem:s6], [sflag:s22] =	dma.local [hbm:s4], s20  }
0x9e: {  	_ =	swait.ge [sflag:s22], s20  }
0x9f: {  	s3 =	ssub.s32 $0x0, s20;
	[sflag:s22] =	ssyncset.done $0x0  }
0xa0: {  	[sflag:s22] =	ssyncadd.s32 s3;
	_ =	sdelay $0x1  }
0xa1: {  	s23 =	simm.s32 $0x1B8B  }
0xa2: {  	_ =	swait.ge [sflag:s23], $0x1  }
0xa3: {  	[sflag:s23] =	ssyncset.done $0x0  }
0xa4: {  	s25 =	simm.s32 $0x1B8E;
	s24 =	sld [smem:$0x3FFE];
	[sflag:s23] =	ssyncadd.s32 $0xFFFFFFFF  }
0xa5: {  	s26 =	simm.s32 $execute0_lowered;
	[smem:$0x3FD2] =	sst s25  }
0xa6: {  	s4 =	sshll.u32 s26, $0x1;
	_ =	strace $0x80000046;
	[dreg:$0x1] =	wrdreg $0xFFFFFFFF  }
0xa7: {  	s28 =	simm.s32 $_size_execute0_lowered;
	s2 =	sadd.s32 s2, s4;
	[dreg:$0x0] =	wrdreg $0x0  }
0xa8: {  	s4 =	sshll.u32 s28, $0x1;
	[dreg:$0x2] =	wrdreg s2  }
0xa9: {  	[dreg:$0x3] =	wrdreg s4  }
0xaa: {  	[dreg:$0x4] =	wrdreg $0xC0  }
0xab: {  	_ =	task [dreg:s6], $0x5FFFF  }
0xac: {  	[dreg:$0x1] =	wrdreg $0xFFFFFFFF  }
0xad: {  	[dreg:$0x0] =	wrdreg $0x60  }
0xae: {  	[dreg:$0x2] =	wrdreg s24  }
0xaf: {  	[dreg:$0x3] =	wrdreg $0x0  }
0xb0: {  	[dreg:$0x4] =	wrdreg $0x9  }
0xb1: {  	_ =	task.clear_ibuf [dreg:s6], $0x5FFFF;
	_ =	strace $0x90000046  }
0xb2: {  	s29 =	simm.s32 $0x9;
	_ =	strace $0x80000048  }
0xb3: {  	_ =	swait.ge [sflag:s29], $0x1  }
0xb4: {  	[sflag:s29] =	ssyncadd.s32 $0xFFFFFFFF  }
0xb5: {  	_ =	strace $0x90000048  }
0xb6: {  	_ =	sfence  }
0xb7: {  	s30 =	sld [smem:$0x0];
	_ =	sdelay $0x2  }
0xb8: {  	s31 =	sshll.u32 s1, $0xD;
	s1 =	sshrl.u32 s1, $0x2  }
0xb9: {  	s3 =	sand.u32 $0x4000, s31;
	s1 =	sadd.s32 s1, s30  }
0xba: {  	s0 =	sor.u32 s3, s0;
	s1 =	sshll.u32 s1, $0x11  }
0xbb: {  	s0 =	sor.u32 s1, s0  }
0xbc: {  	s0 =	sadd.s32 $0x8F2B, s0  }
0xbd: {  	[sflag:s0] =	ssyncadd.remote.s32 $0x1  }
0xbe: {  	_ =	sfence.sel $0xFFFF  }
0xbf: {  	[dreg:$0x0] =	wrdreg $0xFFFFFFFF;
	(pc) =	sbr.abs _section_cstart, $3  }
0xc0: {  	[dreg:$0x1] =	wrdreg $0xFFFFFFFF  }
0xc1: {  	_ =	task.clear_ibuf [dreg:s6], $0x2FFFF;
	_ =	strace $0x9FFFFFFF  }
0xc2: {  	(tm) =	ssettm $0x7FFFFFFF  }
0xc3: {  	_ =	shalt  }
tec
execute0_lowered:
.L_overlay_start_1:
0x0: {  	(tag) =	ssettag $0x1  }
0x1: {  	s5 =	rddreg [dreg:$0x0]  }
0x2: {  	s0 =	srdreg.scid;
	s2 =	rddreg [dreg:$0x1];
	s3 =	simm.s32 $0x0  }
0x3: {  	s13 =	simm.s32 $0x15400;
	s14 =	simm.s32 $0x1;
	s4 =	sand.u32 $0x1, s0  }
0x4: {  	s15 =	simm.s32 $0x14000;
	s0 =	stileid.u32;
	s7 =	smul.u32 $0x140000, s4  }
0x5: {  	s16 =	simm.s32 $0x80;
	[smem:$0x7FF] =	sst s3;
	s8 =	smul.u32 $0x14000, s0  }
0x6: {  	s1 =	sshll.u32 s4, $0x4;
	s9 =	smul.u32 $0x50000, s0;
	s4 =	ssub.s32 $0x2, s4  }
0x7: {  	s17 =	sshll.u32 s0, $0x6;
	s1 =	sor.u32 s0, s1;
	s31 =	sshrl.u32 s4, $0x1  }
0x8: {  	s17 =	sor.u32 $0x1C01, s17;
	s6 =	smul.u32 $0x2800, s1;
	s1 =	rddreg [dreg:$0x2]  }
0x9: {  	_ =	strace $0x80000047;
	s7 =	sadd.s32 s8, s7;
	s9 =	sshrl.u32 s9, $0x2  }
0xa: {  	s8 =	ssub.s32 s4, s31;
	s7 =	sshrl.u32 s7, $0x3;
	s4 =	sadd.s32 s9, s2  }
0xb: {  	s8 =	smax.u32 s8, $0x1;
	s6 =	sshrl.u32 s6, $0x3;
	s7 =	sadd.s32 s7, s5  }
0xc: {  	s9 =	sadd.s32 $0x4000, s4;
	s10 =	sadd.s32 $0x8000, s4;
	s11 =	sadd.s32 $0xC000, s4  }
0xd: {  	s12 =	sadd.s32 $0x10000, s4;
	s18 =	sshrl.u32 s4, $0x3;
	s6 =	sadd.s32 s6, s5  }
0xe: {  	v0 =	vimm.f32 $0.0e+00;
	v1 =	vimm.f32 $1.000000000e+00;
	s7 =	sadd.s32 $0x22600, s7;
	s5 =	sadd.s32 $0x18600, s6;
	s6 =	sadd.s32 $0x18880, s6  }
.LBB2_1:
0xf: {  	s19 =	simm.s32 $0x0;
	s20 =	simm.s32 $0x200  }
.LBB2_2:
0x10: {  	p0 =	sne.s32 s20, $0xFE00;
	[tilespmem:s19+$0x15470] =	vst v0  }
0x11: {  	[tilespmem:s19+$0x15400] =	vst v0  }
0x12: {  	[tilespmem:s19+$0x15410] =	vst v0  }
.Ltmp0:
0x13: {  	[tilespmem:s19+$0x15420] =	vst v0;
	(pc) =	sbr.rel @p0 .LBB2_2-.Ltmp0, $4  }
0x14: {  	[tilespmem:s19+$0x15430] =	vst v0  }
0x15: {  	[tilespmem:s19+$0x15440] =	vst v0  }
0x16: {  	[tilespmem:s19+$0x15450] =	vst v0  }
0x17: {  	[tilespmem:s19+$0x15460] =	vst v0;
	s19 =	sshra.s32 s20, $0x2;
	s20 =	sadd.s32 $0x200, s20  }
0x18: {  	[tilespmem:s19+$0x15470] =	vst v0  }
0x19: {  	[tilespmem:s19+$0x15400] =	vst v0  }
0x1a: {  	[tilespmem:s19+$0x15410] =	vst v0  }
0x1b: {  	[tilespmem:s19+$0x15420] =	vst v0  }
0x1c: {  	[tilespmem:s19+$0x15430] =	vst v0  }
0x1d: {  	[tilespmem:s19+$0x15440] =	vst v0  }
0x1e: {  	[tilespmem:s19+$0x15450] =	vst v0  }
0x1f: {  	[tilespmem:s19+$0x15460] =	vst v0  }
0x20: {  	[spmem:s4] =	stream.linear.scatter [tilespmem:s13], [sflag:$0x1], $0x4000, $0x38;
	[tilespmem:$0x19400] =	vst v63  }
0x21: {  	_ =	swait.ge [sflag:s14], $0x4000  }
0x22: {  	[sflag:s14] =	ssyncset.done $0x0  }
0x23: {  	[sflag:s14] =	ssyncadd.s32 $0xFFFFC000  }
0x24: {  	[spmem:s9] =	stream.linear.scatter [tilespmem:s13], [sflag:$0x1], $0x4000, $0x38;
	[tilespmem:$0x19400] =	vst v63  }
0x25: {  	_ =	swait.ge [sflag:s14], $0x4000  }
0x26: {  	[sflag:s14] =	ssyncset.done $0x0  }
0x27: {  	[sflag:s14] =	ssyncadd.s32 $0xFFFFC000  }
0x28: {  	[spmem:s10] =	stream.linear.scatter [tilespmem:s13], [sflag:$0x1], $0x4000, $0x38;
	[tilespmem:$0x19400] =	vst v63  }
0x29: {  	_ =	swait.ge [sflag:s14], $0x4000  }
0x2a: {  	[sflag:s14] =	ssyncset.done $0x0  }
0x2b: {  	[sflag:s14] =	ssyncadd.s32 $0xFFFFC000  }
0x2c: {  	[spmem:s11] =	stream.linear.scatter [tilespmem:s13], [sflag:$0x1], $0x4000, $0x38;
	[tilespmem:$0x19400] =	vst v63  }
0x2d: {  	_ =	swait.ge [sflag:s14], $0x4000  }
0x2e: {  	[sflag:s14] =	ssyncset.done $0x0  }
0x2f: {  	[sflag:s14] =	ssyncadd.s32 $0xFFFFC000  }
0x30: {  	[spmem:s12] =	stream.linear.scatter [tilespmem:s13], [sflag:$0x1], $0x4000, $0x38;
	[tilespmem:$0x19400] =	vst v63  }
0x31: {  	_ =	swait.ge [sflag:s14], $0x4000  }
0x32: {  	[sflag:s14] =	ssyncset.done $0x0  }
0x33: {  	s19 =	simm.s32 $0x0;
	s20 =	simm.s32 $0x200;
	[sflag:s14] =	ssyncadd.s32 $0xFFFFC000  }
.LBB2_4:
0x34: {  	p0 =	sne.s32 s20, $0xFE00;
	[tilespmem:s19+$0x15470] =	vst v1  }
0x35: {  	[tilespmem:s19+$0x15400] =	vst v1  }
0x36: {  	[tilespmem:s19+$0x15410] =	vst v1  }
.Ltmp1:
0x37: {  	[tilespmem:s19+$0x15420] =	vst v1;
	(pc) =	sbr.rel @p0 .LBB2_4-.Ltmp1, $4  }
0x38: {  	[tilespmem:s19+$0x15430] =	vst v1  }
0x39: {  	[tilespmem:s19+$0x15440] =	vst v1  }
0x3a: {  	[tilespmem:s19+$0x15450] =	vst v1  }
0x3b: {  	[tilespmem:s19+$0x15460] =	vst v1;
	s19 =	sshra.s32 s20, $0x2;
	s20 =	sadd.s32 $0x200, s20  }
0x3c: {  	[tilespmem:s19+$0x15470] =	vst v1  }
0x3d: {  	[tilespmem:s19+$0x15400] =	vst v1  }
0x3e: {  	[tilespmem:s19+$0x15410] =	vst v1  }
0x3f: {  	[tilespmem:s19+$0x15420] =	vst v1  }
0x40: {  	[tilespmem:s19+$0x15430] =	vst v1  }
0x41: {  	[tilespmem:s19+$0x15440] =	vst v1  }
0x42: {  	[tilespmem:s19+$0x15450] =	vst v1  }
0x43: {  	[tilespmem:s19+$0x15460] =	vst v1  }
0x44: {  	s30 =	simm.s32 $0x0;
	[bflag:$0x0] =	sbarrier.arrive $0xFFFF  }
0x45: {  	[tilespmem:s15], [sflag:$0x1] =	stream.linear.gather [hbm4b:s5+s30], $0x1400, $0x38;
	[tilespmem:$0x19400] =	vst v63  }
0x46: {  	_ =	swait.ge [sflag:s14], $0x1400  }
0x47: {  	[sflag:s14] =	ssyncset.done $0x0  }
0x48: {  	s31 =	simm.s32 $0x14000;
	[sflag:s14] =	ssyncadd.s32 $0xFFFFEC00  }
0x49: {  	[spmem:s2] =	stream.indirect.scatter.add.f32 [tilespmem:s13], [sflag:$0x1], $0x80, s31, s16, $0xb8;
	[tilespmem:$0x19400] =	vst v63  }
0x4a: {  	s19 =	simm.s32 $0x200;
	_ =	swait.ge [sflag:s14], $0x4000  }
.LBB2_6:
0x4b: {  	s20 =	sshra.s32 s19, $0x2;
	[sflag:s14] =	ssyncset.done $0x0;
	p0 =	sne.s32 s19, $0x4E00  }
.Ltmp2:
0x4c: {  	s20 =	sadd.s32 $0x14000, s20;
	[sflag:s14] =	ssyncadd.s32 $0xFFFFC000;
	(pc) =	sbr.rel @p0 .LBB2_6-.Ltmp2, $3  }
0x4d: {  	[spmem:s2] =	stream.indirect.scatter.add.f32 [tilespmem:s13], [sflag:$0x1], $0x80, s20, s16, $0xb8;
	[tilespmem:$0x19400] =	vst v63  }
0x4e: {  	s19 =	sadd.s32 $0x200, s19;
	_ =	sdelay $0x1  }
0x4f: {  	_ =	swait.ge [sflag:s14], $0x4000  }
0x50: {  	[sflag:s14] =	ssyncset.done $0x0  }
0x51: {  	s19 =	simm.s32 $0x0;
	[sflag:s14] =	ssyncadd.s32 $0xFFFFC000  }
0x52: {  	[tilespmem:s15], [sflag:$0x1] =	stream.linear.gather [hbm4b:s6+s19], $0x1400, $0x38;
	[tilespmem:$0x19400] =	vst v63  }
0x53: {  	_ =	swait.ge [sflag:s14], $0x1400  }
0x54: {  	[sflag:s14] =	ssyncset.done $0x0  }
0x55: {  	s31 =	simm.s32 $0x14000;
	[sflag:s14] =	ssyncadd.s32 $0xFFFFEC00  }
0x56: {  	[spmem:s2] =	stream.indirect.scatter.add.f32 [tilespmem:s13], [sflag:$0x1], $0x80, s31, s16, $0xb8;
	[tilespmem:$0x19400] =	vst v63  }
0x57: {  	s19 =	simm.s32 $0x200;
	_ =	swait.ge [sflag:s14], $0x4000  }
.LBB2_8:
0x58: {  	s20 =	sshra.s32 s19, $0x2;
	[sflag:s14] =	ssyncset.done $0x0;
	p0 =	sne.s32 s19, $0x4E00  }
.Ltmp3:
0x59: {  	s20 =	sadd.s32 $0x14000, s20;
	[sflag:s14] =	ssyncadd.s32 $0xFFFFC000;
	(pc) =	sbr.rel @p0 .LBB2_8-.Ltmp3, $3  }
0x5a: {  	[spmem:s2] =	stream.indirect.scatter.add.f32 [tilespmem:s13], [sflag:$0x1], $0x80, s20, s16, $0xb8;
	[tilespmem:$0x19400] =	vst v63  }
0x5b: {  	s19 =	sadd.s32 $0x200, s19;
	_ =	sdelay $0x1  }
0x5c: {  	_ =	swait.ge [sflag:s14], $0x4000  }
0x5d: {  	[sflag:s14] =	ssyncset.done $0x0;
	s3 =	sadd.s32 $0x1, s3  }
0x5e: {  	[sflag:s14] =	ssyncadd.s32 $0xFFFFC000;
	p0 =	sne.s32 s3, s8  }
.Ltmp4:
0x5f: {  	[bflag:$0x0] =	sbarrier.arrive $0xFFFF;
	(pc) =	sbr.rel @p0 .LBB2_1-.Ltmp4, $4  }
0x60: {  	[hbm:s7], [sflag:s17] =	dma.local [spmem:s18], $0x2800  }
0x61: {  	_ =	swait.ge [sflag:s14], $0x2800  }
0x62: {  	[sflag:s14] =	ssyncset.done $0x0  }
0x63: {  	[sflag:s14] =	ssyncadd.s32 $0xFFFFD800  }
0x64: {  	_ =	sfence.sel $0x180000  }
0x65: {  	[bflag:$0x0] =	sbarrier.arrive $0xFFFF  }
0x66: {  	p0 =	sne.s32 s0, $0x0;
	_ =	strace $0x90000047  }
0x67: {  	s0 =	sadd.s32 @!p0 $0x100000, s1;
	[bflag:$0x2] =	sbarrier.arrive $0xFFFF  }
0x68: {  	[sflag:s0] =	ssyncadd.tile.s32 @!p0 $0x1;
	_ =	shalt  }
.Lfunc_end2:
_tile_overlayer_lowered:
.L_overlay_start_2:
0x69: {  	(tag) =	ssettag $0x2  }
0x6a: {  	s0 =	rddreg [dreg:$0x0];
	s2 =	stileid.u32  }
0x6b: {  	s1 =	rddreg [dreg:$0x1];
	p0 =	sne.s32 s2, $0x0  }
0x6c: {  	s3 =	rddreg [dreg:$0x2];
	[bflag:$0x3] =	sbarrier.arrive $0xFFFF;
	s2 =	simm.s32 @!p0 $0x1C01  }
0x6d: {  	[timem:s3], [sflag:s2] =	dma.local @!p0 [hbm:s0], s1  }
0x6e: {  	s0 =	simm.s32 @!p0 $0x1  }
0x6f: {  	_ =	swait.ge @!p0 [sflag:s0], s1  }
0x70: {  	s1 =	ssub.s32 @!p0 $0x0, s1;
	[sflag:s0] =	ssyncset.done @!p0 $0x0  }
0x71: {  	[sflag:s0] =	ssyncadd.s32 @!p0 s1  }
0x72: {  	[bflag:$0x3] =	sbarrier.arrive $0xFFFF  }
0x73: {  	_ =	shalt  }

// kernel: kernel.13.cloned.1.call-start
scs
__scs_entry_jumppad:
0x0: {  	(pc) =	sbr.rel $0x88, $3  }
0x1: {  	(tag) =	ssettag $0x0;
	lr =	simm.s32 $0x1  }
0x2: {  	[smem:$0x3F98] =	sst lr;
	_ =	strace $0xD0000000  }
0x3: {  	_ = 	snop  }
0x4: {  	_ = 	snop  }
0x5: {  	_ = 	snop  }
0x6: {  	_ = 	snop  }
0x7: {  	_ = 	snop  }
__scs_overlays_trampoline_lowered:
0x8: {  	[smem:$0x3FA7] =	sst s0  }
0x9: {  	[smem:$0x3FA8] =	sst s1  }
0xa: {  	[smem:$0x3FA9] =	sst s2  }
0xb: {  	[smem:$0x3FAA] =	sst s3  }
0xc: {  	[smem:$0x3FAB] =	sst s4  }
0xd: {  	[smem:$0x3FAC] =	sst s5  }
0xe: {  	[smem:$0x3FAD] =	sst s6  }
0xf: {  	[smem:$0x3FAE] =	sst s7  }
0x10: {  	[smem:$0x3FAF] =	sst s8  }
0x11: {  	[smem:$0x3FB0] =	sst s9;
	s0 =	simm.s32 @!p0 $0x0  }
0x12: {  	s1 =	sld [smem:$0x3F96];
	s0 =	simm.s32 @p0 $0x1  }
0x13: {  	[smem:$0x3FB1] =	sst s0;
	s0 =	simm.s32 @!p1 $0x0  }
0x14: {  	s2 =	sld [smem:$0x3F95];
	s0 =	simm.s32 @p1 $0x1  }
0x15: {  	[smem:$0x3FB2] =	sst s0;
	s0 =	simm.s32 @!p2 $0x0  }
0x16: {  	s3 =	sld [smem:$0x3FDB];
	s0 =	simm.s32 @p2 $0x1  }
0x17: {  	s4 =	simm.s32 $0x1BF5;
	[smem:$0x3FB4] =	sst s0  }
0x18: {  	s0 =	sld [smem:$0x3F97];
	_ =	swait.ge [sflag:s4], $0x0  }
0x19: {  	s7 =	sld [smem:$0x3F98]  }
0x1a: {  	s8 =	sadd.s32 $0xFFFFE003, lr  }
0x1b: {  	s9 =	sadd.s32 $0xFFFFFEF7, lr;
	s5 =	simm.s32 $0xFFFFFFFF;
	p2 =	slt.u32 s8, $0xFFFFF086  }
0x1c: {  	p1 =	slt.u32 s9, $0xF7A;
	s5 =	simm.s32 @!p2 $0x0  }
0x1d: {  	s5 =	simm.s32 @p1 $0x1;
	p0 =	seq.s32 s7, s2  }
0x1e: {  	s7 =	smul.u32 @!p0 $0xF7A, s2;
	p2 =	seq.s32 @!p0 s5, $0x0  }
0x1f: {  	s9 =	smul.u32 $0xF7A, s1;
	s8 =	simm.s32 @!p0 $0x1BF5;
	p2 =	por !p2, p0  }
0x20: {  	[sflag:s8] =	ssyncset.s32 @!p0 $0xFFFFF086;
	s6 =	sadd.s32 @!p0 s3, s7;
	s7 =	simm.s32 @!p0 $0x108  }
0x21: {  	s3 =	sadd.s32 s3, s9;
	s6 =	sadd.s32 @!p0 $0x88, s6;
	s7 =	simm.s32 @p2 $0x1082  }
0x22: {  	[simem:s7], [sflag:s8] =	dma.local @!p0 [hbm:s6], $0xF7A  }
0x23: {  	s9 =	sor.u32 $0xD0000000, s2;
	s6 =	simm.s32 $0x108;
	_ =	swait.ge @!p0 [sflag:s8], $0x0  }
0x24: {  	s3 =	sadd.s32 $0x88, s3;
	s6 =	simm.s32 @!p1 $0x1082;
	[sflag:s4] =	ssyncset.s32 $0xFFFFF086  }
0x25: {  	[simem:s6], [sflag:s4] =	dma.local [hbm:s3], $0xF7A  }
0x26: {  	[smem:$0x3F98] =	sst s1;
	(tag) =	ssettag s2;
	_ =	strace s9  }
0x27: {  	s1 =	sld [smem:$0x3FA8]  }
0x28: {  	s2 =	sld [smem:$0x3FA9]  }
0x29: {  	s4 =	sld [smem:$0x3FAB]  }
0x2a: {  	p0 =	seq.s32 s5, $0x0;
	s5 =	sld [smem:$0x3FAC]  }
0x2b: {  	s6 =	sld [smem:$0x3FAD]  }
0x2c: {  	s7 =	sld [smem:$0x3FAE]  }
0x2d: {  	s3 =	simm.s32 $0x108;
	s8 =	sld [smem:$0x3FAF]  }
0x2e: {  	s3 =	simm.s32 @!p0 $0x1082;
	s9 =	sld [smem:$0x3FB0]  }
0x2f: {  	lr =	sadd.s32 s0, s3;
	s0 =	sld [smem:$0x3FA7]  }
0x30: {  	s3 =	sld [smem:$0x3FAA]  }
0x31: {  	[smem:$0x3FB3] =	sst s10  }
0x32: {  	s10 =	sld [smem:$0x3FB1];
	_ =	sdelay $0x3  }
0x33: {  	p0 =	seq.s32 s10, $0x1;
	s10 =	sld [smem:$0x3FB3];
	_ =	sdelay $0x3  }
0x34: {  	[smem:$0x3FB3] =	sst s10  }
0x35: {  	s10 =	sld [smem:$0x3FB2];
	_ =	sdelay $0x3  }
0x36: {  	p1 =	seq.s32 s10, $0x1;
	s10 =	sld [smem:$0x3FB3];
	_ =	sdelay $0x3  }
0x37: {  	[smem:$0x3FB3] =	sst s10  }
0x38: {  	s10 =	sld [smem:$0x3FB4]  }
0x39: {  	_ = 	snop;
	(pc) =	sbr.ind lr, $3  }
0x3a: {  	_ = 	snop  }
0x3b: {  	_ = 	snop  }
0x3c: {  	p2 =	seq.s32 s10, $0x1;
	s10 =	sld [smem:$0x3FB3]  }
0x3d: {  	_ =	shalt  }
0x3e: {  	_ =	shalt  }
0x3f: {  	_ =	shalt  }
0x40: {  	_ =	shalt  }
0x41: {  	_ =	shalt  }
0x42: {  	_ =	shalt  }
0x43: {  	_ =	shalt  }
0x44: {  	_ =	shalt  }
0x45: {  	_ =	shalt  }
0x46: {  	_ =	shalt  }
0x47: {  	_ =	shalt  }
0x48: {  	_ =	shalt  }
0x49: {  	_ =	shalt  }
0x4a: {  	_ =	shalt  }
0x4b: {  	_ =	shalt  }
0x4c: {  	_ =	shalt  }
0x4d: {  	_ =	shalt  }
0x4e: {  	_ =	shalt  }
0x4f: {  	_ =	shalt  }
0x50: {  	_ =	shalt  }
0x51: {  	_ =	shalt  }
0x52: {  	_ =	shalt  }
0x53: {  	_ =	shalt  }
0x54: {  	_ =	shalt  }
0x55: {  	_ =	shalt  }
0x56: {  	_ =	shalt  }
0x57: {  	_ =	shalt  }
0x58: {  	_ =	shalt  }
0x59: {  	_ =	shalt  }
0x5a: {  	_ =	shalt  }
0x5b: {  	_ =	shalt  }
0x5c: {  	_ =	shalt  }
0x5d: {  	_ =	shalt  }
0x5e: {  	_ =	shalt  }
0x5f: {  	_ =	shalt  }
0x60: {  	_ =	shalt  }
0x61: {  	_ =	shalt  }
0x62: {  	_ =	shalt  }
0x63: {  	_ =	shalt  }
0x64: {  	_ =	shalt  }
0x65: {  	_ =	shalt  }
0x66: {  	_ =	shalt  }
0x67: {  	_ =	shalt  }
0x68: {  	_ =	shalt  }
0x69: {  	_ =	shalt  }
0x6a: {  	_ =	shalt  }
0x6b: {  	_ =	shalt  }
0x6c: {  	_ =	shalt  }
0x6d: {  	_ =	shalt  }
0x6e: {  	_ =	shalt  }
0x6f: {  	_ =	shalt  }
0x70: {  	_ =	shalt  }
0x71: {  	_ =	shalt  }
0x72: {  	_ =	shalt  }
0x73: {  	_ =	shalt  }
0x74: {  	_ =	shalt  }
0x75: {  	_ =	shalt  }
0x76: {  	_ =	shalt  }
0x77: {  	_ =	shalt  }
0x78: {  	_ =	shalt  }
0x79: {  	_ =	shalt  }
0x7a: {  	_ =	shalt  }
0x7b: {  	_ =	shalt  }
0x7c: {  	_ =	shalt  }
0x7d: {  	_ =	shalt  }
0x7e: {  	_ =	shalt  }
0x7f: {  	_ =	shalt  }
0x80: {  	_ =	shalt  }
0x81: {  	_ =	shalt  }
0x82: {  	_ =	shalt  }
0x83: {  	_ =	shalt  }
0x84: {  	_ =	shalt  }
0x85: {  	_ =	shalt  }
0x86: {  	_ =	shalt  }
0x87: {  	_ =	shalt  }
.Lfunc_end0:
.L_simem_size_0:
called_computation.1_lowered:
.L_overlay_start_0:
0x88: {  	s2 =	sld [smem:$0x3FD9]  }
0x89: {  	s3 =	sld [smem:$0x3FFE];
	_ =	sdelay $0x1  }
0x8a: {  	s1 =	srdreg.scid  }
0x8b: {  	s0 =	sand.u32 $0x1, s1  }
0x8c: {  	s16 =	sshll.u32 s0, $0xA;
	s2 =	sadd.s32 s3, s2  }
0x8d: {  	s2 =	sadd.s32 s2, s16  }
0x8e: {  	[smem:$0x3FBF] =	sst s2  }
0x8f: {  	_ = 	snop  }
0x90: {  	(tm) =	ssettm $0x1  }
0x91: {  	s17 =	sld [smem:$0x3FFB];
	_ =	sdelay $0x3  }
0x92: {  	_ =	strace s17  }
0x93: {  	s2 =	sld [smem:$0x3FFC];
	_ =	sdelay $0x3  }
0x94: {  	_ =	strace s2  }
0x95: {  	s2 =	sld [smem:$0x3FFD];
	_ =	sdelay $0x3  }
0x96: {  	_ =	strace s2  }
0x97: {  	_ =	strace $0x8FFFFFFF  }
0x98: {  	s18 =	sld [smem:$0x3FDB];
	_ =	sdelay $0x1  }
0x99: {  	s19 =	simm.s32 $_scs_section_size  }
0x9a: {  	s4 =	simm.s32 $_size__tile_overlayer_lowered;
	s5 =	simm.s32 $_tile_overlayer_lowered  }
0x9b: {  	s22 =	simm.s32 $0x1BFF;
	s21 =	sshll.u32 s5, $0x1;
	s2 =	sadd.s32 s19, s18  }
0x9c: {  	s6 =	simm.s32 $0x0;
	s20 =	sshll.u32 s4, $0x1;
	s4 =	sadd.s32 s21, s2  }
0x9d: {  	[timem:s6], [sflag:s22] =	dma.local [hbm:s4], s20  }
0x9e: {  	_ =	swait.ge [sflag:s22], s20  }
0x9f: {  	s3 =	ssub.s32 $0x0, s20;
	[sflag:s22] =	ssyncset.done $0x0  }
0xa0: {  	[sflag:s22] =	ssyncadd.s32 s3;
	_ =	sdelay $0x1  }
0xa1: {  	s23 =	simm.s32 $0x1B8B  }
0xa2: {  	_ =	swait.ge [sflag:s23], $0x1  }
0xa3: {  	[sflag:s23] =	ssyncset.done $0x0  }
0xa4: {  	s25 =	simm.s32 $0x1B8E;
	s24 =	sld [smem:$0x3FFE];
	[sflag:s23] =	ssyncadd.s32 $0xFFFFFFFF  }
0xa5: {  	s26 =	simm.s32 $execute0_lowered;
	[smem:$0x3FD2] =	sst s25  }
0xa6: {  	s4 =	sshll.u32 s26, $0x1;
	_ =	strace $0x80000049;
	[dreg:$0x1] =	wrdreg $0xFFFFFFFF  }
0xa7: {  	s28 =	simm.s32 $_size_execute0_lowered;
	s2 =	sadd.s32 s2, s4;
	[dreg:$0x0] =	wrdreg $0x0  }
0xa8: {  	s4 =	sshll.u32 s28, $0x1;
	[dreg:$0x2] =	wrdreg s2  }
0xa9: {  	[dreg:$0x3] =	wrdreg s4  }
0xaa: {  	[dreg:$0x4] =	wrdreg $0xC0  }
0xab: {  	_ =	task [dreg:s6], $0x5FFFF  }
0xac: {  	[dreg:$0x1] =	wrdreg $0xFFFFFFFF  }
0xad: {  	[dreg:$0x0] =	wrdreg $0x60  }
0xae: {  	[dreg:$0x2] =	wrdreg s24  }
0xaf: {  	[dreg:$0x3] =	wrdreg $0x0  }
0xb0: {  	[dreg:$0x4] =	wrdreg $0x9  }
0xb1: {  	_ =	task.clear_ibuf [dreg:s6], $0x5FFFF;
	_ =	strace $0x90000049  }
0xb2: {  	s29 =	simm.s32 $0x9;
	_ =	strace $0x8000004B  }
0xb3: {  	_ =	swait.ge [sflag:s29], $0x1  }
0xb4: {  	[sflag:s29] =	ssyncadd.s32 $0xFFFFFFFF  }
0xb5: {  	_ =	strace $0x9000004B  }
0xb6: {  	_ =	sfence  }
0xb7: {  	s30 =	sld [smem:$0x0];
	_ =	sdelay $0x2  }
0xb8: {  	s31 =	sshll.u32 s1, $0xD;
	s1 =	sshrl.u32 s1, $0x2  }
0xb9: {  	s3 =	sand.u32 $0x4000, s31;
	s1 =	sadd.s32 s1, s30  }
0xba: {  	s0 =	sor.u32 s3, s0;
	s1 =	sshll.u32 s1, $0x11  }
0xbb: {  	s0 =	sor.u32 s1, s0  }
0xbc: {  	s0 =	sadd.s32 $0x8F2B, s0  }
0xbd: {  	[sflag:s0] =	ssyncadd.remote.s32 $0x1  }
0xbe: {  	_ =	sfence.sel $0xFFFF  }
0xbf: {  	[dreg:$0x0] =	wrdreg $0xFFFFFFFF;
	(pc) =	sbr.abs _section_cstart, $3  }
0xc0: {  	[dreg:$0x1] =	wrdreg $0xFFFFFFFF  }
0xc1: {  	_ =	task.clear_ibuf [dreg:s6], $0x2FFFF;
	_ =	strace $0x9FFFFFFF  }
0xc2: {  	(tm) =	ssettm $0x7FFFFFFF  }
0xc3: {  	_ =	shalt  }
tec
execute0_lowered:
.L_overlay_start_1:
0x0: {  	(tag) =	ssettag $0x1  }
0x1: {  	s0 =	rddreg [dreg:$0x0]  }
0x2: {  	s1 =	rddreg [dreg:$0x1];
	s3 =	simm.s32 $0x0  }
0x3: {  	s2 =	srdreg.scid;
	s12 =	stileid.u32;
	s28 =	simm.s32 $0xA  }
0x4: {  	s29 =	simm.s32 $0x14000;
	s30 =	simm.s32 $0x14080;
	s7 =	smul.u32 $0x14000, s12  }
0x5: {  	s31 =	simm.s32 $0x14100;
	[smem:$0x7FF] =	sst s3;
	s25 =	smul.u32 $0x50000, s12  }
0x6: {  	s2 =	sand.u32 $0x1, s2;
	s4 =	sadd.s32 $0x18600, s0;
	s14 =	smul.u32 $0x2710, s12  }
0x7: {  	s5 =	sadd.s32 $0xE800, s0;
	s6 =	smul.u32 $0x140000, s2;
	_ =	strace $0x8000004A  }
0x8: {  	s8 =	sshll.u32 s2, $0x4;
	s9 =	ssub.s32 $0x2, s2;
	s2 =	smul.u32 $0x27100, s2  }
0x9: {  	s8 =	sor.u32 s12, s8;
	s10 =	sshrl.u32 s9, $0x1;
	s13 =	sshrl.u32 s25, $0x2  }
0xa: {  	s12 =	simm.s32 $0x4;
	s8 =	smul.u32 $0x2710, s8;
	s20 =	ssub.s32 s9, s10  }
0xb: {  	s7 =	sadd.s32 s7, s6;
	s6 =	sadd.s32 $0x4A00, s0;
	s15 =	smax.u32 s20, $0x1  }
0xc: {  	s21 =	sshrl.u32 s8, $0x3;
	s8 =	sadd.s32 $0x190, s8;
	[dreg:$0xc] =	wrdreg s15  }
0xd: {  	s7 =	sshrl.u32 s7, $0x3;
	s22 =	sadd.s32 s5, s21;
	[dreg:$0x3] =	wrdreg s8  }
0xe: {  	s0 =	sadd.s32 s7, s0;
	s23 =	sadd.s32 s6, s21;
	[dreg:$0x4] =	wrdreg s22  }
0xf: {  	s24 =	sadd.s32 $0xA, s21;
	s0 =	sadd.s32 $0x68600, s0;
	[dreg:$0x5] =	wrdreg s23  }
0x10: {  	s19 =	sadd.s32 s14, s2;
	s11 =	sadd.s32 s5, s24;
	[dreg:$0xb] =	wrdreg s0  }
0x11: {  	s9 =	sadd.s32 $0x14, s21;
	s10 =	sadd.s32 s6, s24;
	[dreg:$0x6] =	wrdreg s11  }
0x12: {  	s14 =	simm.s32 $0x16B00;
	s26 =	sadd.s32 s5, s9;
	[dreg:$0x7] =	wrdreg s10  }
0x13: {  	s7 =	simm.s32 $0x14280;
	s9 =	sadd.s32 s6, s9;
	[dreg:$0x8] =	wrdreg s26  }
0x14: {  	s15 =	simm.s32 $0x5;
	s0 =	sadd.s32 $0xF0, s19;
	[dreg:$0x9] =	wrdreg s9  }
0x15: {  	s8 =	simm.s32 $0x1;
	s23 =	sadd.s32 s13, s1;
	[dreg:$0x16] =	wrdreg s0  }
0x16: {  	s22 =	sadd.s32 $0x140, s19;
	s16 =	sadd.s32 $0x2800, s23;
	[dreg:$0xa] =	wrdreg s23  }
0x17: {  	s19 =	simm.s32 $0x8;
	s17 =	sadd.s32 $0x5000, s23;
	[dreg:$0xd] =	wrdreg s16  }
0x18: {  	s18 =	sadd.s32 $0x7800, s23;
	s20 =	sadd.s32 $0xA000, s23;
	[dreg:$0xe] =	wrdreg s17  }
0x19: {  	s21 =	sadd.s32 $0xC800, s23;
	s24 =	sadd.s32 $0xF000, s23;
	[dreg:$0xf] =	wrdreg s18  }
0x1a: {  	s25 =	sadd.s32 $0x11800, s23;
	s2 =	sshrl.u32 s22, $0x3;
	[dreg:$0x10] =	wrdreg s20  }
0x1b: {  	s0 =	simm.s32 $0x14180;
	s9 =	simm.s32 $0x2;
	[dreg:$0x11] =	wrdreg s21  }
0x1c: {  	s10 =	simm.s32 $0x50;
	s11 =	simm.s32 $0x3;
	[dreg:$0x12] =	wrdreg s24  }
0x1d: {  	[dreg:$0x13] =	wrdreg s25;
	s26 =	sadd.s32 s2, s6;
	s2 =	sadd.s32 s2, s5  }
0x1e: {  	s16 =	simm.s32 $0x6;
	s17 =	simm.s32 $0x19300;
	s18 =	simm.s32 $0x7  }
0x1f: {  	s20 =	simm.s32 $0x9;
	s21 =	simm.s32 $0x0;
	[dreg:$0x14] =	wrdreg s26  }
0x20: {  	v0 =	vimm.f32 $0.0e+00;
	[dreg:$0x15] =	wrdreg s2;
	s26 =	simm.s32 $0x14300;
	s2 =	simm.s32 $0x14200  }
.LBB2_1:
0x21: {  	[dreg:$0x17] =	wrdreg s21;
	s13 =	simm.s32 $0x70;
	s22 =	simm.s32 $0x3C0  }
.LBB2_2:
0x22: {  	p0 =	sne.s32 s22, $0x9FC0;
	[tilespmem:s13+$0x14300] =	vst v0  }
0x23: {  	[tilespmem:s13+$0x14290] =	vst v0  }
0x24: {  	[tilespmem:s13+$0x142A0] =	vst v0  }
.Ltmp0:
0x25: {  	[tilespmem:s13+$0x142B0] =	vst v0;
	(pc) =	sbr.rel @p0 .LBB2_2-.Ltmp0, $4  }
0x26: {  	[tilespmem:s13+$0x142C0] =	vst v0  }
0x27: {  	[tilespmem:s13+$0x142D0] =	vst v0  }
0x28: {  	[tilespmem:s13+$0x142E0] =	vst v0  }
0x29: {  	[tilespmem:s13+$0x142F0] =	vst v0;
	s13 =	sshra.s32 s22, $0x2;
	s22 =	sadd.s32 $0x200, s22  }
0x2a: {  	[tilespmem:s13+$0x14300] =	vst v0  }
0x2b: {  	[tilespmem:s13+$0x14290] =	vst v0  }
0x2c: {  	[tilespmem:s13+$0x142A0] =	vst v0  }
0x2d: {  	[tilespmem:s13+$0x142B0] =	vst v0  }
0x2e: {  	[tilespmem:s13+$0x142C0] =	vst v0  }
0x2f: {  	[tilespmem:s13+$0x142D0] =	vst v0  }
0x30: {  	[tilespmem:s13+$0x142E0] =	vst v0  }
0x31: {  	[tilespmem:s13+$0x142F0] =	vst v0  }
0x32: {  	[spmem:s23] =	stream.linear.scatter [tilespmem:s26], [sflag:$0xA], $0x2800, $0x38;
	[tilespmem:$0x1BB00] =	vst v63  }
0x33: {  	_ =	swait.ge [sflag:s28], $0x2800  }
0x34: {  	[sflag:s28] =	ssyncset.done $0x0  }
0x35: {  	s23 =	rddreg [dreg:$0xd];
	[sflag:s28] =	ssyncadd.s32 $0xFFFFD800  }
0x36: {  	[spmem:s23] =	stream.linear.scatter [tilespmem:s26], [sflag:$0xA], $0x2800, $0x38;
	[tilespmem:$0x1BB00] =	vst v63  }
0x37: {  	_ =	swait.ge [sflag:s28], $0x2800  }
0x38: {  	[sflag:s28] =	ssyncset.done $0x0  }
0x39: {  	s24 =	rddreg [dreg:$0xe];
	[sflag:s28] =	ssyncadd.s32 $0xFFFFD800  }
0x3a: {  	[spmem:s24] =	stream.linear.scatter [tilespmem:s26], [sflag:$0xA], $0x2800, $0x38;
	[tilespmem:$0x1BB00] =	vst v63  }
0x3b: {  	_ =	swait.ge [sflag:s28], $0x2800  }
0x3c: {  	[sflag:s28] =	ssyncset.done $0x0  }
0x3d: {  	s25 =	rddreg [dreg:$0xf];
	[sflag:s28] =	ssyncadd.s32 $0xFFFFD800  }
0x3e: {  	[spmem:s25] =	stream.linear.scatter [tilespmem:s26], [sflag:$0xA], $0x2800, $0x38;
	[tilespmem:$0x1BB00] =	vst v63  }
0x3f: {  	_ =	swait.ge [sflag:s28], $0x2800  }
0x40: {  	[sflag:s28] =	ssyncset.done $0x0  }
0x41: {  	s21 =	rddreg [dreg:$0x10];
	[sflag:s28] =	ssyncadd.s32 $0xFFFFD800  }
0x42: {  	[spmem:s21] =	stream.linear.scatter [tilespmem:s26], [sflag:$0xA], $0x2800, $0x38;
	[tilespmem:$0x1BB00] =	vst v63  }
0x43: {  	_ =	swait.ge [sflag:s28], $0x2800  }
0x44: {  	[sflag:s28] =	ssyncset.done $0x0  }
0x45: {  	s22 =	rddreg [dreg:$0x11];
	[sflag:s28] =	ssyncadd.s32 $0xFFFFD800  }
0x46: {  	[spmem:s22] =	stream.linear.scatter [tilespmem:s26], [sflag:$0xA], $0x2800, $0x38;
	[tilespmem:$0x1BB00] =	vst v63  }
0x47: {  	_ =	swait.ge [sflag:s28], $0x2800  }
0x48: {  	[sflag:s28] =	ssyncset.done $0x0  }
0x49: {  	s23 =	rddreg [dreg:$0x12];
	[sflag:s28] =	ssyncadd.s32 $0xFFFFD800  }
0x4a: {  	[spmem:s23] =	stream.linear.scatter [tilespmem:s26], [sflag:$0xA], $0x2800, $0x38;
	[tilespmem:$0x1BB00] =	vst v63  }
0x4b: {  	_ =	swait.ge [sflag:s28], $0x2800  }
0x4c: {  	[sflag:s28] =	ssyncset.done $0x0  }
0x4d: {  	s24 =	rddreg [dreg:$0x13];
	[sflag:s28] =	ssyncadd.s32 $0xFFFFD800  }
0x4e: {  	[spmem:s24] =	stream.linear.scatter [tilespmem:s26], [sflag:$0xA], $0x2800, $0x38;
	[tilespmem:$0x1BB00] =	vst v63  }
0x4f: {  	_ =	swait.ge [sflag:s28], $0x2800  }
0x50: {  	[sflag:s28] =	ssyncset.done $0x0  }
0x51: {  	s13 =	simm.s32 $0x0;
	s21 =	rddreg [dreg:$0x4];
	[sflag:s28] =	ssyncadd.s32 $0xFFFFD800  }
0x52: {  	[tilespmem:s29], [sflag:$0x1] =	stream.linear.gather [hbm4b:s21+s13], $0x50, $0x38;
	[tilespmem:$0x1BB00] =	vst v63  }
0x53: {  	s25 =	rddreg [dreg:$0x5]  }
0x54: {  	[tilespmem:s30], [sflag:$0x2] =	stream.linear.gather [hbm4b:s25+s13], $0x50, $0x38;
	[tilespmem:$0x1BB00] =	vst v63  }
0x55: {  	s22 =	rddreg [dreg:$0x6]  }
0x56: {  	[tilespmem:s31], [sflag:$0x3] =	stream.linear.gather [hbm4b:s22+s13], $0x50, $0x38;
	[tilespmem:$0x1BB00] =	vst v63  }
0x57: {  	s23 =	rddreg [dreg:$0x7]  }
0x58: {  	[tilespmem:s0], [sflag:$0x4] =	stream.linear.gather [hbm4b:s23+s13], $0x50, $0x38;
	[tilespmem:$0x1BB00] =	vst v63  }
0x59: {  	s24 =	rddreg [dreg:$0x8]  }
0x5a: {  	[tilespmem:s2], [sflag:$0x5] =	stream.linear.gather [hbm4b:s24+s13], $0x50, $0x38;
	[tilespmem:$0x1BB00] =	vst v63  }
0x5b: {  	s25 =	rddreg [dreg:$0x9]  }
0x5c: {  	[tilespmem:s7], [sflag:$0x6] =	stream.linear.gather [hbm4b:s25+s13], $0x50, $0x38;
	[tilespmem:$0x1BB00] =	vst v63  }
0x5d: {  	_ =	swait.ge [sflag:s8], $0x50  }
0x5e: {  	[sflag:s8] =	ssyncset.done $0x0  }
0x5f: {  	[sflag:s8] =	ssyncadd.s32 $0xFFFFFFB0  }
0x60: {  	_ =	swait.ge [sflag:s9], $0x50  }
0x61: {  	[sflag:s9] =	ssyncset.done $0x0  }
0x62: {  	[sflag:s9] =	ssyncadd.s32 $0xFFFFFFB0  }
0x63: {  	[tilespmem:s26], [sflag:$0x7] =	stream.indirect.gather [hbm4b:s4+s10], $0x80, s29, s10, $0xb8;
	[tilespmem:$0x1BB00] =	vst v63  }
0x64: {  	_ =	swait.ge [sflag:s11], $0x50  }
0x65: {  	[sflag:s11] =	ssyncset.done $0x0  }
0x66: {  	[sflag:s11] =	ssyncadd.s32 $0xFFFFFFB0  }
0x67: {  	_ =	swait.ge [sflag:s12], $0x50  }
0x68: {  	[sflag:s12] =	ssyncset.done $0x0  }
0x69: {  	[sflag:s12] =	ssyncadd.s32 $0xFFFFFFB0  }
0x6a: {  	[tilespmem:s14], [sflag:$0x8] =	stream.indirect.gather [hbm4b:s4+s10], $0x80, s31, s10, $0xb8;
	[tilespmem:$0x1BB00] =	vst v63  }
0x6b: {  	[bflag:$0x0] =	sbarrier.arrive $0xFFFF  }
0x6c: {  	_ =	swait.ge [sflag:s15], $0x50  }
0x6d: {  	[sflag:s15] =	ssyncset.done $0x0  }
0x6e: {  	[sflag:s15] =	ssyncadd.s32 $0xFFFFFFB0  }
0x6f: {  	_ =	swait.ge [sflag:s16], $0x50  }
0x70: {  	[sflag:s16] =	ssyncset.done $0x0  }
0x71: {  	[sflag:s16] =	ssyncadd.s32 $0xFFFFFFB0  }
0x72: {  	[tilespmem:s17], [sflag:$0x9] =	stream.indirect.gather [hbm4b:s4+s10], $0x80, s2, s10, $0xb8;
	[tilespmem:$0x1BB00] =	vst v63  }
0x73: {  	_ =	swait.ge [sflag:s18], $0x2800  }
0x74: {  	[sflag:s18] =	ssyncset.done $0x0  }
0x75: {  	[sflag:s18] =	ssyncadd.s32 $0xFFFFD800  }
0x76: {  	[spmem:s1] =	stream.indirect.scatter.add.f32 [tilespmem:s26], [sflag:$0xA], $0x80, s30, s10, $0xb8;
	[tilespmem:$0x1BB00] =	vst v63  }
0x77: {  	_ =	swait.ge [sflag:s28], $0x2800  }
0x78: {  	s24 =	rddreg [dreg:$0x16]  }
0x79: {  	[sflag:s28] =	ssyncset.done $0x0;
	s22 =	sshrl.u32 s24, $0x3  }
0x7a: {  	[sflag:s28] =	ssyncadd.s32 $0xFFFFD800;
	s21 =	sadd.s32 s5, s22  }
0x7b: {  	[tilespmem:s29], [sflag:$0x1] =	stream.linear.gather [hbm4b:s21+s3], $0x50, $0x38;
	[tilespmem:$0x1BB00] =	vst v63  }
0x7c: {  	s22 =	sadd.s32 s6, s22  }
0x7d: {  	[tilespmem:s30], [sflag:$0x2] =	stream.linear.gather [hbm4b:s22+s3], $0x50, $0x38;
	[tilespmem:$0x1BB00] =	vst v63  }
0x7e: {  	_ =	swait.ge [sflag:s19], $0x2800  }
0x7f: {  	[sflag:s19] =	ssyncset.done $0x0  }
0x80: {  	[sflag:s19] =	ssyncadd.s32 $0xFFFFD800  }
0x81: {  	[spmem:s1] =	stream.indirect.scatter.add.f32 [tilespmem:s14], [sflag:$0xA], $0x80, s0, s10, $0xb8;
	[tilespmem:$0x1BB00] =	vst v63  }
0x82: {  	_ =	swait.ge [sflag:s28], $0x2800  }
0x83: {  	[sflag:s28] =	ssyncset.done $0x0  }
0x84: {  	s25 =	rddreg [dreg:$0x15];
	[sflag:s28] =	ssyncadd.s32 $0xFFFFD800  }
0x85: {  	[tilespmem:s31], [sflag:$0x3] =	stream.linear.gather [hbm4b:s25+s3], $0x50, $0x38;
	[tilespmem:$0x1BB00] =	vst v63  }
0x86: {  	s21 =	rddreg [dreg:$0x14]  }
0x87: {  	[tilespmem:s0], [sflag:$0x4] =	stream.linear.gather [hbm4b:s21+s3], $0x50, $0x38;
	[tilespmem:$0x1BB00] =	vst v63  }
0x88: {  	_ =	swait.ge [sflag:s8], $0x50  }
0x89: {  	[sflag:s8] =	ssyncset.done $0x0  }
0x8a: {  	[sflag:s8] =	ssyncadd.s32 $0xFFFFFFB0  }
0x8b: {  	_ =	swait.ge [sflag:s9], $0x50  }
0x8c: {  	[sflag:s9] =	ssyncset.done $0x0  }
0x8d: {  	[sflag:s9] =	ssyncadd.s32 $0xFFFFFFB0  }
0x8e: {  	[tilespmem:s26], [sflag:$0x7] =	stream.indirect.gather [hbm4b:s4+s10], $0x80, s29, s10, $0xb8;
	[tilespmem:$0x1BB00] =	vst v63  }
0x8f: {  	_ =	swait.ge [sflag:s20], $0x2800  }
0x90: {  	[sflag:s20] =	ssyncset.done $0x0  }
0x91: {  	s13 =	smin.u32 s13, $0x77;
	[sflag:s20] =	ssyncadd.s32 $0xFFFFD800  }
0x92: {  	[spmem:s1] =	stream.indirect.scatter.add.f32 [tilespmem:s17], [sflag:$0xA], $0x80, s7, s10, $0xb8;
	[tilespmem:$0x1BB00] =	vst v63  }
0x93: {  	s13 =	smul.u32 $0x50, s13;
	_ =	swait.ge [sflag:s28], $0x2800  }
0x94: {  	s23 =	rddreg [dreg:$0x3]  }
0x95: {  	s13 =	sadd.s32 s13, s23  }
0x96: {  	[sflag:s28] =	ssyncset.done $0x0;
	s13 =	sshrl.u32 s13, $0x3  }
0x97: {  	[sflag:s28] =	ssyncadd.s32 $0xFFFFD800;
	s23 =	sadd.s32 s5, s13  }
0x98: {  	[tilespmem:s2], [sflag:$0x5] =	stream.linear.gather [hbm4b:s23+s3], $0x50, $0x38;
	[tilespmem:$0x1BB00] =	vst v63  }
0x99: {  	s13 =	sadd.s32 s6, s13  }
0x9a: {  	[tilespmem:s7], [sflag:$0x6] =	stream.linear.gather [hbm4b:s13+s3], $0x50, $0x38;
	[tilespmem:$0x1BB00] =	vst v63  }
0x9b: {  	_ =	swait.ge [sflag:s11], $0x50  }
0x9c: {  	[sflag:s11] =	ssyncset.done $0x0  }
0x9d: {  	[sflag:s11] =	ssyncadd.s32 $0xFFFFFFB0  }
0x9e: {  	_ =	swait.ge [sflag:s12], $0x50  }
0x9f: {  	s22 =	simm.s32 $0x3;
	s25 =	sadd.s32 $0x1E, s25;
	[sflag:s12] =	ssyncset.done $0x0  }
0xa0: {  	s23 =	sadd.s32 $0xF0, s24;
	s24 =	sadd.s32 $0x1E, s21;
	[sflag:s12] =	ssyncadd.s32 $0xFFFFFFB0  }
.LBB2_4:
0xa1: {  	[tilespmem:s14], [sflag:$0x8] =	stream.indirect.gather [hbm4b:s4+s10], $0x80, s31, s10, $0xb8;
	[tilespmem:$0x1BB00] =	vst v63  }
0xa2: {  	_ =	swait.ge [sflag:s15], $0x50  }
0xa3: {  	[sflag:s15] =	ssyncset.done $0x0  }
0xa4: {  	[sflag:s15] =	ssyncadd.s32 $0xFFFFFFB0  }
0xa5: {  	_ =	swait.ge [sflag:s16], $0x50  }
0xa6: {  	[sflag:s16] =	ssyncset.done $0x0  }
0xa7: {  	[sflag:s16] =	ssyncadd.s32 $0xFFFFFFB0  }
0xa8: {  	[tilespmem:s17], [sflag:$0x9] =	stream.indirect.gather [hbm4b:s4+s10], $0x80, s2, s10, $0xb8;
	[tilespmem:$0x1BB00] =	vst v63  }
0xa9: {  	_ =	swait.ge [sflag:s18], $0x2800  }
0xaa: {  	[sflag:s18] =	ssyncset.done $0x0  }
0xab: {  	[sflag:s18] =	ssyncadd.s32 $0xFFFFD800  }
0xac: {  	[spmem:s1] =	stream.indirect.scatter.add.f32 [tilespmem:s26], [sflag:$0xA], $0x80, s30, s10, $0xb8;
	[tilespmem:$0x1BB00] =	vst v63  }
0xad: {  	_ =	swait.ge [sflag:s28], $0x2800  }
0xae: {  	s21 =	sshrl.u32 s23, $0x3;
	[sflag:s28] =	ssyncset.done $0x0  }
0xaf: {  	s26 =	sadd.s32 s5, s21;
	[sflag:s28] =	ssyncadd.s32 $0xFFFFD800  }
0xb0: {  	[tilespmem:s29], [sflag:$0x1] =	stream.linear.gather [hbm4b:s26+s3], $0x50, $0x38;
	[tilespmem:$0x1BB00] =	vst v63  }
0xb1: {  	s21 =	sadd.s32 s6, s21  }
0xb2: {  	[tilespmem:s30], [sflag:$0x2] =	stream.linear.gather [hbm4b:s21+s3], $0x50, $0x38;
	[tilespmem:$0x1BB00] =	vst v63  }
0xb3: {  	_ =	swait.ge [sflag:s19], $0x2800  }
0xb4: {  	[sflag:s19] =	ssyncset.done $0x0  }
0xb5: {  	[sflag:s19] =	ssyncadd.s32 $0xFFFFD800  }
0xb6: {  	[spmem:s1] =	stream.indirect.scatter.add.f32 [tilespmem:s14], [sflag:$0xA], $0x80, s0, s10, $0xb8;
	[tilespmem:$0x1BB00] =	vst v63  }
0xb7: {  	_ =	swait.ge [sflag:s28], $0x2800  }
0xb8: {  	[sflag:s28] =	ssyncset.done $0x0  }
0xb9: {  	[sflag:s28] =	ssyncadd.s32 $0xFFFFD800  }
0xba: {  	[tilespmem:s31], [sflag:$0x3] =	stream.linear.gather [hbm4b:s25+s3], $0x50, $0x38;
	[tilespmem:$0x1BB00] =	vst v63  }
0xbb: {  	_ = 	snop  }
0xbc: {  	[tilespmem:s0], [sflag:$0x4] =	stream.linear.gather [hbm4b:s24+s3], $0x50, $0x38;
	[tilespmem:$0x1BB00] =	vst v63  }
0xbd: {  	_ =	swait.ge [sflag:s8], $0x50  }
0xbe: {  	[sflag:s8] =	ssyncset.done $0x0  }
0xbf: {  	[sflag:s8] =	ssyncadd.s32 $0xFFFFFFB0  }
0xc0: {  	_ =	swait.ge [sflag:s9], $0x50  }
0xc1: {  	[sflag:s9] =	ssyncset.done $0x0  }
0xc2: {  	s26 =	simm.s32 $0x14300;
	[sflag:s9] =	ssyncadd.s32 $0xFFFFFFB0  }
0xc3: {  	[tilespmem:s26], [sflag:$0x7] =	stream.indirect.gather [hbm4b:s4+s10], $0x80, s29, s10, $0xb8;
	[tilespmem:$0x1BB00] =	vst v63  }
0xc4: {  	_ =	swait.ge [sflag:s20], $0x2800  }
0xc5: {  	s13 =	smov.u32 s22;
	[sflag:s20] =	ssyncset.done $0x0  }
0xc6: {  	s13 =	smin.u32 s13, $0x77;
	[sflag:s20] =	ssyncadd.s32 $0xFFFFD800  }
0xc7: {  	[spmem:s1] =	stream.indirect.scatter.add.f32 [tilespmem:s17], [sflag:$0xA], $0x80, s7, s10, $0xb8;
	[tilespmem:$0x1BB00] =	vst v63  }
0xc8: {  	s13 =	smul.u32 $0x50, s13;
	_ =	swait.ge [sflag:s28], $0x2800  }
0xc9: {  	s21 =	rddreg [dreg:$0x3]  }
0xca: {  	s13 =	sadd.s32 s13, s21  }
0xcb: {  	[sflag:s28] =	ssyncset.done $0x0;
	s13 =	sshrl.u32 s13, $0x3  }
0xcc: {  	[sflag:s28] =	ssyncadd.s32 $0xFFFFD800;
	s21 =	sadd.s32 s5, s13  }
0xcd: {  	[tilespmem:s2], [sflag:$0x5] =	stream.linear.gather [hbm4b:s21+s3], $0x50, $0x38;
	[tilespmem:$0x1BB00] =	vst v63  }
0xce: {  	s13 =	sadd.s32 s6, s13  }
0xcf: {  	[tilespmem:s7], [sflag:$0x6] =	stream.linear.gather [hbm4b:s13+s3], $0x50, $0x38;
	[tilespmem:$0x1BB00] =	vst v63  }
0xd0: {  	p0 =	sne.s32 s22, $0x78;
	_ =	swait.ge [sflag:s11], $0x50  }
.Ltmp1:
0xd1: {  	[sflag:s11] =	ssyncset.done $0x0;
	(pc) =	sbr.rel @p0 .LBB2_4-.Ltmp1, $4  }
0xd2: {  	[sflag:s11] =	ssyncadd.s32 $0xFFFFFFB0  }
0xd3: {  	_ =	swait.ge [sflag:s12], $0x50  }
0xd4: {  	s22 =	sadd.s32 $0x3, s22;
	s23 =	sadd.s32 $0xF0, s23;
	[sflag:s12] =	ssyncset.done $0x0  }
0xd5: {  	s25 =	sadd.s32 $0x1E, s25;
	s24 =	sadd.s32 $0x1E, s24;
	[sflag:s12] =	ssyncadd.s32 $0xFFFFFFB0  }
0xd6: {  	[tilespmem:s14], [sflag:$0x8] =	stream.indirect.gather [hbm4b:s4+s10], $0x80, s31, s10, $0xb8;
	[tilespmem:$0x1BB00] =	vst v63  }
0xd7: {  	_ =	swait.ge [sflag:s18], $0x2800  }
0xd8: {  	[sflag:s18] =	ssyncset.done $0x0  }
0xd9: {  	[sflag:s18] =	ssyncadd.s32 $0xFFFFD800  }
0xda: {  	[spmem:s1] =	stream.indirect.scatter.add.f32 [tilespmem:s26], [sflag:$0xA], $0x80, s30, s10, $0xb8;
	[tilespmem:$0x1BB00] =	vst v63  }
0xdb: {  	_ =	swait.ge [sflag:s28], $0x2800  }
0xdc: {  	[sflag:s28] =	ssyncset.done $0x0  }
0xdd: {  	[sflag:s28] =	ssyncadd.s32 $0xFFFFD800  }
0xde: {  	_ =	swait.ge [sflag:s19], $0x2800  }
0xdf: {  	[sflag:s19] =	ssyncset.done $0x0  }
0xe0: {  	[sflag:s19] =	ssyncadd.s32 $0xFFFFD800  }
0xe1: {  	[spmem:s1] =	stream.indirect.scatter.add.f32 [tilespmem:s14], [sflag:$0xA], $0x80, s0, s10, $0xb8;
	[tilespmem:$0x1BB00] =	vst v63  }
0xe2: {  	_ =	swait.ge [sflag:s28], $0x2800  }
0xe3: {  	[sflag:s28] =	ssyncset.done $0x0  }
0xe4: {  	[sflag:s28] =	ssyncadd.s32 $0xFFFFD800  }
0xe5: {  	_ =	swait.ge [sflag:s15], $0x50  }
0xe6: {  	[sflag:s15] =	ssyncset.done $0x0  }
0xe7: {  	[sflag:s15] =	ssyncadd.s32 $0xFFFFFFB0  }
0xe8: {  	_ =	swait.ge [sflag:s16], $0x50  }
0xe9: {  	[sflag:s16] =	ssyncset.done $0x0  }
0xea: {  	[sflag:s16] =	ssyncadd.s32 $0xFFFFFFB0  }
0xeb: {  	s13 =	stileid.u32;
	[bflag:$0x0] =	sbarrier.arrive $0xFFFF  }
0xec: {  	s13 =	sshll.u32 s13, $0x6;
	s23 =	rddreg [dreg:$0xa]  }
0xed: {  	s13 =	sor.u32 $0x1C0A, s13;
	s22 =	rddreg [dreg:$0xb];
	s21 =	sshrl.u32 s23, $0x3  }
0xee: {  	[hbm:s22], [sflag:s13] =	dma.local [spmem:s21], $0x2800  }
0xef: {  	_ =	swait.ge [sflag:s28], $0x2800  }
0xf0: {  	s24 =	rddreg [dreg:$0x17]  }
0xf1: {  	s25 =	rddreg [dreg:$0xc];
	s21 =	sadd.s32 $0x1, s24  }
0xf2: {  	p0 =	sne.s32 s21, s25  }
.Ltmp2:
0xf3: {  	_ = 	snop;
	(pc) =	sbr.rel @p0 .LBB2_1-.Ltmp2, $3  }
0xf4: {  	_ =	sdelay $0x1  }
0xf5: {  	[sflag:s28] =	ssyncset.done $0x0  }
0xf6: {  	[sflag:s28] =	ssyncadd.s32 $0xFFFFD800  }
0xf7: {  	_ =	sfence.sel $0x180000  }
0xf8: {  	[bflag:$0x0] =	sbarrier.arrive $0xFFFF  }
0xf9: {  	_ =	strace $0x9000004A  }
0xfa: {  	s0 =	stileid.u32;
	[bflag:$0x2] =	sbarrier.arrive $0xFFFF  }
0xfb: {  	p0 =	sne.s32 s0, $0x0;
	s0 =	rddreg [dreg:$0x2]  }
0xfc: {  	s0 =	sadd.s32 @!p0 $0x100000, s0  }
0xfd: {  	[sflag:s0] =	ssyncadd.tile.s32 @!p0 $0x1;
	_ =	shalt  }
.Lfunc_end2:
_tile_overlayer_lowered:
.L_overlay_start_2:
0xfe: {  	(tag) =	ssettag $0x2  }
0xff: {  	s0 =	rddreg [dreg:$0x0];
	s2 =	stileid.u32  }
0x100: {  	s1 =	rddreg [dreg:$0x1];
	p0 =	sne.s32 s2, $0x0  }
0x101: {  	s3 =	rddreg [dreg:$0x2];
	[bflag:$0x3] =	sbarrier.arrive $0xFFFF;
	s2 =	simm.s32 @!p0 $0x1C0A  }
0x102: {  	[timem:s3], [sflag:s2] =	dma.local @!p0 [hbm:s0], s1  }
0x103: {  	s0 =	simm.s32 @!p0 $0xA  }
0x104: {  	_ =	swait.ge @!p0 [sflag:s0], s1  }
0x105: {  	s1 =	ssub.s32 @!p0 $0x0, s1;
	[sflag:s0] =	ssyncset.done @!p0 $0x0  }
0x106: {  	[sflag:s0] =	ssyncadd.s32 @!p0 s1  }
0x107: {  	[bflag:$0x3] =	sbarrier.arrive $0xFFFF  }
0x108: {  	_ =	shalt  }

// kernel: kernel.16.cloned.1.call-start
scs
__scs_entry_jumppad:
0x0: {  	(pc) =	sbr.rel $0x88, $3  }
0x1: {  	(tag) =	ssettag $0x0;
	lr =	simm.s32 $0x1  }
0x2: {  	[smem:$0x3F98] =	sst lr;
	_ =	strace $0xD0000000  }
0x3: {  	_ = 	snop  }
0x4: {  	_ = 	snop  }
0x5: {  	_ = 	snop  }
0x6: {  	_ = 	snop  }
0x7: {  	_ = 	snop  }
__scs_overlays_trampoline_lowered:
0x8: {  	[smem:$0x3FA7] =	sst s0  }
0x9: {  	[smem:$0x3FA8] =	sst s1  }
0xa: {  	[smem:$0x3FA9] =	sst s2  }
0xb: {  	[smem:$0x3FAA] =	sst s3  }
0xc: {  	[smem:$0x3FAB] =	sst s4  }
0xd: {  	[smem:$0x3FAC] =	sst s5  }
0xe: {  	[smem:$0x3FAD] =	sst s6  }
0xf: {  	[smem:$0x3FAE] =	sst s7  }
0x10: {  	[smem:$0x3FAF] =	sst s8  }
0x11: {  	[smem:$0x3FB0] =	sst s9;
	s0 =	simm.s32 @!p0 $0x0  }
0x12: {  	s1 =	sld [smem:$0x3F96];
	s0 =	simm.s32 @p0 $0x1  }
0x13: {  	[smem:$0x3FB1] =	sst s0;
	s0 =	simm.s32 @!p1 $0x0  }
0x14: {  	s2 =	sld [smem:$0x3F95];
	s0 =	simm.s32 @p1 $0x1  }
0x15: {  	[smem:$0x3FB2] =	sst s0;
	s0 =	simm.s32 @!p2 $0x0  }
0x16: {  	s3 =	sld [smem:$0x3FDB];
	s0 =	simm.s32 @p2 $0x1  }
0x17: {  	s4 =	simm.s32 $0x1BF5;
	[smem:$0x3FB4] =	sst s0  }
0x18: {  	s0 =	sld [smem:$0x3F97];
	_ =	swait.ge [sflag:s4], $0x0  }
0x19: {  	s7 =	sld [smem:$0x3F98]  }
0x1a: {  	s8 =	sadd.s32 $0xFFFFE003, lr  }
0x1b: {  	s9 =	sadd.s32 $0xFFFFFEF7, lr;
	s5 =	simm.s32 $0xFFFFFFFF;
	p2 =	slt.u32 s8, $0xFFFFF086  }
0x1c: {  	p1 =	slt.u32 s9, $0xF7A;
	s5 =	simm.s32 @!p2 $0x0  }
0x1d: {  	s5 =	simm.s32 @p1 $0x1;
	p0 =	seq.s32 s7, s2  }
0x1e: {  	s7 =	smul.u32 @!p0 $0xF7A, s2;
	p2 =	seq.s32 @!p0 s5, $0x0  }
0x1f: {  	s9 =	smul.u32 $0xF7A, s1;
	s8 =	simm.s32 @!p0 $0x1BF5;
	p2 =	por !p2, p0  }
0x20: {  	[sflag:s8] =	ssyncset.s32 @!p0 $0xFFFFF086;
	s6 =	sadd.s32 @!p0 s3, s7;
	s7 =	simm.s32 @!p0 $0x108  }
0x21: {  	s3 =	sadd.s32 s3, s9;
	s6 =	sadd.s32 @!p0 $0x88, s6;
	s7 =	simm.s32 @p2 $0x1082  }
0x22: {  	[simem:s7], [sflag:s8] =	dma.local @!p0 [hbm:s6], $0xF7A  }
0x23: {  	s9 =	sor.u32 $0xD0000000, s2;
	s6 =	simm.s32 $0x108;
	_ =	swait.ge @!p0 [sflag:s8], $0x0  }
0x24: {  	s3 =	sadd.s32 $0x88, s3;
	s6 =	simm.s32 @!p1 $0x1082;
	[sflag:s4] =	ssyncset.s32 $0xFFFFF086  }
0x25: {  	[simem:s6], [sflag:s4] =	dma.local [hbm:s3], $0xF7A  }
0x26: {  	[smem:$0x3F98] =	sst s1;
	(tag) =	ssettag s2;
	_ =	strace s9  }
0x27: {  	s1 =	sld [smem:$0x3FA8]  }
0x28: {  	s2 =	sld [smem:$0x3FA9]  }
0x29: {  	s4 =	sld [smem:$0x3FAB]  }
0x2a: {  	p0 =	seq.s32 s5, $0x0;
	s5 =	sld [smem:$0x3FAC]  }
0x2b: {  	s6 =	sld [smem:$0x3FAD]  }
0x2c: {  	s7 =	sld [smem:$0x3FAE]  }
0x2d: {  	s3 =	simm.s32 $0x108;
	s8 =	sld [smem:$0x3FAF]  }
0x2e: {  	s3 =	simm.s32 @!p0 $0x1082;
	s9 =	sld [smem:$0x3FB0]  }
0x2f: {  	lr =	sadd.s32 s0, s3;
	s0 =	sld [smem:$0x3FA7]  }
0x30: {  	s3 =	sld [smem:$0x3FAA]  }
0x31: {  	[smem:$0x3FB3] =	sst s10  }
0x32: {  	s10 =	sld [smem:$0x3FB1];
	_ =	sdelay $0x3  }
0x33: {  	p0 =	seq.s32 s10, $0x1;
	s10 =	sld [smem:$0x3FB3];
	_ =	sdelay $0x3  }
0x34: {  	[smem:$0x3FB3] =	sst s10  }
0x35: {  	s10 =	sld [smem:$0x3FB2];
	_ =	sdelay $0x3  }
0x36: {  	p1 =	seq.s32 s10, $0x1;
	s10 =	sld [smem:$0x3FB3];
	_ =	sdelay $0x3  }
0x37: {  	[smem:$0x3FB3] =	sst s10  }
0x38: {  	s10 =	sld [smem:$0x3FB4]  }
0x39: {  	_ = 	snop;
	(pc) =	sbr.ind lr, $3  }
0x3a: {  	_ = 	snop  }
0x3b: {  	_ = 	snop  }
0x3c: {  	p2 =	seq.s32 s10, $0x1;
	s10 =	sld [smem:$0x3FB3]  }
0x3d: {  	_ =	shalt  }
0x3e: {  	_ =	shalt  }
0x3f: {  	_ =	shalt  }
0x40: {  	_ =	shalt  }
0x41: {  	_ =	shalt  }
0x42: {  	_ =	shalt  }
0x43: {  	_ =	shalt  }
0x44: {  	_ =	shalt  }
0x45: {  	_ =	shalt  }
0x46: {  	_ =	shalt  }
0x47: {  	_ =	shalt  }
0x48: {  	_ =	shalt  }
0x49: {  	_ =	shalt  }
0x4a: {  	_ =	shalt  }
0x4b: {  	_ =	shalt  }
0x4c: {  	_ =	shalt  }
0x4d: {  	_ =	shalt  }
0x4e: {  	_ =	shalt  }
0x4f: {  	_ =	shalt  }
0x50: {  	_ =	shalt  }
0x51: {  	_ =	shalt  }
0x52: {  	_ =	shalt  }
0x53: {  	_ =	shalt  }
0x54: {  	_ =	shalt  }
0x55: {  	_ =	shalt  }
0x56: {  	_ =	shalt  }
0x57: {  	_ =	shalt  }
0x58: {  	_ =	shalt  }
0x59: {  	_ =	shalt  }
0x5a: {  	_ =	shalt  }
0x5b: {  	_ =	shalt  }
0x5c: {  	_ =	shalt  }
0x5d: {  	_ =	shalt  }
0x5e: {  	_ =	shalt  }
0x5f: {  	_ =	shalt  }
0x60: {  	_ =	shalt  }
0x61: {  	_ =	shalt  }
0x62: {  	_ =	shalt  }
0x63: {  	_ =	shalt  }
0x64: {  	_ =	shalt  }
0x65: {  	_ =	shalt  }
0x66: {  	_ =	shalt  }
0x67: {  	_ =	shalt  }
0x68: {  	_ =	shalt  }
0x69: {  	_ =	shalt  }
0x6a: {  	_ =	shalt  }
0x6b: {  	_ =	shalt  }
0x6c: {  	_ =	shalt  }
0x6d: {  	_ =	shalt  }
0x6e: {  	_ =	shalt  }
0x6f: {  	_ =	shalt  }
0x70: {  	_ =	shalt  }
0x71: {  	_ =	shalt  }
0x72: {  	_ =	shalt  }
0x73: {  	_ =	shalt  }
0x74: {  	_ =	shalt  }
0x75: {  	_ =	shalt  }
0x76: {  	_ =	shalt  }
0x77: {  	_ =	shalt  }
0x78: {  	_ =	shalt  }
0x79: {  	_ =	shalt  }
0x7a: {  	_ =	shalt  }
0x7b: {  	_ =	shalt  }
0x7c: {  	_ =	shalt  }
0x7d: {  	_ =	shalt  }
0x7e: {  	_ =	shalt  }
0x7f: {  	_ =	shalt  }
0x80: {  	_ =	shalt  }
0x81: {  	_ =	shalt  }
0x82: {  	_ =	shalt  }
0x83: {  	_ =	shalt  }
0x84: {  	_ =	shalt  }
0x85: {  	_ =	shalt  }
0x86: {  	_ =	shalt  }
0x87: {  	_ =	shalt  }
.Lfunc_end0:
.L_simem_size_0:
called_computation.2_lowered:
.L_overlay_start_0:
0x88: {  	s2 =	sld [smem:$0x3FD9]  }
0x89: {  	s3 =	sld [smem:$0x3FFE];
	_ =	sdelay $0x1  }
0x8a: {  	s1 =	srdreg.scid  }
0x8b: {  	s0 =	sand.u32 $0x1, s1  }
0x8c: {  	s16 =	sshll.u32 s0, $0xA;
	s2 =	sadd.s32 s3, s2  }
0x8d: {  	s2 =	sadd.s32 s2, s16  }
0x8e: {  	[smem:$0x3FBF] =	sst s2  }
0x8f: {  	_ = 	snop  }
0x90: {  	(tm) =	ssettm $0x1  }
0x91: {  	s17 =	sld [smem:$0x3FFB];
	_ =	sdelay $0x3  }
0x92: {  	_ =	strace s17  }
0x93: {  	s2 =	sld [smem:$0x3FFC];
	_ =	sdelay $0x3  }
0x94: {  	_ =	strace s2  }
0x95: {  	s2 =	sld [smem:$0x3FFD];
	_ =	sdelay $0x3  }
0x96: {  	_ =	strace s2  }
0x97: {  	_ =	strace $0x8FFFFFFF  }
0x98: {  	s18 =	sld [smem:$0x3FDB];
	_ =	sdelay $0x1  }
0x99: {  	s19 =	simm.s32 $_scs_section_size  }
0x9a: {  	s4 =	simm.s32 $_size__tile_overlayer_lowered;
	s5 =	simm.s32 $_tile_overlayer_lowered  }
0x9b: {  	s22 =	simm.s32 $0x1BFF;
	s21 =	sshll.u32 s5, $0x1;
	s2 =	sadd.s32 s19, s18  }
0x9c: {  	s6 =	simm.s32 $0x0;
	s20 =	sshll.u32 s4, $0x1;
	s4 =	sadd.s32 s21, s2  }
0x9d: {  	[timem:s6], [sflag:s22] =	dma.local [hbm:s4], s20  }
0x9e: {  	_ =	swait.ge [sflag:s22], s20  }
0x9f: {  	s3 =	ssub.s32 $0x0, s20;
	[sflag:s22] =	ssyncset.done $0x0  }
0xa0: {  	[sflag:s22] =	ssyncadd.s32 s3;
	_ =	sdelay $0x1  }
0xa1: {  	s23 =	simm.s32 $0x1B8B  }
0xa2: {  	_ =	swait.ge [sflag:s23], $0x1  }
0xa3: {  	[sflag:s23] =	ssyncset.done $0x0  }
0xa4: {  	s25 =	simm.s32 $0x1B8E;
	s24 =	sld [smem:$0x3FFE];
	[sflag:s23] =	ssyncadd.s32 $0xFFFFFFFF  }
0xa5: {  	s26 =	simm.s32 $execute0_lowered;
	[smem:$0x3FD2] =	sst s25  }
0xa6: {  	s4 =	sshll.u32 s26, $0x1;
	_ =	strace $0x8000004C;
	[dreg:$0x1] =	wrdreg $0xFFFFFFFF  }
0xa7: {  	s28 =	simm.s32 $_size_execute0_lowered;
	s2 =	sadd.s32 s2, s4;
	[dreg:$0x0] =	wrdreg $0x0  }
0xa8: {  	s4 =	sshll.u32 s28, $0x1;
	[dreg:$0x2] =	wrdreg s2  }
0xa9: {  	[dreg:$0x3] =	wrdreg s4  }
0xaa: {  	[dreg:$0x4] =	wrdreg $0xC0  }
0xab: {  	_ =	task [dreg:s6], $0x5FFFF  }
0xac: {  	[dreg:$0x1] =	wrdreg $0xFFFFFFFF  }
0xad: {  	[dreg:$0x0] =	wrdreg $0x60  }
0xae: {  	[dreg:$0x2] =	wrdreg s24  }
0xaf: {  	[dreg:$0x3] =	wrdreg $0x0  }
0xb0: {  	[dreg:$0x4] =	wrdreg $0x9  }
0xb1: {  	_ =	task.clear_ibuf [dreg:s6], $0x5FFFF;
	_ =	strace $0x9000004C  }
0xb2: {  	s29 =	simm.s32 $0x9;
	_ =	strace $0x8000004E  }
0xb3: {  	_ =	swait.ge [sflag:s29], $0x1  }
0xb4: {  	[sflag:s29] =	ssyncadd.s32 $0xFFFFFFFF  }
0xb5: {  	_ =	strace $0x9000004E  }
0xb6: {  	_ =	sfence  }
0xb7: {  	s30 =	sld [smem:$0x0];
	_ =	sdelay $0x2  }
0xb8: {  	s31 =	sshll.u32 s1, $0xD;
	s1 =	sshrl.u32 s1, $0x2  }
0xb9: {  	s3 =	sand.u32 $0x4000, s31;
	s1 =	sadd.s32 s1, s30  }
0xba: {  	s0 =	sor.u32 s3, s0;
	s1 =	sshll.u32 s1, $0x11  }
0xbb: {  	s0 =	sor.u32 s1, s0  }
0xbc: {  	s0 =	sadd.s32 $0x8F2B, s0  }
0xbd: {  	[sflag:s0] =	ssyncadd.remote.s32 $0x1  }
0xbe: {  	_ =	sfence.sel $0xFFFF  }
0xbf: {  	[dreg:$0x0] =	wrdreg $0xFFFFFFFF;
	(pc) =	sbr.abs _section_cstart, $3  }
0xc0: {  	[dreg:$0x1] =	wrdreg $0xFFFFFFFF  }
0xc1: {  	_ =	task.clear_ibuf [dreg:s6], $0x2FFFF;
	_ =	strace $0x9FFFFFFF  }
0xc2: {  	(tm) =	ssettm $0x7FFFFFFF  }
0xc3: {  	_ =	shalt  }
tec
execute0_lowered:
.L_overlay_start_1:
0x0: {  	(tag) =	ssettag $0x1  }
0x1: {  	s0 =	rddreg [dreg:$0x0]  }
0x2: {  	s1 =	rddreg [dreg:$0x1];
	s3 =	simm.s32 $0x0  }
0x3: {  	s2 =	srdreg.scid;
	s12 =	stileid.u32;
	s28 =	simm.s32 $0xA  }
0x4: {  	s29 =	simm.s32 $0x14000;
	s30 =	simm.s32 $0x14080;
	s7 =	smul.u32 $0x14000, s12  }
0x5: {  	s31 =	simm.s32 $0x14100;
	[smem:$0x7FF] =	sst s3;
	s25 =	smul.u32 $0x50000, s12  }
0x6: {  	s2 =	sand.u32 $0x1, s2;
	s4 =	sadd.s32 $0x18600, s0;
	s14 =	smul.u32 $0x2710, s12  }
0x7: {  	s5 =	sadd.s32 $0xE800, s0;
	s6 =	smul.u32 $0x140000, s2;
	_ =	strace $0x8000004D  }
0x8: {  	s8 =	sshll.u32 s2, $0x4;
	s9 =	ssub.s32 $0x2, s2;
	s2 =	smul.u32 $0x27100, s2  }
0x9: {  	s8 =	sor.u32 s12, s8;
	s10 =	sshrl.u32 s9, $0x1;
	s13 =	sshrl.u32 s25, $0x2  }
0xa: {  	s12 =	simm.s32 $0x4;
	s8 =	smul.u32 $0x2710, s8;
	s20 =	ssub.s32 s9, s10  }
0xb: {  	s7 =	sadd.s32 s7, s6;
	s6 =	sadd.s32 $0x4A00, s0;
	s15 =	smax.u32 s20, $0x1  }
0xc: {  	s21 =	sshrl.u32 s8, $0x3;
	s8 =	sadd.s32 $0x190, s8;
	[dreg:$0xc] =	wrdreg s15  }
0xd: {  	s7 =	sshrl.u32 s7, $0x3;
	s22 =	sadd.s32 s5, s21;
	[dreg:$0x3] =	wrdreg s8  }
0xe: {  	s0 =	sadd.s32 s7, s0;
	s23 =	sadd.s32 s6, s21;
	[dreg:$0x4] =	wrdreg s22  }
0xf: {  	s24 =	sadd.s32 $0xA, s21;
	s0 =	sadd.s32 $0x68600, s0;
	[dreg:$0x5] =	wrdreg s23  }
0x10: {  	s19 =	sadd.s32 s14, s2;
	s11 =	sadd.s32 s5, s24;
	[dreg:$0xb] =	wrdreg s0  }
0x11: {  	s9 =	sadd.s32 $0x14, s21;
	s10 =	sadd.s32 s6, s24;
	[dreg:$0x6] =	wrdreg s11  }
0x12: {  	s14 =	simm.s32 $0x16B00;
	s26 =	sadd.s32 s5, s9;
	[dreg:$0x7] =	wrdreg s10  }
0x13: {  	s7 =	simm.s32 $0x14280;
	s9 =	sadd.s32 s6, s9;
	[dreg:$0x8] =	wrdreg s26  }
0x14: {  	s15 =	simm.s32 $0x5;
	s0 =	sadd.s32 $0xF0, s19;
	[dreg:$0x9] =	wrdreg s9  }
0x15: {  	s8 =	simm.s32 $0x1;
	s23 =	sadd.s32 s13, s1;
	[dreg:$0x16] =	wrdreg s0  }
0x16: {  	s22 =	sadd.s32 $0x140, s19;
	s16 =	sadd.s32 $0x2800, s23;
	[dreg:$0xa] =	wrdreg s23  }
0x17: {  	s19 =	simm.s32 $0x8;
	s17 =	sadd.s32 $0x5000, s23;
	[dreg:$0xd] =	wrdreg s16  }
0x18: {  	s18 =	sadd.s32 $0x7800, s23;
	s20 =	sadd.s32 $0xA000, s23;
	[dreg:$0xe] =	wrdreg s17  }
0x19: {  	s21 =	sadd.s32 $0xC800, s23;
	s24 =	sadd.s32 $0xF000, s23;
	[dreg:$0xf] =	wrdreg s18  }
0x1a: {  	s25 =	sadd.s32 $0x11800, s23;
	s2 =	sshrl.u32 s22, $0x3;
	[dreg:$0x10] =	wrdreg s20  }
0x1b: {  	s0 =	simm.s32 $0x14180;
	s9 =	simm.s32 $0x2;
	[dreg:$0x11] =	wrdreg s21  }
0x1c: {  	s10 =	simm.s32 $0x50;
	s11 =	simm.s32 $0x3;
	[dreg:$0x12] =	wrdreg s24  }
0x1d: {  	[dreg:$0x13] =	wrdreg s25;
	s26 =	sadd.s32 s2, s6;
	s2 =	sadd.s32 s2, s5  }
0x1e: {  	s16 =	simm.s32 $0x6;
	s17 =	simm.s32 $0x19300;
	s18 =	simm.s32 $0x7  }
0x1f: {  	s20 =	simm.s32 $0x9;
	s21 =	simm.s32 $0x0;
	[dreg:$0x14] =	wrdreg s26  }
0x20: {  	v0 =	vimm.f32 $0.0e+00;
	[dreg:$0x15] =	wrdreg s2;
	s26 =	simm.s32 $0x14300;
	s2 =	simm.s32 $0x14200  }
.LBB2_1:
0x21: {  	[dreg:$0x17] =	wrdreg s21;
	s13 =	simm.s32 $0x70;
	s22 =	simm.s32 $0x3C0  }
.LBB2_2:
0x22: {  	p0 =	sne.s32 s22, $0x9FC0;
	[tilespmem:s13+$0x14300] =	vst v0  }
0x23: {  	[tilespmem:s13+$0x14290] =	vst v0  }
0x24: {  	[tilespmem:s13+$0x142A0] =	vst v0  }
.Ltmp0:
0x25: {  	[tilespmem:s13+$0x142B0] =	vst v0;
	(pc) =	sbr.rel @p0 .LBB2_2-.Ltmp0, $4  }
0x26: {  	[tilespmem:s13+$0x142C0] =	vst v0  }
0x27: {  	[tilespmem:s13+$0x142D0] =	vst v0  }
0x28: {  	[tilespmem:s13+$0x142E0] =	vst v0  }
0x29: {  	[tilespmem:s13+$0x142F0] =	vst v0;
	s13 =	sshra.s32 s22, $0x2;
	s22 =	sadd.s32 $0x200, s22  }
0x2a: {  	[tilespmem:s13+$0x14300] =	vst v0  }
0x2b: {  	[tilespmem:s13+$0x14290] =	vst v0  }
0x2c: {  	[tilespmem:s13+$0x142A0] =	vst v0  }
0x2d: {  	[tilespmem:s13+$0x142B0] =	vst v0  }
0x2e: {  	[tilespmem:s13+$0x142C0] =	vst v0  }
0x2f: {  	[tilespmem:s13+$0x142D0] =	vst v0  }
0x30: {  	[tilespmem:s13+$0x142E0] =	vst v0  }
0x31: {  	[tilespmem:s13+$0x142F0] =	vst v0  }
0x32: {  	[spmem:s23] =	stream.linear.scatter [tilespmem:s26], [sflag:$0xA], $0x2800, $0x38;
	[tilespmem:$0x1BB00] =	vst v63  }
0x33: {  	_ =	swait.ge [sflag:s28], $0x2800  }
0x34: {  	[sflag:s28] =	ssyncset.done $0x0  }
0x35: {  	s23 =	rddreg [dreg:$0xd];
	[sflag:s28] =	ssyncadd.s32 $0xFFFFD800  }
0x36: {  	[spmem:s23] =	stream.linear.scatter [tilespmem:s26], [sflag:$0xA], $0x2800, $0x38;
	[tilespmem:$0x1BB00] =	vst v63  }
0x37: {  	_ =	swait.ge [sflag:s28], $0x2800  }
0x38: {  	[sflag:s28] =	ssyncset.done $0x0  }
0x39: {  	s24 =	rddreg [dreg:$0xe];
	[sflag:s28] =	ssyncadd.s32 $0xFFFFD800  }
0x3a: {  	[spmem:s24] =	stream.linear.scatter [tilespmem:s26], [sflag:$0xA], $0x2800, $0x38;
	[tilespmem:$0x1BB00] =	vst v63  }
0x3b: {  	_ =	swait.ge [sflag:s28], $0x2800  }
0x3c: {  	[sflag:s28] =	ssyncset.done $0x0  }
0x3d: {  	s25 =	rddreg [dreg:$0xf];
	[sflag:s28] =	ssyncadd.s32 $0xFFFFD800  }
0x3e: {  	[spmem:s25] =	stream.linear.scatter [tilespmem:s26], [sflag:$0xA], $0x2800, $0x38;
	[tilespmem:$0x1BB00] =	vst v63  }
0x3f: {  	_ =	swait.ge [sflag:s28], $0x2800  }
0x40: {  	[sflag:s28] =	ssyncset.done $0x0  }
0x41: {  	s21 =	rddreg [dreg:$0x10];
	[sflag:s28] =	ssyncadd.s32 $0xFFFFD800  }
0x42: {  	[spmem:s21] =	stream.linear.scatter [tilespmem:s26], [sflag:$0xA], $0x2800, $0x38;
	[tilespmem:$0x1BB00] =	vst v63  }
0x43: {  	_ =	swait.ge [sflag:s28], $0x2800  }
0x44: {  	[sflag:s28] =	ssyncset.done $0x0  }
0x45: {  	s22 =	rddreg [dreg:$0x11];
	[sflag:s28] =	ssyncadd.s32 $0xFFFFD800  }
0x46: {  	[spmem:s22] =	stream.linear.scatter [tilespmem:s26], [sflag:$0xA], $0x2800, $0x38;
	[tilespmem:$0x1BB00] =	vst v63  }
0x47: {  	_ =	swait.ge [sflag:s28], $0x2800  }
0x48: {  	[sflag:s28] =	ssyncset.done $0x0  }
0x49: {  	s23 =	rddreg [dreg:$0x12];
	[sflag:s28] =	ssyncadd.s32 $0xFFFFD800  }
0x4a: {  	[spmem:s23] =	stream.linear.scatter [tilespmem:s26], [sflag:$0xA], $0x2800, $0x38;
	[tilespmem:$0x1BB00] =	vst v63  }
0x4b: {  	_ =	swait.ge [sflag:s28], $0x2800  }
0x4c: {  	[sflag:s28] =	ssyncset.done $0x0  }
0x4d: {  	s24 =	rddreg [dreg:$0x13];
	[sflag:s28] =	ssyncadd.s32 $0xFFFFD800  }
0x4e: {  	[spmem:s24] =	stream.linear.scatter [tilespmem:s26], [sflag:$0xA], $0x2800, $0x38;
	[tilespmem:$0x1BB00] =	vst v63  }
0x4f: {  	_ =	swait.ge [sflag:s28], $0x2800  }
0x50: {  	[sflag:s28] =	ssyncset.done $0x0  }
0x51: {  	s13 =	simm.s32 $0x0;
	s21 =	rddreg [dreg:$0x4];
	[sflag:s28] =	ssyncadd.s32 $0xFFFFD800  }
0x52: {  	[tilespmem:s29], [sflag:$0x1] =	stream.linear.gather [hbm4b:s21+s13], $0x50, $0x38;
	[tilespmem:$0x1BB00] =	vst v63  }
0x53: {  	s25 =	rddreg [dreg:$0x5]  }
0x54: {  	[tilespmem:s30], [sflag:$0x2] =	stream.linear.gather [hbm4b:s25+s13], $0x50, $0x38;
	[tilespmem:$0x1BB00] =	vst v63  }
0x55: {  	s22 =	rddreg [dreg:$0x6]  }
0x56: {  	[tilespmem:s31], [sflag:$0x3] =	stream.linear.gather [hbm4b:s22+s13], $0x50, $0x38;
	[tilespmem:$0x1BB00] =	vst v63  }
0x57: {  	s23 =	rddreg [dreg:$0x7]  }
0x58: {  	[tilespmem:s0], [sflag:$0x4] =	stream.linear.gather [hbm4b:s23+s13], $0x50, $0x38;
	[tilespmem:$0x1BB00] =	vst v63  }
0x59: {  	s24 =	rddreg [dreg:$0x8]  }
0x5a: {  	[tilespmem:s2], [sflag:$0x5] =	stream.linear.gather [hbm4b:s24+s13], $0x50, $0x38;
	[tilespmem:$0x1BB00] =	vst v63  }
0x5b: {  	s25 =	rddreg [dreg:$0x9]  }
0x5c: {  	[tilespmem:s7], [sflag:$0x6] =	stream.linear.gather [hbm4b:s25+s13], $0x50, $0x38;
	[tilespmem:$0x1BB00] =	vst v63  }
0x5d: {  	_ =	swait.ge [sflag:s8], $0x50  }
0x5e: {  	[sflag:s8] =	ssyncset.done $0x0  }
0x5f: {  	[sflag:s8] =	ssyncadd.s32 $0xFFFFFFB0  }
0x60: {  	_ =	swait.ge [sflag:s9], $0x50  }
0x61: {  	[sflag:s9] =	ssyncset.done $0x0  }
0x62: {  	[sflag:s9] =	ssyncadd.s32 $0xFFFFFFB0  }
0x63: {  	[tilespmem:s26], [sflag:$0x7] =	stream.indirect.gather [hbm4b:s4+s10], $0x80, s29, s10, $0xb8;
	[tilespmem:$0x1BB00] =	vst v63  }
0x64: {  	_ =	swait.ge [sflag:s11], $0x50  }
0x65: {  	[sflag:s11] =	ssyncset.done $0x0  }
0x66: {  	[sflag:s11] =	ssyncadd.s32 $0xFFFFFFB0  }
0x67: {  	_ =	swait.ge [sflag:s12], $0x50  }
0x68: {  	[sflag:s12] =	ssyncset.done $0x0  }
0x69: {  	[sflag:s12] =	ssyncadd.s32 $0xFFFFFFB0  }
0x6a: {  	[tilespmem:s14], [sflag:$0x8] =	stream.indirect.gather [hbm4b:s4+s10], $0x80, s31, s10, $0xb8;
	[tilespmem:$0x1BB00] =	vst v63  }
0x6b: {  	[bflag:$0x0] =	sbarrier.arrive $0xFFFF  }
0x6c: {  	_ =	swait.ge [sflag:s15], $0x50  }
0x6d: {  	[sflag:s15] =	ssyncset.done $0x0  }
0x6e: {  	[sflag:s15] =	ssyncadd.s32 $0xFFFFFFB0  }
0x6f: {  	_ =	swait.ge [sflag:s16], $0x50  }
0x70: {  	[sflag:s16] =	ssyncset.done $0x0  }
0x71: {  	[sflag:s16] =	ssyncadd.s32 $0xFFFFFFB0  }
0x72: {  	[tilespmem:s17], [sflag:$0x9] =	stream.indirect.gather [hbm4b:s4+s10], $0x80, s2, s10, $0xb8;
	[tilespmem:$0x1BB00] =	vst v63  }
0x73: {  	_ =	swait.ge [sflag:s18], $0x2800  }
0x74: {  	[sflag:s18] =	ssyncset.done $0x0  }
0x75: {  	[sflag:s18] =	ssyncadd.s32 $0xFFFFD800  }
0x76: {  	[spmem:s1] =	stream.indirect.scatter.add.f32 [tilespmem:s26], [sflag:$0xA], $0x80, s30, s10, $0xb8;
	[tilespmem:$0x1BB00] =	vst v63  }
0x77: {  	_ =	swait.ge [sflag:s28], $0x2800  }
0x78: {  	s24 =	rddreg [dreg:$0x16]  }
0x79: {  	[sflag:s28] =	ssyncset.done $0x0;
	s22 =	sshrl.u32 s24, $0x3  }
0x7a: {  	[sflag:s28] =	ssyncadd.s32 $0xFFFFD800;
	s21 =	sadd.s32 s5, s22  }
0x7b: {  	[tilespmem:s29], [sflag:$0x1] =	stream.linear.gather [hbm4b:s21+s3], $0x50, $0x38;
	[tilespmem:$0x1BB00] =	vst v63  }
0x7c: {  	s22 =	sadd.s32 s6, s22  }
0x7d: {  	[tilespmem:s30], [sflag:$0x2] =	stream.linear.gather [hbm4b:s22+s3], $0x50, $0x38;
	[tilespmem:$0x1BB00] =	vst v63  }
0x7e: {  	_ =	swait.ge [sflag:s19], $0x2800  }
0x7f: {  	[sflag:s19] =	ssyncset.done $0x0  }
0x80: {  	[sflag:s19] =	ssyncadd.s32 $0xFFFFD800  }
0x81: {  	[spmem:s1] =	stream.indirect.scatter.add.f32 [tilespmem:s14], [sflag:$0xA], $0x80, s0, s10, $0xb8;
	[tilespmem:$0x1BB00] =	vst v63  }
0x82: {  	_ =	swait.ge [sflag:s28], $0x2800  }
0x83: {  	[sflag:s28] =	ssyncset.done $0x0  }
0x84: {  	s25 =	rddreg [dreg:$0x15];
	[sflag:s28] =	ssyncadd.s32 $0xFFFFD800  }
0x85: {  	[tilespmem:s31], [sflag:$0x3] =	stream.linear.gather [hbm4b:s25+s3], $0x50, $0x38;
	[tilespmem:$0x1BB00] =	vst v63  }
0x86: {  	s21 =	rddreg [dreg:$0x14]  }
0x87: {  	[tilespmem:s0], [sflag:$0x4] =	stream.linear.gather [hbm4b:s21+s3], $0x50, $0x38;
	[tilespmem:$0x1BB00] =	vst v63  }
0x88: {  	_ =	swait.ge [sflag:s8], $0x50  }
0x89: {  	[sflag:s8] =	ssyncset.done $0x0  }
0x8a: {  	[sflag:s8] =	ssyncadd.s32 $0xFFFFFFB0  }
0x8b: {  	_ =	swait.ge [sflag:s9], $0x50  }
0x8c: {  	[sflag:s9] =	ssyncset.done $0x0  }
0x8d: {  	[sflag:s9] =	ssyncadd.s32 $0xFFFFFFB0  }
0x8e: {  	[tilespmem:s26], [sflag:$0x7] =	stream.indirect.gather [hbm4b:s4+s10], $0x80, s29, s10, $0xb8;
	[tilespmem:$0x1BB00] =	vst v63  }
0x8f: {  	_ =	swait.ge [sflag:s20], $0x2800  }
0x90: {  	[sflag:s20] =	ssyncset.done $0x0  }
0x91: {  	s13 =	smin.u32 s13, $0x77;
	[sflag:s20] =	ssyncadd.s32 $0xFFFFD800  }
0x92: {  	[spmem:s1] =	stream.indirect.scatter.add.f32 [tilespmem:s17], [sflag:$0xA], $0x80, s7, s10, $0xb8;
	[tilespmem:$0x1BB00] =	vst v63  }
0x93: {  	s13 =	smul.u32 $0x50, s13;
	_ =	swait.ge [sflag:s28], $0x2800  }
0x94: {  	s23 =	rddreg [dreg:$0x3]  }
0x95: {  	s13 =	sadd.s32 s13, s23  }
0x96: {  	[sflag:s28] =	ssyncset.done $0x0;
	s13 =	sshrl.u32 s13, $0x3  }
0x97: {  	[sflag:s28] =	ssyncadd.s32 $0xFFFFD800;
	s23 =	sadd.s32 s5, s13  }
0x98: {  	[tilespmem:s2], [sflag:$0x5] =	stream.linear.gather [hbm4b:s23+s3], $0x50, $0x38;
	[tilespmem:$0x1BB00] =	vst v63  }
0x99: {  	s13 =	sadd.s32 s6, s13  }
0x9a: {  	[tilespmem:s7], [sflag:$0x6] =	stream.linear.gather [hbm4b:s13+s3], $0x50, $0x38;
	[tilespmem:$0x1BB00] =	vst v63  }
0x9b: {  	_ =	swait.ge [sflag:s11], $0x50  }
0x9c: {  	[sflag:s11] =	ssyncset.done $0x0  }
0x9d: {  	[sflag:s11] =	ssyncadd.s32 $0xFFFFFFB0  }
0x9e: {  	_ =	swait.ge [sflag:s12], $0x50  }
0x9f: {  	s22 =	simm.s32 $0x3;
	s25 =	sadd.s32 $0x1E, s25;
	[sflag:s12] =	ssyncset.done $0x0  }
0xa0: {  	s23 =	sadd.s32 $0xF0, s24;
	s24 =	sadd.s32 $0x1E, s21;
	[sflag:s12] =	ssyncadd.s32 $0xFFFFFFB0  }
.LBB2_4:
0xa1: {  	[tilespmem:s14], [sflag:$0x8] =	stream.indirect.gather [hbm4b:s4+s10], $0x80, s31, s10, $0xb8;
	[tilespmem:$0x1BB00] =	vst v63  }
0xa2: {  	_ =	swait.ge [sflag:s15], $0x50  }
0xa3: {  	[sflag:s15] =	ssyncset.done $0x0  }
0xa4: {  	[sflag:s15] =	ssyncadd.s32 $0xFFFFFFB0  }
0xa5: {  	_ =	swait.ge [sflag:s16], $0x50  }
0xa6: {  	[sflag:s16] =	ssyncset.done $0x0  }
0xa7: {  	[sflag:s16] =	ssyncadd.s32 $0xFFFFFFB0  }
0xa8: {  	[tilespmem:s17], [sflag:$0x9] =	stream.indirect.gather [hbm4b:s4+s10], $0x80, s2, s10, $0xb8;
	[tilespmem:$0x1BB00] =	vst v63  }
0xa9: {  	_ =	swait.ge [sflag:s18], $0x2800  }
0xaa: {  	[sflag:s18] =	ssyncset.done $0x0  }
0xab: {  	[sflag:s18] =	ssyncadd.s32 $0xFFFFD800  }
0xac: {  	[spmem:s1] =	stream.indirect.scatter.add.f32 [tilespmem:s26], [sflag:$0xA], $0x80, s30, s10, $0xb8;
	[tilespmem:$0x1BB00] =	vst v63  }
0xad: {  	_ =	swait.ge [sflag:s28], $0x2800  }
0xae: {  	s21 =	sshrl.u32 s23, $0x3;
	[sflag:s28] =	ssyncset.done $0x0  }
0xaf: {  	s26 =	sadd.s32 s5, s21;
	[sflag:s28] =	ssyncadd.s32 $0xFFFFD800  }
0xb0: {  	[tilespmem:s29], [sflag:$0x1] =	stream.linear.gather [hbm4b:s26+s3], $0x50, $0x38;
	[tilespmem:$0x1BB00] =	vst v63  }
0xb1: {  	s21 =	sadd.s32 s6, s21  }
0xb2: {  	[tilespmem:s30], [sflag:$0x2] =	stream.linear.gather [hbm4b:s21+s3], $0x50, $0x38;
	[tilespmem:$0x1BB00] =	vst v63  }
0xb3: {  	_ =	swait.ge [sflag:s19], $0x2800  }
0xb4: {  	[sflag:s19] =	ssyncset.done $0x0  }
0xb5: {  	[sflag:s19] =	ssyncadd.s32 $0xFFFFD800  }
0xb6: {  	[spmem:s1] =	stream.indirect.scatter.add.f32 [tilespmem:s14], [sflag:$0xA], $0x80, s0, s10, $0xb8;
	[tilespmem:$0x1BB00] =	vst v63  }
0xb7: {  	_ =	swait.ge [sflag:s28], $0x2800  }
0xb8: {  	[sflag:s28] =	ssyncset.done $0x0  }
0xb9: {  	[sflag:s28] =	ssyncadd.s32 $0xFFFFD800  }
0xba: {  	[tilespmem:s31], [sflag:$0x3] =	stream.linear.gather [hbm4b:s25+s3], $0x50, $0x38;
	[tilespmem:$0x1BB00] =	vst v63  }
0xbb: {  	_ = 	snop  }
0xbc: {  	[tilespmem:s0], [sflag:$0x4] =	stream.linear.gather [hbm4b:s24+s3], $0x50, $0x38;
	[tilespmem:$0x1BB00] =	vst v63  }
0xbd: {  	_ =	swait.ge [sflag:s8], $0x50  }
0xbe: {  	[sflag:s8] =	ssyncset.done $0x0  }
0xbf: {  	[sflag:s8] =	ssyncadd.s32 $0xFFFFFFB0  }
0xc0: {  	_ =	swait.ge [sflag:s9], $0x50  }
0xc1: {  	[sflag:s9] =	ssyncset.done $0x0  }
0xc2: {  	s26 =	simm.s32 $0x14300;
	[sflag:s9] =	ssyncadd.s32 $0xFFFFFFB0  }
0xc3: {  	[tilespmem:s26], [sflag:$0x7] =	stream.indirect.gather [hbm4b:s4+s10], $0x80, s29, s10, $0xb8;
	[tilespmem:$0x1BB00] =	vst v63  }
0xc4: {  	_ =	swait.ge [sflag:s20], $0x2800  }
0xc5: {  	s13 =	smov.u32 s22;
	[sflag:s20] =	ssyncset.done $0x0  }
0xc6: {  	s13 =	smin.u32 s13, $0x77;
	[sflag:s20] =	ssyncadd.s32 $0xFFFFD800  }
0xc7: {  	[spmem:s1] =	stream.indirect.scatter.add.f32 [tilespmem:s17], [sflag:$0xA], $0x80, s7, s10, $0xb8;
	[tilespmem:$0x1BB00] =	vst v63  }
0xc8: {  	s13 =	smul.u32 $0x50, s13;
	_ =	swait.ge [sflag:s28], $0x2800  }
0xc9: {  	s21 =	rddreg [dreg:$0x3]  }
0xca: {  	s13 =	sadd.s32 s13, s21  }
0xcb: {  	[sflag:s28] =	ssyncset.done $0x0;
	s13 =	sshrl.u32 s13, $0x3  }
0xcc: {  	[sflag:s28] =	ssyncadd.s32 $0xFFFFD800;
	s21 =	sadd.s32 s5, s13  }
0xcd: {  	[tilespmem:s2], [sflag:$0x5] =	stream.linear.gather [hbm4b:s21+s3], $0x50, $0x38;
	[tilespmem:$0x1BB00] =	vst v63  }
0xce: {  	s13 =	sadd.s32 s6, s13  }
0xcf: {  	[tilespmem:s7], [sflag:$0x6] =	stream.linear.gather [hbm4b:s13+s3], $0x50, $0x38;
	[tilespmem:$0x1BB00] =	vst v63  }
0xd0: {  	p0 =	sne.s32 s22, $0x78;
	_ =	swait.ge [sflag:s11], $0x50  }
.Ltmp1:
0xd1: {  	[sflag:s11] =	ssyncset.done $0x0;
	(pc) =	sbr.rel @p0 .LBB2_4-.Ltmp1, $4  }
0xd2: {  	[sflag:s11] =	ssyncadd.s32 $0xFFFFFFB0  }
0xd3: {  	_ =	swait.ge [sflag:s12], $0x50  }
0xd4: {  	s22 =	sadd.s32 $0x3, s22;
	s23 =	sadd.s32 $0xF0, s23;
	[sflag:s12] =	ssyncset.done $0x0  }
0xd5: {  	s25 =	sadd.s32 $0x1E, s25;
	s24 =	sadd.s32 $0x1E, s24;
	[sflag:s12] =	ssyncadd.s32 $0xFFFFFFB0  }
0xd6: {  	[tilespmem:s14], [sflag:$0x8] =	stream.indirect.gather [hbm4b:s4+s10], $0x80, s31, s10, $0xb8;
	[tilespmem:$0x1BB00] =	vst v63  }
0xd7: {  	_ =	swait.ge [sflag:s18], $0x2800  }
0xd8: {  	[sflag:s18] =	ssyncset.done $0x0  }
0xd9: {  	[sflag:s18] =	ssyncadd.s32 $0xFFFFD800  }
0xda: {  	[spmem:s1] =	stream.indirect.scatter.add.f32 [tilespmem:s26], [sflag:$0xA], $0x80, s30, s10, $0xb8;
	[tilespmem:$0x1BB00] =	vst v63  }
0xdb: {  	_ =	swait.ge [sflag:s28], $0x2800  }
0xdc: {  	[sflag:s28] =	ssyncset.done $0x0  }
0xdd: {  	[sflag:s28] =	ssyncadd.s32 $0xFFFFD800  }
0xde: {  	_ =	swait.ge [sflag:s19], $0x2800  }
0xdf: {  	[sflag:s19] =	ssyncset.done $0x0  }
0xe0: {  	[sflag:s19] =	ssyncadd.s32 $0xFFFFD800  }
0xe1: {  	[spmem:s1] =	stream.indirect.scatter.add.f32 [tilespmem:s14], [sflag:$0xA], $0x80, s0, s10, $0xb8;
	[tilespmem:$0x1BB00] =	vst v63  }
0xe2: {  	_ =	swait.ge [sflag:s28], $0x2800  }
0xe3: {  	[sflag:s28] =	ssyncset.done $0x0  }
0xe4: {  	[sflag:s28] =	ssyncadd.s32 $0xFFFFD800  }
0xe5: {  	_ =	swait.ge [sflag:s15], $0x50  }
0xe6: {  	[sflag:s15] =	ssyncset.done $0x0  }
0xe7: {  	[sflag:s15] =	ssyncadd.s32 $0xFFFFFFB0  }
0xe8: {  	_ =	swait.ge [sflag:s16], $0x50  }
0xe9: {  	[sflag:s16] =	ssyncset.done $0x0  }
0xea: {  	[sflag:s16] =	ssyncadd.s32 $0xFFFFFFB0  }
0xeb: {  	s13 =	stileid.u32;
	[bflag:$0x0] =	sbarrier.arrive $0xFFFF  }
0xec: {  	s13 =	sshll.u32 s13, $0x6;
	s23 =	rddreg [dreg:$0xa]  }
0xed: {  	s13 =	sor.u32 $0x1C0A, s13;
	s22 =	rddreg [dreg:$0xb];
	s21 =	sshrl.u32 s23, $0x3  }
0xee: {  	[hbm:s22], [sflag:s13] =	dma.local [spmem:s21], $0x2800  }
0xef: {  	_ =	swait.ge [sflag:s28], $0x2800  }
0xf0: {  	s24 =	rddreg [dreg:$0x17]  }
0xf1: {  	s25 =	rddreg [dreg:$0xc];
	s21 =	sadd.s32 $0x1, s24  }
0xf2: {  	p0 =	sne.s32 s21, s25  }
.Ltmp2:
0xf3: {  	_ = 	snop;
	(pc) =	sbr.rel @p0 .LBB2_1-.Ltmp2, $3  }
0xf4: {  	_ =	sdelay $0x1  }
0xf5: {  	[sflag:s28] =	ssyncset.done $0x0  }
0xf6: {  	[sflag:s28] =	ssyncadd.s32 $0xFFFFD800  }
0xf7: {  	_ =	sfence.sel $0x180000  }
0xf8: {  	[bflag:$0x0] =	sbarrier.arrive $0xFFFF  }
0xf9: {  	_ =	strace $0x9000004D  }
0xfa: {  	s0 =	stileid.u32;
	[bflag:$0x2] =	sbarrier.arrive $0xFFFF  }
0xfb: {  	p0 =	sne.s32 s0, $0x0;
	s0 =	rddreg [dreg:$0x2]  }
0xfc: {  	s0 =	sadd.s32 @!p0 $0x100000, s0  }
0xfd: {  	[sflag:s0] =	ssyncadd.tile.s32 @!p0 $0x1;
	_ =	shalt  }
.Lfunc_end2:
_tile_overlayer_lowered:
.L_overlay_start_2:
0xfe: {  	(tag) =	ssettag $0x2  }
0xff: {  	s0 =	rddreg [dreg:$0x0];
	s2 =	stileid.u32  }
0x100: {  	s1 =	rddreg [dreg:$0x1];
	p0 =	sne.s32 s2, $0x0  }
0x101: {  	s3 =	rddreg [dreg:$0x2];
	[bflag:$0x3] =	sbarrier.arrive $0xFFFF;
	s2 =	simm.s32 @!p0 $0x1C0A  }
0x102: {  	[timem:s3], [sflag:s2] =	dma.local @!p0 [hbm:s0], s1  }
0x103: {  	s0 =	simm.s32 @!p0 $0xA  }
0x104: {  	_ =	swait.ge @!p0 [sflag:s0], s1  }
0x105: {  	s1 =	ssub.s32 @!p0 $0x0, s1;
	[sflag:s0] =	ssyncset.done @!p0 $0x0  }
0x106: {  	[sflag:s0] =	ssyncadd.s32 @!p0 s1  }
0x107: {  	[bflag:$0x3] =	sbarrier.arrive $0xFFFF  }
0x108: {  	_ =	shalt  }

// kernel: kernel.19.cloned.1.call-start
scs
__scs_entry_jumppad:
0x0: {  	(pc) =	sbr.rel $0x88, $3  }
0x1: {  	(tag) =	ssettag $0x0;
	lr =	simm.s32 $0x1  }
0x2: {  	[smem:$0x3F98] =	sst lr;
	_ =	strace $0xD0000000  }
0x3: {  	_ = 	snop  }
0x4: {  	_ = 	snop  }
0x5: {  	_ = 	snop  }
0x6: {  	_ = 	snop  }
0x7: {  	_ = 	snop  }
__scs_overlays_trampoline_lowered:
0x8: {  	[smem:$0x3FA7] =	sst s0  }
0x9: {  	[smem:$0x3FA8] =	sst s1  }
0xa: {  	[smem:$0x3FA9] =	sst s2  }
0xb: {  	[smem:$0x3FAA] =	sst s3  }
0xc: {  	[smem:$0x3FAB] =	sst s4  }
0xd: {  	[smem:$0x3FAC] =	sst s5  }
0xe: {  	[smem:$0x3FAD] =	sst s6  }
0xf: {  	[smem:$0x3FAE] =	sst s7  }
0x10: {  	[smem:$0x3FAF] =	sst s8  }
0x11: {  	[smem:$0x3FB0] =	sst s9;
	s0 =	simm.s32 @!p0 $0x0  }
0x12: {  	s1 =	sld [smem:$0x3F96];
	s0 =	simm.s32 @p0 $0x1  }
0x13: {  	[smem:$0x3FB1] =	sst s0;
	s0 =	simm.s32 @!p1 $0x0  }
0x14: {  	s2 =	sld [smem:$0x3F95];
	s0 =	simm.s32 @p1 $0x1  }
0x15: {  	[smem:$0x3FB2] =	sst s0;
	s0 =	simm.s32 @!p2 $0x0  }
0x16: {  	s3 =	sld [smem:$0x3FDB];
	s0 =	simm.s32 @p2 $0x1  }
0x17: {  	s4 =	simm.s32 $0x1BF5;
	[smem:$0x3FB4] =	sst s0  }
0x18: {  	s0 =	sld [smem:$0x3F97];
	_ =	swait.ge [sflag:s4], $0x0  }
0x19: {  	s7 =	sld [smem:$0x3F98]  }
0x1a: {  	s8 =	sadd.s32 $0xFFFFE003, lr  }
0x1b: {  	s9 =	sadd.s32 $0xFFFFFEF7, lr;
	s5 =	simm.s32 $0xFFFFFFFF;
	p2 =	slt.u32 s8, $0xFFFFF086  }
0x1c: {  	p1 =	slt.u32 s9, $0xF7A;
	s5 =	simm.s32 @!p2 $0x0  }
0x1d: {  	s5 =	simm.s32 @p1 $0x1;
	p0 =	seq.s32 s7, s2  }
0x1e: {  	s7 =	smul.u32 @!p0 $0xF7A, s2;
	p2 =	seq.s32 @!p0 s5, $0x0  }
0x1f: {  	s9 =	smul.u32 $0xF7A, s1;
	s8 =	simm.s32 @!p0 $0x1BF5;
	p2 =	por !p2, p0  }
0x20: {  	[sflag:s8] =	ssyncset.s32 @!p0 $0xFFFFF086;
	s6 =	sadd.s32 @!p0 s3, s7;
	s7 =	simm.s32 @!p0 $0x108  }
0x21: {  	s3 =	sadd.s32 s3, s9;
	s6 =	sadd.s32 @!p0 $0x88, s6;
	s7 =	simm.s32 @p2 $0x1082  }
0x22: {  	[simem:s7], [sflag:s8] =	dma.local @!p0 [hbm:s6], $0xF7A  }
0x23: {  	s9 =	sor.u32 $0xD0000000, s2;
	s6 =	simm.s32 $0x108;
	_ =	swait.ge @!p0 [sflag:s8], $0x0  }
0x24: {  	s3 =	sadd.s32 $0x88, s3;
	s6 =	simm.s32 @!p1 $0x1082;
	[sflag:s4] =	ssyncset.s32 $0xFFFFF086  }
0x25: {  	[simem:s6], [sflag:s4] =	dma.local [hbm:s3], $0xF7A  }
0x26: {  	[smem:$0x3F98] =	sst s1;
	(tag) =	ssettag s2;
	_ =	strace s9  }
0x27: {  	s1 =	sld [smem:$0x3FA8]  }
0x28: {  	s2 =	sld [smem:$0x3FA9]  }
0x29: {  	s4 =	sld [smem:$0x3FAB]  }
0x2a: {  	p0 =	seq.s32 s5, $0x0;
	s5 =	sld [smem:$0x3FAC]  }
0x2b: {  	s6 =	sld [smem:$0x3FAD]  }
0x2c: {  	s7 =	sld [smem:$0x3FAE]  }
0x2d: {  	s3 =	simm.s32 $0x108;
	s8 =	sld [smem:$0x3FAF]  }
0x2e: {  	s3 =	simm.s32 @!p0 $0x1082;
	s9 =	sld [smem:$0x3FB0]  }
0x2f: {  	lr =	sadd.s32 s0, s3;
	s0 =	sld [smem:$0x3FA7]  }
0x30: {  	s3 =	sld [smem:$0x3FAA]  }
0x31: {  	[smem:$0x3FB3] =	sst s10  }
0x32: {  	s10 =	sld [smem:$0x3FB1];
	_ =	sdelay $0x3  }
0x33: {  	p0 =	seq.s32 s10, $0x1;
	s10 =	sld [smem:$0x3FB3];
	_ =	sdelay $0x3  }
0x34: {  	[smem:$0x3FB3] =	sst s10  }
0x35: {  	s10 =	sld [smem:$0x3FB2];
	_ =	sdelay $0x3  }
0x36: {  	p1 =	seq.s32 s10, $0x1;
	s10 =	sld [smem:$0x3FB3];
	_ =	sdelay $0x3  }
0x37: {  	[smem:$0x3FB3] =	sst s10  }
0x38: {  	s10 =	sld [smem:$0x3FB4]  }
0x39: {  	_ = 	snop;
	(pc) =	sbr.ind lr, $3  }
0x3a: {  	_ = 	snop  }
0x3b: {  	_ = 	snop  }
0x3c: {  	p2 =	seq.s32 s10, $0x1;
	s10 =	sld [smem:$0x3FB3]  }
0x3d: {  	_ =	shalt  }
0x3e: {  	_ =	shalt  }
0x3f: {  	_ =	shalt  }
0x40: {  	_ =	shalt  }
0x41: {  	_ =	shalt  }
0x42: {  	_ =	shalt  }
0x43: {  	_ =	shalt  }
0x44: {  	_ =	shalt  }
0x45: {  	_ =	shalt  }
0x46: {  	_ =	shalt  }
0x47: {  	_ =	shalt  }
0x48: {  	_ =	shalt  }
0x49: {  	_ =	shalt  }
0x4a: {  	_ =	shalt  }
0x4b: {  	_ =	shalt  }
0x4c: {  	_ =	shalt  }
0x4d: {  	_ =	shalt  }
0x4e: {  	_ =	shalt  }
0x4f: {  	_ =	shalt  }
0x50: {  	_ =	shalt  }
0x51: {  	_ =	shalt  }
0x52: {  	_ =	shalt  }
0x53: {  	_ =	shalt  }
0x54: {  	_ =	shalt  }
0x55: {  	_ =	shalt  }
0x56: {  	_ =	shalt  }
0x57: {  	_ =	shalt  }
0x58: {  	_ =	shalt  }
0x59: {  	_ =	shalt  }
0x5a: {  	_ =	shalt  }
0x5b: {  	_ =	shalt  }
0x5c: {  	_ =	shalt  }
0x5d: {  	_ =	shalt  }
0x5e: {  	_ =	shalt  }
0x5f: {  	_ =	shalt  }
0x60: {  	_ =	shalt  }
0x61: {  	_ =	shalt  }
0x62: {  	_ =	shalt  }
0x63: {  	_ =	shalt  }
0x64: {  	_ =	shalt  }
0x65: {  	_ =	shalt  }
0x66: {  	_ =	shalt  }
0x67: {  	_ =	shalt  }
0x68: {  	_ =	shalt  }
0x69: {  	_ =	shalt  }
0x6a: {  	_ =	shalt  }
0x6b: {  	_ =	shalt  }
0x6c: {  	_ =	shalt  }
0x6d: {  	_ =	shalt  }
0x6e: {  	_ =	shalt  }
0x6f: {  	_ =	shalt  }
0x70: {  	_ =	shalt  }
0x71: {  	_ =	shalt  }
0x72: {  	_ =	shalt  }
0x73: {  	_ =	shalt  }
0x74: {  	_ =	shalt  }
0x75: {  	_ =	shalt  }
0x76: {  	_ =	shalt  }
0x77: {  	_ =	shalt  }
0x78: {  	_ =	shalt  }
0x79: {  	_ =	shalt  }
0x7a: {  	_ =	shalt  }
0x7b: {  	_ =	shalt  }
0x7c: {  	_ =	shalt  }
0x7d: {  	_ =	shalt  }
0x7e: {  	_ =	shalt  }
0x7f: {  	_ =	shalt  }
0x80: {  	_ =	shalt  }
0x81: {  	_ =	shalt  }
0x82: {  	_ =	shalt  }
0x83: {  	_ =	shalt  }
0x84: {  	_ =	shalt  }
0x85: {  	_ =	shalt  }
0x86: {  	_ =	shalt  }
0x87: {  	_ =	shalt  }
.Lfunc_end0:
.L_simem_size_0:
called_computation.3_lowered:
.L_overlay_start_0:
0x88: {  	s2 =	sld [smem:$0x3FD9]  }
0x89: {  	s3 =	sld [smem:$0x3FFE];
	_ =	sdelay $0x1  }
0x8a: {  	s1 =	srdreg.scid  }
0x8b: {  	s0 =	sand.u32 $0x1, s1  }
0x8c: {  	s16 =	sshll.u32 s0, $0xA;
	s2 =	sadd.s32 s3, s2  }
0x8d: {  	s2 =	sadd.s32 s2, s16  }
0x8e: {  	[smem:$0x3FBF] =	sst s2  }
0x8f: {  	_ = 	snop  }
0x90: {  	(tm) =	ssettm $0x1  }
0x91: {  	s17 =	sld [smem:$0x3FFB];
	_ =	sdelay $0x3  }
0x92: {  	_ =	strace s17  }
0x93: {  	s2 =	sld [smem:$0x3FFC];
	_ =	sdelay $0x3  }
0x94: {  	_ =	strace s2  }
0x95: {  	s2 =	sld [smem:$0x3FFD];
	_ =	sdelay $0x3  }
0x96: {  	_ =	strace s2  }
0x97: {  	_ =	strace $0x8FFFFFFF  }
0x98: {  	s18 =	sld [smem:$0x3FDB];
	_ =	sdelay $0x1  }
0x99: {  	s19 =	simm.s32 $_scs_section_size  }
0x9a: {  	s4 =	simm.s32 $_size__tile_overlayer_lowered;
	s5 =	simm.s32 $_tile_overlayer_lowered  }
0x9b: {  	s22 =	simm.s32 $0x1BFF;
	s21 =	sshll.u32 s5, $0x1;
	s2 =	sadd.s32 s19, s18  }
0x9c: {  	s6 =	simm.s32 $0x0;
	s20 =	sshll.u32 s4, $0x1;
	s4 =	sadd.s32 s21, s2  }
0x9d: {  	[timem:s6], [sflag:s22] =	dma.local [hbm:s4], s20  }
0x9e: {  	_ =	swait.ge [sflag:s22], s20  }
0x9f: {  	s3 =	ssub.s32 $0x0, s20;
	[sflag:s22] =	ssyncset.done $0x0  }
0xa0: {  	[sflag:s22] =	ssyncadd.s32 s3;
	_ =	sdelay $0x1  }
0xa1: {  	s23 =	simm.s32 $0x1B8B  }
0xa2: {  	_ =	swait.ge [sflag:s23], $0x1  }
0xa3: {  	[sflag:s23] =	ssyncset.done $0x0  }
0xa4: {  	s25 =	simm.s32 $0x1B8E;
	s24 =	sld [smem:$0x3FFE];
	[sflag:s23] =	ssyncadd.s32 $0xFFFFFFFF  }
0xa5: {  	s26 =	simm.s32 $execute0_lowered;
	[smem:$0x3FD2] =	sst s25  }
0xa6: {  	s4 =	sshll.u32 s26, $0x1;
	_ =	strace $0x8000004F;
	[dreg:$0x1] =	wrdreg $0xFFFFFFFF  }
0xa7: {  	s28 =	simm.s32 $_size_execute0_lowered;
	s2 =	sadd.s32 s2, s4;
	[dreg:$0x0] =	wrdreg $0x0  }
0xa8: {  	s4 =	sshll.u32 s28, $0x1;
	[dreg:$0x2] =	wrdreg s2  }
0xa9: {  	[dreg:$0x3] =	wrdreg s4  }
0xaa: {  	[dreg:$0x4] =	wrdreg $0xC0  }
0xab: {  	_ =	task [dreg:s6], $0x5FFFF  }
0xac: {  	[dreg:$0x1] =	wrdreg $0xFFFFFFFF  }
0xad: {  	[dreg:$0x0] =	wrdreg $0x60  }
0xae: {  	[dreg:$0x2] =	wrdreg s24  }
0xaf: {  	[dreg:$0x3] =	wrdreg $0x0  }
0xb0: {  	[dreg:$0x4] =	wrdreg $0x9  }
0xb1: {  	_ =	task.clear_ibuf [dreg:s6], $0x5FFFF;
	_ =	strace $0x9000004F  }
0xb2: {  	s29 =	simm.s32 $0x9;
	_ =	strace $0x80000051  }
0xb3: {  	_ =	swait.ge [sflag:s29], $0x1  }
0xb4: {  	[sflag:s29] =	ssyncadd.s32 $0xFFFFFFFF  }
0xb5: {  	_ =	strace $0x90000051  }
0xb6: {  	_ =	sfence  }
0xb7: {  	s30 =	sld [smem:$0x0];
	_ =	sdelay $0x2  }
0xb8: {  	s31 =	sshll.u32 s1, $0xD;
	s1 =	sshrl.u32 s1, $0x2  }
0xb9: {  	s3 =	sand.u32 $0x4000, s31;
	s1 =	sadd.s32 s1, s30  }
0xba: {  	s0 =	sor.u32 s3, s0;
	s1 =	sshll.u32 s1, $0x11  }
0xbb: {  	s0 =	sor.u32 s1, s0  }
0xbc: {  	s0 =	sadd.s32 $0x8F2B, s0  }
0xbd: {  	[sflag:s0] =	ssyncadd.remote.s32 $0x1  }
0xbe: {  	_ =	sfence.sel $0xFFFF  }
0xbf: {  	[dreg:$0x0] =	wrdreg $0xFFFFFFFF;
	(pc) =	sbr.abs _section_cstart, $3  }
0xc0: {  	[dreg:$0x1] =	wrdreg $0xFFFFFFFF  }
0xc1: {  	_ =	task.clear_ibuf [dreg:s6], $0x2FFFF;
	_ =	strace $0x9FFFFFFF  }
0xc2: {  	(tm) =	ssettm $0x7FFFFFFF  }
0xc3: {  	_ =	shalt  }
tec
execute0_lowered:
.L_overlay_start_1:
0x0: {  	(tag) =	ssettag $0x1  }
0x1: {  	s0 =	rddreg [dreg:$0x0]  }
0x2: {  	s1 =	rddreg [dreg:$0x1];
	s3 =	simm.s32 $0x0  }
0x3: {  	s2 =	srdreg.scid;
	s12 =	stileid.u32;
	s28 =	simm.s32 $0xA  }
0x4: {  	s29 =	simm.s32 $0x14000;
	s30 =	simm.s32 $0x14080;
	s7 =	smul.u32 $0x14000, s12  }
0x5: {  	s31 =	simm.s32 $0x14100;
	[smem:$0x7FF] =	sst s3;
	s25 =	smul.u32 $0x50000, s12  }
0x6: {  	s2 =	sand.u32 $0x1, s2;
	s4 =	sadd.s32 $0x18600, s0;
	s14 =	smul.u32 $0x2710, s12  }
0x7: {  	s5 =	sadd.s32 $0xE800, s0;
	s6 =	smul.u32 $0x140000, s2;
	_ =	strace $0x80000050  }
0x8: {  	s8 =	sshll.u32 s2, $0x4;
	s9 =	ssub.s32 $0x2, s2;
	s2 =	smul.u32 $0x27100, s2  }
0x9: {  	s8 =	sor.u32 s12, s8;
	s10 =	sshrl.u32 s9, $0x1;
	s13 =	sshrl.u32 s25, $0x2  }
0xa: {  	s12 =	simm.s32 $0x4;
	s8 =	smul.u32 $0x2710, s8;
	s20 =	ssub.s32 s9, s10  }
0xb: {  	s7 =	sadd.s32 s7, s6;
	s6 =	sadd.s32 $0x4A00, s0;
	s15 =	smax.u32 s20, $0x1  }
0xc: {  	s21 =	sshrl.u32 s8, $0x3;
	s8 =	sadd.s32 $0x190, s8;
	[dreg:$0xc] =	wrdreg s15  }
0xd: {  	s7 =	sshrl.u32 s7, $0x3;
	s22 =	sadd.s32 s5, s21;
	[dreg:$0x3] =	wrdreg s8  }
0xe: {  	s0 =	sadd.s32 s7, s0;
	s23 =	sadd.s32 s6, s21;
	[dreg:$0x4] =	wrdreg s22  }
0xf: {  	s24 =	sadd.s32 $0xA, s21;
	s0 =	sadd.s32 $0x68600, s0;
	[dreg:$0x5] =	wrdreg s23  }
0x10: {  	s19 =	sadd.s32 s14, s2;
	s11 =	sadd.s32 s5, s24;
	[dreg:$0xb] =	wrdreg s0  }
0x11: {  	s9 =	sadd.s32 $0x14, s21;
	s10 =	sadd.s32 s6, s24;
	[dreg:$0x6] =	wrdreg s11  }
0x12: {  	s14 =	simm.s32 $0x16B00;
	s26 =	sadd.s32 s5, s9;
	[dreg:$0x7] =	wrdreg s10  }
0x13: {  	s7 =	simm.s32 $0x14280;
	s9 =	sadd.s32 s6, s9;
	[dreg:$0x8] =	wrdreg s26  }
0x14: {  	s15 =	simm.s32 $0x5;
	s0 =	sadd.s32 $0xF0, s19;
	[dreg:$0x9] =	wrdreg s9  }
0x15: {  	s8 =	simm.s32 $0x1;
	s23 =	sadd.s32 s13, s1;
	[dreg:$0x16] =	wrdreg s0  }
0x16: {  	s22 =	sadd.s32 $0x140, s19;
	s16 =	sadd.s32 $0x2800, s23;
	[dreg:$0xa] =	wrdreg s23  }
0x17: {  	s19 =	simm.s32 $0x8;
	s17 =	sadd.s32 $0x5000, s23;
	[dreg:$0xd] =	wrdreg s16  }
0x18: {  	s18 =	sadd.s32 $0x7800, s23;
	s20 =	sadd.s32 $0xA000, s23;
	[dreg:$0xe] =	wrdreg s17  }
0x19: {  	s21 =	sadd.s32 $0xC800, s23;
	s24 =	sadd.s32 $0xF000, s23;
	[dreg:$0xf] =	wrdreg s18  }
0x1a: {  	s25 =	sadd.s32 $0x11800, s23;
	s2 =	sshrl.u32 s22, $0x3;
	[dreg:$0x10] =	wrdreg s20  }
0x1b: {  	s0 =	simm.s32 $0x14180;
	s9 =	simm.s32 $0x2;
	[dreg:$0x11] =	wrdreg s21  }
0x1c: {  	s10 =	simm.s32 $0x50;
	s11 =	simm.s32 $0x3;
	[dreg:$0x12] =	wrdreg s24  }
0x1d: {  	[dreg:$0x13] =	wrdreg s25;
	s26 =	sadd.s32 s2, s6;
	s2 =	sadd.s32 s2, s5  }
0x1e: {  	s16 =	simm.s32 $0x6;
	s17 =	simm.s32 $0x19300;
	s18 =	simm.s32 $0x7  }
0x1f: {  	s20 =	simm.s32 $0x9;
	s21 =	simm.s32 $0x0;
	[dreg:$0x14] =	wrdreg s26  }
0x20: {  	v0 =	vimm.f32 $0.0e+00;
	[dreg:$0x15] =	wrdreg s2;
	s26 =	simm.s32 $0x14300;
	s2 =	simm.s32 $0x14200  }
.LBB2_1:
0x21: {  	[dreg:$0x17] =	wrdreg s21;
	s13 =	simm.s32 $0x70;
	s22 =	simm.s32 $0x3C0  }
.LBB2_2:
0x22: {  	p0 =	sne.s32 s22, $0x9FC0;
	[tilespmem:s13+$0x14300] =	vst v0  }
0x23: {  	[tilespmem:s13+$0x14290] =	vst v0  }
0x24: {  	[tilespmem:s13+$0x142A0] =	vst v0  }
.Ltmp0:
0x25: {  	[tilespmem:s13+$0x142B0] =	vst v0;
	(pc) =	sbr.rel @p0 .LBB2_2-.Ltmp0, $4  }
0x26: {  	[tilespmem:s13+$0x142C0] =	vst v0  }
0x27: {  	[tilespmem:s13+$0x142D0] =	vst v0  }
0x28: {  	[tilespmem:s13+$0x142E0] =	vst v0  }
0x29: {  	[tilespmem:s13+$0x142F0] =	vst v0;
	s13 =	sshra.s32 s22, $0x2;
	s22 =	sadd.s32 $0x200, s22  }
0x2a: {  	[tilespmem:s13+$0x14300] =	vst v0  }
0x2b: {  	[tilespmem:s13+$0x14290] =	vst v0  }
0x2c: {  	[tilespmem:s13+$0x142A0] =	vst v0  }
0x2d: {  	[tilespmem:s13+$0x142B0] =	vst v0  }
0x2e: {  	[tilespmem:s13+$0x142C0] =	vst v0  }
0x2f: {  	[tilespmem:s13+$0x142D0] =	vst v0  }
0x30: {  	[tilespmem:s13+$0x142E0] =	vst v0  }
0x31: {  	[tilespmem:s13+$0x142F0] =	vst v0  }
0x32: {  	[spmem:s23] =	stream.linear.scatter [tilespmem:s26], [sflag:$0xA], $0x2800, $0x38;
	[tilespmem:$0x1BB00] =	vst v63  }
0x33: {  	_ =	swait.ge [sflag:s28], $0x2800  }
0x34: {  	[sflag:s28] =	ssyncset.done $0x0  }
0x35: {  	s23 =	rddreg [dreg:$0xd];
	[sflag:s28] =	ssyncadd.s32 $0xFFFFD800  }
0x36: {  	[spmem:s23] =	stream.linear.scatter [tilespmem:s26], [sflag:$0xA], $0x2800, $0x38;
	[tilespmem:$0x1BB00] =	vst v63  }
0x37: {  	_ =	swait.ge [sflag:s28], $0x2800  }
0x38: {  	[sflag:s28] =	ssyncset.done $0x0  }
0x39: {  	s24 =	rddreg [dreg:$0xe];
	[sflag:s28] =	ssyncadd.s32 $0xFFFFD800  }
0x3a: {  	[spmem:s24] =	stream.linear.scatter [tilespmem:s26], [sflag:$0xA], $0x2800, $0x38;
	[tilespmem:$0x1BB00] =	vst v63  }
0x3b: {  	_ =	swait.ge [sflag:s28], $0x2800  }
0x3c: {  	[sflag:s28] =	ssyncset.done $0x0  }
0x3d: {  	s25 =	rddreg [dreg:$0xf];
	[sflag:s28] =	ssyncadd.s32 $0xFFFFD800  }
0x3e: {  	[spmem:s25] =	stream.linear.scatter [tilespmem:s26], [sflag:$0xA], $0x2800, $0x38;
	[tilespmem:$0x1BB00] =	vst v63  }
0x3f: {  	_ =	swait.ge [sflag:s28], $0x2800  }
0x40: {  	[sflag:s28] =	ssyncset.done $0x0  }
0x41: {  	s21 =	rddreg [dreg:$0x10];
	[sflag:s28] =	ssyncadd.s32 $0xFFFFD800  }
0x42: {  	[spmem:s21] =	stream.linear.scatter [tilespmem:s26], [sflag:$0xA], $0x2800, $0x38;
	[tilespmem:$0x1BB00] =	vst v63  }
0x43: {  	_ =	swait.ge [sflag:s28], $0x2800  }
0x44: {  	[sflag:s28] =	ssyncset.done $0x0  }
0x45: {  	s22 =	rddreg [dreg:$0x11];
	[sflag:s28] =	ssyncadd.s32 $0xFFFFD800  }
0x46: {  	[spmem:s22] =	stream.linear.scatter [tilespmem:s26], [sflag:$0xA], $0x2800, $0x38;
	[tilespmem:$0x1BB00] =	vst v63  }
0x47: {  	_ =	swait.ge [sflag:s28], $0x2800  }
0x48: {  	[sflag:s28] =	ssyncset.done $0x0  }
0x49: {  	s23 =	rddreg [dreg:$0x12];
	[sflag:s28] =	ssyncadd.s32 $0xFFFFD800  }
0x4a: {  	[spmem:s23] =	stream.linear.scatter [tilespmem:s26], [sflag:$0xA], $0x2800, $0x38;
	[tilespmem:$0x1BB00] =	vst v63  }
0x4b: {  	_ =	swait.ge [sflag:s28], $0x2800  }
0x4c: {  	[sflag:s28] =	ssyncset.done $0x0  }
0x4d: {  	s24 =	rddreg [dreg:$0x13];
	[sflag:s28] =	ssyncadd.s32 $0xFFFFD800  }
0x4e: {  	[spmem:s24] =	stream.linear.scatter [tilespmem:s26], [sflag:$0xA], $0x2800, $0x38;
	[tilespmem:$0x1BB00] =	vst v63  }
0x4f: {  	_ =	swait.ge [sflag:s28], $0x2800  }
0x50: {  	[sflag:s28] =	ssyncset.done $0x0  }
0x51: {  	s13 =	simm.s32 $0x0;
	s21 =	rddreg [dreg:$0x4];
	[sflag:s28] =	ssyncadd.s32 $0xFFFFD800  }
0x52: {  	[tilespmem:s29], [sflag:$0x1] =	stream.linear.gather [hbm4b:s21+s13], $0x50, $0x38;
	[tilespmem:$0x1BB00] =	vst v63  }
0x53: {  	s25 =	rddreg [dreg:$0x5]  }
0x54: {  	[tilespmem:s30], [sflag:$0x2] =	stream.linear.gather [hbm4b:s25+s13], $0x50, $0x38;
	[tilespmem:$0x1BB00] =	vst v63  }
0x55: {  	s22 =	rddreg [dreg:$0x6]  }
0x56: {  	[tilespmem:s31], [sflag:$0x3] =	stream.linear.gather [hbm4b:s22+s13], $0x50, $0x38;
	[tilespmem:$0x1BB00] =	vst v63  }
0x57: {  	s23 =	rddreg [dreg:$0x7]  }
0x58: {  	[tilespmem:s0], [sflag:$0x4] =	stream.linear.gather [hbm4b:s23+s13], $0x50, $0x38;
	[tilespmem:$0x1BB00] =	vst v63  }
0x59: {  	s24 =	rddreg [dreg:$0x8]  }
0x5a: {  	[tilespmem:s2], [sflag:$0x5] =	stream.linear.gather [hbm4b:s24+s13], $0x50, $0x38;
	[tilespmem:$0x1BB00] =	vst v63  }
0x5b: {  	s25 =	rddreg [dreg:$0x9]  }
0x5c: {  	[tilespmem:s7], [sflag:$0x6] =	stream.linear.gather [hbm4b:s25+s13], $0x50, $0x38;
	[tilespmem:$0x1BB00] =	vst v63  }
0x5d: {  	_ =	swait.ge [sflag:s8], $0x50  }
0x5e: {  	[sflag:s8] =	ssyncset.done $0x0  }
0x5f: {  	[sflag:s8] =	ssyncadd.s32 $0xFFFFFFB0  }
0x60: {  	_ =	swait.ge [sflag:s9], $0x50  }
0x61: {  	[sflag:s9] =	ssyncset.done $0x0  }
0x62: {  	[sflag:s9] =	ssyncadd.s32 $0xFFFFFFB0  }
0x63: {  	[tilespmem:s26], [sflag:$0x7] =	stream.indirect.gather [hbm4b:s4+s10], $0x80, s29, s10, $0xb8;
	[tilespmem:$0x1BB00] =	vst v63  }
0x64: {  	_ =	swait.ge [sflag:s11], $0x50  }
0x65: {  	[sflag:s11] =	ssyncset.done $0x0  }
0x66: {  	[sflag:s11] =	ssyncadd.s32 $0xFFFFFFB0  }
0x67: {  	_ =	swait.ge [sflag:s12], $0x50  }
0x68: {  	[sflag:s12] =	ssyncset.done $0x0  }
0x69: {  	[sflag:s12] =	ssyncadd.s32 $0xFFFFFFB0  }
0x6a: {  	[tilespmem:s14], [sflag:$0x8] =	stream.indirect.gather [hbm4b:s4+s10], $0x80, s31, s10, $0xb8;
	[tilespmem:$0x1BB00] =	vst v63  }
0x6b: {  	[bflag:$0x0] =	sbarrier.arrive $0xFFFF  }
0x6c: {  	_ =	swait.ge [sflag:s15], $0x50  }
0x6d: {  	[sflag:s15] =	ssyncset.done $0x0  }
0x6e: {  	[sflag:s15] =	ssyncadd.s32 $0xFFFFFFB0  }
0x6f: {  	_ =	swait.ge [sflag:s16], $0x50  }
0x70: {  	[sflag:s16] =	ssyncset.done $0x0  }
0x71: {  	[sflag:s16] =	ssyncadd.s32 $0xFFFFFFB0  }
0x72: {  	[tilespmem:s17], [sflag:$0x9] =	stream.indirect.gather [hbm4b:s4+s10], $0x80, s2, s10, $0xb8;
	[tilespmem:$0x1BB00] =	vst v63  }
0x73: {  	_ =	swait.ge [sflag:s18], $0x2800  }
0x74: {  	[sflag:s18] =	ssyncset.done $0x0  }
0x75: {  	[sflag:s18] =	ssyncadd.s32 $0xFFFFD800  }
0x76: {  	[spmem:s1] =	stream.indirect.scatter.add.f32 [tilespmem:s26], [sflag:$0xA], $0x80, s30, s10, $0xb8;
	[tilespmem:$0x1BB00] =	vst v63  }
0x77: {  	_ =	swait.ge [sflag:s28], $0x2800  }
0x78: {  	s24 =	rddreg [dreg:$0x16]  }
0x79: {  	[sflag:s28] =	ssyncset.done $0x0;
	s22 =	sshrl.u32 s24, $0x3  }
0x7a: {  	[sflag:s28] =	ssyncadd.s32 $0xFFFFD800;
	s21 =	sadd.s32 s5, s22  }
0x7b: {  	[tilespmem:s29], [sflag:$0x1] =	stream.linear.gather [hbm4b:s21+s3], $0x50, $0x38;
	[tilespmem:$0x1BB00] =	vst v63  }
0x7c: {  	s22 =	sadd.s32 s6, s22  }
0x7d: {  	[tilespmem:s30], [sflag:$0x2] =	stream.linear.gather [hbm4b:s22+s3], $0x50, $0x38;
	[tilespmem:$0x1BB00] =	vst v63  }
0x7e: {  	_ =	swait.ge [sflag:s19], $0x2800  }
0x7f: {  	[sflag:s19] =	ssyncset.done $0x0  }
0x80: {  	[sflag:s19] =	ssyncadd.s32 $0xFFFFD800  }
0x81: {  	[spmem:s1] =	stream.indirect.scatter.add.f32 [tilespmem:s14], [sflag:$0xA], $0x80, s0, s10, $0xb8;
	[tilespmem:$0x1BB00] =	vst v63  }
0x82: {  	_ =	swait.ge [sflag:s28], $0x2800  }
0x83: {  	[sflag:s28] =	ssyncset.done $0x0  }
0x84: {  	s25 =	rddreg [dreg:$0x15];
	[sflag:s28] =	ssyncadd.s32 $0xFFFFD800  }
0x85: {  	[tilespmem:s31], [sflag:$0x3] =	stream.linear.gather [hbm4b:s25+s3], $0x50, $0x38;
	[tilespmem:$0x1BB00] =	vst v63  }
0x86: {  	s21 =	rddreg [dreg:$0x14]  }
0x87: {  	[tilespmem:s0], [sflag:$0x4] =	stream.linear.gather [hbm4b:s21+s3], $0x50, $0x38;
	[tilespmem:$0x1BB00] =	vst v63  }
0x88: {  	_ =	swait.ge [sflag:s8], $0x50  }
0x89: {  	[sflag:s8] =	ssyncset.done $0x0  }
0x8a: {  	[sflag:s8] =	ssyncadd.s32 $0xFFFFFFB0  }
0x8b: {  	_ =	swait.ge [sflag:s9], $0x50  }
0x8c: {  	[sflag:s9] =	ssyncset.done $0x0  }
0x8d: {  	[sflag:s9] =	ssyncadd.s32 $0xFFFFFFB0  }
0x8e: {  	[tilespmem:s26], [sflag:$0x7] =	stream.indirect.gather [hbm4b:s4+s10], $0x80, s29, s10, $0xb8;
	[tilespmem:$0x1BB00] =	vst v63  }
0x8f: {  	_ =	swait.ge [sflag:s20], $0x2800  }
0x90: {  	[sflag:s20] =	ssyncset.done $0x0  }
0x91: {  	s13 =	smin.u32 s13, $0x77;
	[sflag:s20] =	ssyncadd.s32 $0xFFFFD800  }
0x92: {  	[spmem:s1] =	stream.indirect.scatter.add.f32 [tilespmem:s17], [sflag:$0xA], $0x80, s7, s10, $0xb8;
	[tilespmem:$0x1BB00] =	vst v63  }
0x93: {  	s13 =	smul.u32 $0x50, s13;
	_ =	swait.ge [sflag:s28], $0x2800  }
0x94: {  	s23 =	rddreg [dreg:$0x3]  }
0x95: {  	s13 =	sadd.s32 s13, s23  }
0x96: {  	[sflag:s28] =	ssyncset.done $0x0;
	s13 =	sshrl.u32 s13, $0x3  }
0x97: {  	[sflag:s28] =	ssyncadd.s32 $0xFFFFD800;
	s23 =	sadd.s32 s5, s13  }
0x98: {  	[tilespmem:s2], [sflag:$0x5] =	stream.linear.gather [hbm4b:s23+s3], $0x50, $0x38;
	[tilespmem:$0x1BB00] =	vst v63  }
0x99: {  	s13 =	sadd.s32 s6, s13  }
0x9a: {  	[tilespmem:s7], [sflag:$0x6] =	stream.linear.gather [hbm4b:s13+s3], $0x50, $0x38;
	[tilespmem:$0x1BB00] =	vst v63  }
0x9b: {  	_ =	swait.ge [sflag:s11], $0x50  }
0x9c: {  	[sflag:s11] =	ssyncset.done $0x0  }
0x9d: {  	[sflag:s11] =	ssyncadd.s32 $0xFFFFFFB0  }
0x9e: {  	_ =	swait.ge [sflag:s12], $0x50  }
0x9f: {  	s22 =	simm.s32 $0x3;
	s25 =	sadd.s32 $0x1E, s25;
	[sflag:s12] =	ssyncset.done $0x0  }
0xa0: {  	s23 =	sadd.s32 $0xF0, s24;
	s24 =	sadd.s32 $0x1E, s21;
	[sflag:s12] =	ssyncadd.s32 $0xFFFFFFB0  }
.LBB2_4:
0xa1: {  	[tilespmem:s14], [sflag:$0x8] =	stream.indirect.gather [hbm4b:s4+s10], $0x80, s31, s10, $0xb8;
	[tilespmem:$0x1BB00] =	vst v63  }
0xa2: {  	_ =	swait.ge [sflag:s15], $0x50  }
0xa3: {  	[sflag:s15] =	ssyncset.done $0x0  }
0xa4: {  	[sflag:s15] =	ssyncadd.s32 $0xFFFFFFB0  }
0xa5: {  	_ =	swait.ge [sflag:s16], $0x50  }
0xa6: {  	[sflag:s16] =	ssyncset.done $0x0  }
0xa7: {  	[sflag:s16] =	ssyncadd.s32 $0xFFFFFFB0  }
0xa8: {  	[tilespmem:s17], [sflag:$0x9] =	stream.indirect.gather [hbm4b:s4+s10], $0x80, s2, s10, $0xb8;
	[tilespmem:$0x1BB00] =	vst v63  }
0xa9: {  	_ =	swait.ge [sflag:s18], $0x2800  }
0xaa: {  	[sflag:s18] =	ssyncset.done $0x0  }
0xab: {  	[sflag:s18] =	ssyncadd.s32 $0xFFFFD800  }
0xac: {  	[spmem:s1] =	stream.indirect.scatter.add.f32 [tilespmem:s26], [sflag:$0xA], $0x80, s30, s10, $0xb8;
	[tilespmem:$0x1BB00] =	vst v63  }
0xad: {  	_ =	swait.ge [sflag:s28], $0x2800  }
0xae: {  	s21 =	sshrl.u32 s23, $0x3;
	[sflag:s28] =	ssyncset.done $0x0  }
0xaf: {  	s26 =	sadd.s32 s5, s21;
	[sflag:s28] =	ssyncadd.s32 $0xFFFFD800  }
0xb0: {  	[tilespmem:s29], [sflag:$0x1] =	stream.linear.gather [hbm4b:s26+s3], $0x50, $0x38;
	[tilespmem:$0x1BB00] =	vst v63  }
0xb1: {  	s21 =	sadd.s32 s6, s21  }
0xb2: {  	[tilespmem:s30], [sflag:$0x2] =	stream.linear.gather [hbm4b:s21+s3], $0x50, $0x38;
	[tilespmem:$0x1BB00] =	vst v63  }
0xb3: {  	_ =	swait.ge [sflag:s19], $0x2800  }
0xb4: {  	[sflag:s19] =	ssyncset.done $0x0  }
0xb5: {  	[sflag:s19] =	ssyncadd.s32 $0xFFFFD800  }
0xb6: {  	[spmem:s1] =	stream.indirect.scatter.add.f32 [tilespmem:s14], [sflag:$0xA], $0x80, s0, s10, $0xb8;
	[tilespmem:$0x1BB00] =	vst v63  }
0xb7: {  	_ =	swait.ge [sflag:s28], $0x2800  }
0xb8: {  	[sflag:s28] =	ssyncset.done $0x0  }
0xb9: {  	[sflag:s28] =	ssyncadd.s32 $0xFFFFD800  }
0xba: {  	[tilespmem:s31], [sflag:$0x3] =	stream.linear.gather [hbm4b:s25+s3], $0x50, $0x38;
	[tilespmem:$0x1BB00] =	vst v63  }
0xbb: {  	_ = 	snop  }
0xbc: {  	[tilespmem:s0], [sflag:$0x4] =	stream.linear.gather [hbm4b:s24+s3], $0x50, $0x38;
	[tilespmem:$0x1BB00] =	vst v63  }
0xbd: {  	_ =	swait.ge [sflag:s8], $0x50  }
0xbe: {  	[sflag:s8] =	ssyncset.done $0x0  }
0xbf: {  	[sflag:s8] =	ssyncadd.s32 $0xFFFFFFB0  }
0xc0: {  	_ =	swait.ge [sflag:s9], $0x50  }
0xc1: {  	[sflag:s9] =	ssyncset.done $0x0  }
0xc2: {  	s26 =	simm.s32 $0x14300;
	[sflag:s9] =	ssyncadd.s32 $0xFFFFFFB0  }
0xc3: {  	[tilespmem:s26], [sflag:$0x7] =	stream.indirect.gather [hbm4b:s4+s10], $0x80, s29, s10, $0xb8;
	[tilespmem:$0x1BB00] =	vst v63  }
0xc4: {  	_ =	swait.ge [sflag:s20], $0x2800  }
0xc5: {  	s13 =	smov.u32 s22;
	[sflag:s20] =	ssyncset.done $0x0  }
0xc6: {  	s13 =	smin.u32 s13, $0x77;
	[sflag:s20] =	ssyncadd.s32 $0xFFFFD800  }
0xc7: {  	[spmem:s1] =	stream.indirect.scatter.add.f32 [tilespmem:s17], [sflag:$0xA], $0x80, s7, s10, $0xb8;
	[tilespmem:$0x1BB00] =	vst v63  }
0xc8: {  	s13 =	smul.u32 $0x50, s13;
	_ =	swait.ge [sflag:s28], $0x2800  }
0xc9: {  	s21 =	rddreg [dreg:$0x3]  }
0xca: {  	s13 =	sadd.s32 s13, s21  }
0xcb: {  	[sflag:s28] =	ssyncset.done $0x0;
	s13 =	sshrl.u32 s13, $0x3  }
0xcc: {  	[sflag:s28] =	ssyncadd.s32 $0xFFFFD800;
	s21 =	sadd.s32 s5, s13  }
0xcd: {  	[tilespmem:s2], [sflag:$0x5] =	stream.linear.gather [hbm4b:s21+s3], $0x50, $0x38;
	[tilespmem:$0x1BB00] =	vst v63  }
0xce: {  	s13 =	sadd.s32 s6, s13  }
0xcf: {  	[tilespmem:s7], [sflag:$0x6] =	stream.linear.gather [hbm4b:s13+s3], $0x50, $0x38;
	[tilespmem:$0x1BB00] =	vst v63  }
0xd0: {  	p0 =	sne.s32 s22, $0x78;
	_ =	swait.ge [sflag:s11], $0x50  }
.Ltmp1:
0xd1: {  	[sflag:s11] =	ssyncset.done $0x0;
	(pc) =	sbr.rel @p0 .LBB2_4-.Ltmp1, $4  }
0xd2: {  	[sflag:s11] =	ssyncadd.s32 $0xFFFFFFB0  }
0xd3: {  	_ =	swait.ge [sflag:s12], $0x50  }
0xd4: {  	s22 =	sadd.s32 $0x3, s22;
	s23 =	sadd.s32 $0xF0, s23;
	[sflag:s12] =	ssyncset.done $0x0  }
0xd5: {  	s25 =	sadd.s32 $0x1E, s25;
	s24 =	sadd.s32 $0x1E, s24;
	[sflag:s12] =	ssyncadd.s32 $0xFFFFFFB0  }
0xd6: {  	[tilespmem:s14], [sflag:$0x8] =	stream.indirect.gather [hbm4b:s4+s10], $0x80, s31, s10, $0xb8;
	[tilespmem:$0x1BB00] =	vst v63  }
0xd7: {  	_ =	swait.ge [sflag:s18], $0x2800  }
0xd8: {  	[sflag:s18] =	ssyncset.done $0x0  }
0xd9: {  	[sflag:s18] =	ssyncadd.s32 $0xFFFFD800  }
0xda: {  	[spmem:s1] =	stream.indirect.scatter.add.f32 [tilespmem:s26], [sflag:$0xA], $0x80, s30, s10, $0xb8;
	[tilespmem:$0x1BB00] =	vst v63  }
0xdb: {  	_ =	swait.ge [sflag:s28], $0x2800  }
0xdc: {  	[sflag:s28] =	ssyncset.done $0x0  }
0xdd: {  	[sflag:s28] =	ssyncadd.s32 $0xFFFFD800  }
0xde: {  	_ =	swait.ge [sflag:s19], $0x2800  }
0xdf: {  	[sflag:s19] =	ssyncset.done $0x0  }
0xe0: {  	[sflag:s19] =	ssyncadd.s32 $0xFFFFD800  }
0xe1: {  	[spmem:s1] =	stream.indirect.scatter.add.f32 [tilespmem:s14], [sflag:$0xA], $0x80, s0, s10, $0xb8;
	[tilespmem:$0x1BB00] =	vst v63  }
0xe2: {  	_ =	swait.ge [sflag:s28], $0x2800  }
0xe3: {  	[sflag:s28] =	ssyncset.done $0x0  }
0xe4: {  	[sflag:s28] =	ssyncadd.s32 $0xFFFFD800  }
0xe5: {  	_ =	swait.ge [sflag:s15], $0x50  }
0xe6: {  	[sflag:s15] =	ssyncset.done $0x0  }
0xe7: {  	[sflag:s15] =	ssyncadd.s32 $0xFFFFFFB0  }
0xe8: {  	_ =	swait.ge [sflag:s16], $0x50  }
0xe9: {  	[sflag:s16] =	ssyncset.done $0x0  }
0xea: {  	[sflag:s16] =	ssyncadd.s32 $0xFFFFFFB0  }
0xeb: {  	s13 =	stileid.u32;
	[bflag:$0x0] =	sbarrier.arrive $0xFFFF  }
0xec: {  	s13 =	sshll.u32 s13, $0x6;
	s23 =	rddreg [dreg:$0xa]  }
0xed: {  	s13 =	sor.u32 $0x1C0A, s13;
	s22 =	rddreg [dreg:$0xb];
	s21 =	sshrl.u32 s23, $0x3  }
0xee: {  	[hbm:s22], [sflag:s13] =	dma.local [spmem:s21], $0x2800  }
0xef: {  	_ =	swait.ge [sflag:s28], $0x2800  }
0xf0: {  	s24 =	rddreg [dreg:$0x17]  }
0xf1: {  	s25 =	rddreg [dreg:$0xc];
	s21 =	sadd.s32 $0x1, s24  }
0xf2: {  	p0 =	sne.s32 s21, s25  }
.Ltmp2:
0xf3: {  	_ = 	snop;
	(pc) =	sbr.rel @p0 .LBB2_1-.Ltmp2, $3  }
0xf4: {  	_ =	sdelay $0x1  }
0xf5: {  	[sflag:s28] =	ssyncset.done $0x0  }
0xf6: {  	[sflag:s28] =	ssyncadd.s32 $0xFFFFD800  }
0xf7: {  	_ =	sfence.sel $0x180000  }
0xf8: {  	[bflag:$0x0] =	sbarrier.arrive $0xFFFF  }
0xf9: {  	_ =	strace $0x90000050  }
0xfa: {  	s0 =	stileid.u32;
	[bflag:$0x2] =	sbarrier.arrive $0xFFFF  }
0xfb: {  	p0 =	sne.s32 s0, $0x0;
	s0 =	rddreg [dreg:$0x2]  }
0xfc: {  	s0 =	sadd.s32 @!p0 $0x100000, s0  }
0xfd: {  	[sflag:s0] =	ssyncadd.tile.s32 @!p0 $0x1;
	_ =	shalt  }
.Lfunc_end2:
_tile_overlayer_lowered:
.L_overlay_start_2:
0xfe: {  	(tag) =	ssettag $0x2  }
0xff: {  	s0 =	rddreg [dreg:$0x0];
	s2 =	stileid.u32  }
0x100: {  	s1 =	rddreg [dreg:$0x1];
	p0 =	sne.s32 s2, $0x0  }
0x101: {  	s3 =	rddreg [dreg:$0x2];
	[bflag:$0x3] =	sbarrier.arrive $0xFFFF;
	s2 =	simm.s32 @!p0 $0x1C0A  }
0x102: {  	[timem:s3], [sflag:s2] =	dma.local @!p0 [hbm:s0], s1  }
0x103: {  	s0 =	simm.s32 @!p0 $0xA  }
0x104: {  	_ =	swait.ge @!p0 [sflag:s0], s1  }
0x105: {  	s1 =	ssub.s32 @!p0 $0x0, s1;
	[sflag:s0] =	ssyncset.done @!p0 $0x0  }
0x106: {  	[sflag:s0] =	ssyncadd.s32 @!p0 s1  }
0x107: {  	[bflag:$0x3] =	sbarrier.arrive $0xFFFF  }
0x108: {  	_ =	shalt  }

</sc_bundles>
